<compile_context>
chip_gen: v7x
topology: tpu7x:2x2x1
jax: 0.10.2.dev20260603
libtpu: 0.0.44.dev20260713+nightly
codegen_flags: <defaults>
</compile_context>

<pallas_src>
import dataclasses
import jax
import jax.numpy as jnp
from jax.experimental import pallas as pl
from jax.experimental.pallas import tpu as pltpu
from jax.experimental.pallas import tpu_sc as plsc


def _sc_iwt(x_LL, x_LH, x_HL, x_HH):
    n, h, w = x_LL.shape
    hh_blk = h // 2
    nchunk = w // 16

    mesh = plsc.VectorSubcoreMesh(core_axis_name="core",
                                  subcore_axis_name="subcore")
    cp = dataclasses.replace(pltpu.CompilerParams(),
                             needs_layout_passes=False)

    @pl.kernel(out_type=jax.ShapeDtypeStruct((n, 2 * h, 2 * w), x_LL.dtype),
               mesh=mesh, compiler_params=cp)
    def sc_kernel(ll_hbm, lh_hbm, hl_hbm, hh_hbm, o_hbm):
        def body(ll_ref, lh_ref, hl_ref, hh_ref, out_ref):
            lane2 = jax.lax.iota(jnp.int32, 16) * 2
            zero16 = jnp.zeros((16,), jnp.int32)
            out2 = out_ref.at[0]

            @plsc.parallel_loop(0, hh_blk, 1, unroll=4)
            def _(hi):
                re = zero16 + 2 * hi
                ro = re + 1
                for ci in range(nchunk):
                    sl = (0, hi, pl.ds(ci * 16, 16))
                    ll = ll_ref[sl]
                    lh = lh_ref[sl]
                    hl = hl_ref[sl]
                    hh = hh_ref[sl]
                    p = (ll - hl) * 0.5
                    q = (lh - hh) * 0.5
                    r = (ll + hl) * 0.5
                    s = (lh + hh) * 0.5
                    ce = lane2 + 32 * ci
                    co = ce + 1
                    plsc.store_scatter(out2, [re, ce], p - q)
                    plsc.store_scatter(out2, [re, co], r - s)
                    plsc.store_scatter(out2, [ro, ce], p + q)
                    plsc.store_scatter(out2, [ro, co], r + s)

        pltpu.emit_pipeline(
            body,
            grid=(n, 2),
            in_specs=[pl.BlockSpec((1, hh_blk, w), lambda i, j: (i, j, 0))] * 4,
            out_specs=[pl.BlockSpec((1, h, 2 * w), lambda i, j: (i, j, 0))],
            core_axis_name=("core", "subcore"),
            dimension_semantics=(pltpu.PARALLEL, pltpu.PARALLEL),
        )(ll_hbm, lh_hbm, hl_hbm, hh_hbm, o_hbm)

    return sc_kernel(x_LL, x_LH, x_HL, x_HH)


def kernel(x_LL, x_LH, x_HL, x_HH):
    b, c, d, h, w = x_LL.shape
    n = b * c * d
    flat = lambda x: x.reshape(n, h, w)
    out = _sc_iwt(flat(x_LL), flat(x_LH), flat(x_HL), flat(x_HH))
    return out.reshape(b, c, d, 2 * h, 2 * w)

# --- scband reference (transcript-rebuilt; emitter-appended) ---
"""Pipeline reference for scband-iwt3d-83064667504855 (READ-ONLY COPY).

The authoritative reference and input builder live on the scoring server;
editing this copy changes nothing except your own understanding.
"""

import jax, jax.numpy as jnp
import numpy as np


def setup_inputs(seed: int = 0) -> dict:
    key = jax.random.key(seed)
    k1, k2, k3, k4 = jax.random.split(key, 4)
    shape = (2, 96, 8, 96, 96)
    return {
        "x_LL": jax.random.normal(k1, shape, dtype=jnp.float32),
        "x_LH": jax.random.normal(k2, shape, dtype=jnp.float32),
        "x_HL": jax.random.normal(k3, shape, dtype=jnp.float32),
        "x_HH": jax.random.normal(k4, shape, dtype=jnp.float32),
    }


def reference(x_LL, x_LH, x_HL, x_HH):
    x1 = (x_LL - x_HL - x_LH + x_HH) / 2
    x2 = (x_LL - x_HL + x_LH - x_HH) / 2
    x3 = (x_LL + x_HL - x_LH - x_HH) / 2
    x4 = (x_LL + x_HL + x_LH + x_HH) / 2
    batch, channel, depth, height, width = x_LL.shape
    x_recon = jnp.zeros((batch, channel, depth, height * 2, width * 2), dtype=x_LL.dtype)
    x_recon = x_recon.at[:, :, :, 0::2, 0::2].set(x1)
    x_recon = x_recon.at[:, :, :, 1::2, 0::2].set(x2)
    x_recon = x_recon.at[:, :, :, 0::2, 1::2].set(x3)
    x_recon = x_recon.at[:, :, :, 1::2, 1::2].set(x4)
    return x_recon

if __name__ == "__main__":
    import jax
    _d = setup_inputs()
    print(jax.jit(kernel)(*tuple(_d.values())))

</pallas_src>

<mosaic_0001>
#map = affine_map<(d0, d1) -> (0, 0, 0)>
module attributes {stable_mosaic.version = 14 : i64} {
  func.func @sc_kernel(%arg0: i32, %arg1: i32, %arg2: memref<1536x96x96xf32, #tpu.memory_space<hbm>>, %arg3: memref<1536x96x96xf32, #tpu.memory_space<hbm>>, %arg4: memref<1536x96x96xf32, #tpu.memory_space<hbm>>, %arg5: memref<1536x96x96xf32, #tpu.memory_space<hbm>>, %arg6: memref<1536x192x192xf32, #tpu.memory_space<hbm>>) attributes {dimension_semantics = [#tpu.dimension_semantics<core_parallel>, #tpu.dimension_semantics<subcore_parallel>], iteration_bounds = array<i64: 2, 16>, scalar_prefetch = 0 : i64, scratch_operands = 0 : i64, tpu.core_type = #tpu.core_type<sc_vector_subcore>, window_params = [{transform_indices = #map}, {transform_indices = #map}, {transform_indices = #map}, {transform_indices = #map}, {transform_indices = #map}]} {
    %mul3A = arith.constant 1 : i32
    %mul3A_0 = arith.muli %arg1, %mul3A : i32
    %add3A = arith.constant 0 : i32
    %add3A_1 = arith.addi %add3A, %mul3A_0 : i32
    %mul3A_2 = arith.constant 16 : i32
    %mul3A_3 = arith.muli %arg0, %mul3A_2 : i32
    %add3A_4 = arith.addi %add3A_1, %mul3A_3 : i32
    %mul3A_5 = arith.constant 48 : i32
    %mul3A_6 = arith.muli %add3A_4, %mul3A_5 : i32
    "tpu.region"() ({
      %run_scoped3A = memref.alloca() : memref<2x1x48x96xf32, #tpu.memory_space<vmem>>
      %run_scoped3A_7 = tpu.sem_alloc : memref<2x!tpu.dma_semaphore, #tpu.memory_space<semaphore_mem>>
      %run_scoped3A_8 = memref.alloca() : memref<2x1x48x96xf32, #tpu.memory_space<vmem>>
      %run_scoped3A_9 = tpu.sem_alloc : memref<2x!tpu.dma_semaphore, #tpu.memory_space<semaphore_mem>>
      %run_scoped3A_10 = memref.alloca() : memref<2x1x48x96xf32, #tpu.memory_space<vmem>>
      %run_scoped3A_11 = tpu.sem_alloc : memref<2x!tpu.dma_semaphore, #tpu.memory_space<semaphore_mem>>
      %run_scoped3A_12 = memref.alloca() : memref<2x1x48x96xf32, #tpu.memory_space<vmem>>
      %run_scoped3A_13 = tpu.sem_alloc : memref<2x!tpu.dma_semaphore, #tpu.memory_space<semaphore_mem>>
      %run_scoped3A_14 = memref.alloca() : memref<2x1x96x192xf32, #tpu.memory_space<vmem>>
      %run_scoped3A_15 = tpu.sem_alloc : memref<2x!tpu.dma_semaphore, #tpu.memory_space<semaphore_mem>>
      %add3A_16 = arith.constant 0 : i32
      %add3A_17 = arith.addi %add3A_16, %mul3A_6 : i32
      %select_n3A = arith.constant true
      %select_n3A_18 = arith.constant 0 : i32
      %select_n3A_19 = arith.constant -1 : i32
      %select_n3A_20 = arith.select %select_n3A, %select_n3A_19, %select_n3A_18 : i32
      %eq3A = arith.constant -1 : i32
      %eq3A_21 = arith.cmpi eq, %select_n3A_20, %eq3A : i32
      %select_n3A_22 = arith.constant 1 : i32
      %select_n3A_23 = arith.select %eq3A_21, %select_n3A_22, %select_n3A_20 : i32
      %select_n3A_24 = arith.constant 0 : i32
      %select_n3A_25 = arith.constant -1 : i32
      %select_n3A_26 = arith.select %eq3A_21, %select_n3A_25, %select_n3A_24 : i32
      %eq3A_27 = arith.constant -1 : i32
      %eq3A_28 = arith.cmpi eq, %select_n3A_26, %eq3A_27 : i32
      %select_n3A_29 = arith.constant 47 : i32
      %select_n3A_30 = arith.select %eq3A_28, %select_n3A_29, %select_n3A_26 : i32
      %add3A_31 = arith.addi %select_n3A_30, %mul3A_6 : i32
      %add3A_32 = arith.constant 0 : i32
      %add3A_33 = arith.addi %select_n3A_23, %add3A_32 : i32
      %select_n3A_34 = arith.constant true
      %select_n3A_35 = arith.constant 0 : i32
      %select_n3A_36 = arith.constant 1 : i32
      %select_n3A_37 = arith.select %select_n3A_34, %select_n3A_36, %select_n3A_35 : i32
      %eq3A_38 = arith.constant 2 : i32
      %eq3A_39 = arith.cmpi eq, %select_n3A_37, %eq3A_38 : i32
      %select_n3A_40 = arith.constant 0 : i32
      %select_n3A_41 = arith.select %eq3A_39, %select_n3A_40, %select_n3A_37 : i32
      %select_n3A_42 = arith.constant 0 : i32
      %select_n3A_43 = arith.constant 1 : i32
      %select_n3A_44 = arith.select %eq3A_39, %select_n3A_43, %select_n3A_42 : i32
      %eq3A_45 = arith.constant 48 : i32
      %eq3A_46 = arith.cmpi eq, %select_n3A_44, %eq3A_45 : i32
      %select_n3A_47 = arith.constant 0 : i32
      %select_n3A_48 = arith.select %eq3A_46, %select_n3A_47, %select_n3A_44 : i32
      %add3A_49 = arith.addi %select_n3A_48, %mul3A_6 : i32
      %add3A_50 = arith.constant 0 : i32
      %add3A_51 = arith.addi %select_n3A_41, %add3A_50 : i32
      %add3A_52 = arith.constant 1 : i32
      %add3A_53 = arith.addi %select_n3A_41, %add3A_52 : i32
      %select_n3A_54 = arith.constant true
      %select_n3A_55 = arith.select %select_n3A_54, %add3A_53, %select_n3A_41 : i32
      %eq3A_56 = arith.constant 2 : i32
      %eq3A_57 = arith.cmpi eq, %select_n3A_55, %eq3A_56 : i32
      %select_n3A_58 = arith.constant 0 : i32
      %select_n3A_59 = arith.select %eq3A_57, %select_n3A_58, %select_n3A_55 : i32
      %add3A_60 = arith.constant 1 : i32
      %add3A_61 = arith.addi %select_n3A_48, %add3A_60 : i32
      %select_n3A_62 = arith.select %eq3A_57, %add3A_61, %select_n3A_48 : i32
      %eq3A_63 = arith.constant 48 : i32
      %eq3A_64 = arith.cmpi eq, %select_n3A_62, %eq3A_63 : i32
      %select_n3A_65 = arith.constant 0 : i32
      %select_n3A_66 = arith.select %eq3A_64, %select_n3A_65, %select_n3A_62 : i32
      %add3A_67 = arith.addi %select_n3A_66, %mul3A_6 : i32
      %add3A_68 = arith.constant 0 : i32
      %add3A_69 = arith.addi %select_n3A_59, %add3A_68 : i32
      "tpu.trace_start"() <{level = 10 : i32, message = "ep_initialize_0"}> : () -> ()
      %rem3A = arith.constant 0 : i32
      %rem3A_70 = arith.constant 2 : i32
      %rem3A_71 = arith.remui %rem3A, %rem3A_70 : i32
      %mul3A_72 = arith.constant 1 : i32
      %mul3A_73 = arith.muli %mul3A_72, %add3A_17 : i32
      %dma_start3A = arith.constant 0 : i32
      %dma_start3A_74 = arith.constant 0 : i32
      %dma_start3A_75 = arith.constant 0 : i32
      %dma_start3A_76 = tpu.memref_slice %run_scoped3A[%rem3A_71, %dma_start3A, %dma_start3A_74, %dma_start3A_75] : memref<2x1x48x96xf32, #tpu.memory_space<vmem>> -> memref<1x1x48x96xf32, #tpu.memory_space<vmem>>
      %dma_start3A_77 = tpu.memref_squeeze %dma_start3A_76 : memref<1x1x48x96xf32, #tpu.memory_space<vmem>> -> memref<1x48x96xf32, #tpu.memory_space<vmem>>
      %dma_start3A_78 = arith.constant 0 : i32
      %dma_start3A_79 = arith.constant 0 : i32
      %dma_start3A_80 = tpu.memref_slice %arg2[%mul3A_73, %dma_start3A_78, %dma_start3A_79] : memref<1536x96x96xf32, #tpu.memory_space<hbm>> -> memref<1x48x96xf32, #tpu.memory_space<hbm>>
      %dma_start3A_81 = tpu.memref_slice %run_scoped3A_7[%rem3A_71] : memref<2x!tpu.dma_semaphore, #tpu.memory_space<semaphore_mem>> -> memref<1x!tpu.dma_semaphore, #tpu.memory_space<semaphore_mem>>
      %dma_start3A_82 = tpu.memref_squeeze %dma_start3A_81 : memref<1x!tpu.dma_semaphore, #tpu.memory_space<semaphore_mem>> -> memref<!tpu.dma_semaphore, #tpu.memory_space<semaphore_mem>>
      %dma_start3A_83 = arith.constant 0 : i32
      %dma_start3A_84 = arith.constant 0 : i32
      %dma_start3A_85 = arith.constant 0 : i32
      %dma_start3A_86 = tpu.memref_slice %run_scoped3A[%rem3A_71, %dma_start3A_83, %dma_start3A_84, %dma_start3A_85] : memref<2x1x48x96xf32, #tpu.memory_space<vmem>> -> memref<1x1x48x96xf32, #tpu.memory_space<vmem>>
      %dma_start3A_87 = tpu.memref_squeeze %dma_start3A_86 : memref<1x1x48x96xf32, #tpu.memory_space<vmem>> -> memref<1x48x96xf32, #tpu.memory_space<vmem>>
      %dma_start3A_88 = arith.constant 0 : i32
      %dma_start3A_89 = arith.constant 0 : i32
      %dma_start3A_90 = tpu.memref_slice %arg2[%mul3A_73, %dma_start3A_88, %dma_start3A_89] : memref<1536x96x96xf32, #tpu.memory_space<hbm>> -> memref<1x48x96xf32, #tpu.memory_space<hbm>>
      tpu.enqueue_dma source(%dma_start3A_90 : memref<1x48x96xf32, #tpu.memory_space<hbm>>) target(%dma_start3A_87 : memref<1x48x96xf32, #tpu.memory_space<vmem>>) target_semaphore(%dma_start3A_82 : memref<!tpu.dma_semaphore, #tpu.memory_space<semaphore_mem>>)
      %add3A_91 = arith.constant 0 : i32
      %add3A_92 = arith.constant 1 : i32
      %add3A_93 = arith.addi %add3A_91, %add3A_92 : i32
      %select_n3A_94 = arith.constant true
      %select_n3A_95 = arith.constant 0 : i32
      %select_n3A_96 = arith.select %select_n3A_94, %add3A_93, %select_n3A_95 : i32
      %rem3A_97 = arith.constant 0 : i32
      %rem3A_98 = arith.constant 2 : i32
      %rem3A_99 = arith.remui %rem3A_97, %rem3A_98 : i32
      %mul3A_100 = arith.constant 1 : i32
      %mul3A_101 = arith.muli %mul3A_100, %add3A_17 : i32
      %dma_start3A_102 = arith.constant 0 : i32
      %dma_start3A_103 = arith.constant 0 : i32
      %dma_start3A_104 = arith.constant 0 : i32
      %dma_start3A_105 = tpu.memref_slice %run_scoped3A_8[%rem3A_99, %dma_start3A_102, %dma_start3A_103, %dma_start3A_104] : memref<2x1x48x96xf32, #tpu.memory_space<vmem>> -> memref<1x1x48x96xf32, #tpu.memory_space<vmem>>
      %dma_start3A_106 = tpu.memref_squeeze %dma_start3A_105 : memref<1x1x48x96xf32, #tpu.memory_space<vmem>> -> memref<1x48x96xf32, #tpu.memory_space<vmem>>
      %dma_start3A_107 = arith.constant 0 : i32
      %dma_start3A_108 = arith.constant 0 : i32
      %dma_start3A_109 = tpu.memref_slice %arg3[%mul3A_101, %dma_start3A_107, %dma_start3A_108] : memref<1536x96x96xf32, #tpu.memory_space<hbm>> -> memref<1x48x96xf32, #tpu.memory_space<hbm>>
      %dma_start3A_110 = tpu.memref_slice %run_scoped3A_9[%rem3A_99] : memref<2x!tpu.dma_semaphore, #tpu.memory_space<semaphore_mem>> -> memref<1x!tpu.dma_semaphore, #tpu.memory_space<semaphore_mem>>
      %dma_start3A_111 = tpu.memref_squeeze %dma_start3A_110 : memref<1x!tpu.dma_semaphore, #tpu.memory_space<semaphore_mem>> -> memref<!tpu.dma_semaphore, #tpu.memory_space<semaphore_mem>>
      %dma_start3A_112 = arith.constant 0 : i32
      %dma_start3A_113 = arith.constant 0 : i32
      %dma_start3A_114 = arith.constant 0 : i32
      %dma_start3A_115 = tpu.memref_slice %run_scoped3A_8[%rem3A_99, %dma_start3A_112, %dma_start3A_113, %dma_start3A_114] : memref<2x1x48x96xf32, #tpu.memory_space<vmem>> -> memref<1x1x48x96xf32, #tpu.memory_space<vmem>>
      %dma_start3A_116 = tpu.memref_squeeze %dma_start3A_115 : memref<1x1x48x96xf32, #tpu.memory_space<vmem>> -> memref<1x48x96xf32, #tpu.memory_space<vmem>>
      %dma_start3A_117 = arith.constant 0 : i32
      %dma_start3A_118 = arith.constant 0 : i32
      %dma_start3A_119 = tpu.memref_slice %arg3[%mul3A_101, %dma_start3A_117, %dma_start3A_118] : memref<1536x96x96xf32, #tpu.memory_space<hbm>> -> memref<1x48x96xf32, #tpu.memory_space<hbm>>
      tpu.enqueue_dma source(%dma_start3A_119 : memref<1x48x96xf32, #tpu.memory_space<hbm>>) target(%dma_start3A_116 : memref<1x48x96xf32, #tpu.memory_space<vmem>>) target_semaphore(%dma_start3A_111 : memref<!tpu.dma_semaphore, #tpu.memory_space<semaphore_mem>>)
      %add3A_120 = arith.constant 0 : i32
      %add3A_121 = arith.constant 1 : i32
      %add3A_122 = arith.addi %add3A_120, %add3A_121 : i32
      %select_n3A_123 = arith.constant true
      %select_n3A_124 = arith.constant 0 : i32
      %select_n3A_125 = arith.select %select_n3A_123, %add3A_122, %select_n3A_124 : i32
      %rem3A_126 = arith.constant 0 : i32
      %rem3A_127 = arith.constant 2 : i32
      %rem3A_128 = arith.remui %rem3A_126, %rem3A_127 : i32
      %mul3A_129 = arith.constant 1 : i32
      %mul3A_130 = arith.muli %mul3A_129, %add3A_17 : i32
      %dma_start3A_131 = arith.constant 0 : i32
      %dma_start3A_132 = arith.constant 0 : i32
      %dma_start3A_133 = arith.constant 0 : i32
      %dma_start3A_134 = tpu.memref_slice %run_scoped3A_10[%rem3A_128, %dma_start3A_131, %dma_start3A_132, %dma_start3A_133] : memref<2x1x48x96xf32, #tpu.memory_space<vmem>> -> memref<1x1x48x96xf32, #tpu.memory_space<vmem>>
      %dma_start3A_135 = tpu.memref_squeeze %dma_start3A_134 : memref<1x1x48x96xf32, #tpu.memory_space<vmem>> -> memref<1x48x96xf32, #tpu.memory_space<vmem>>
      %dma_start3A_136 = arith.constant 0 : i32
      %dma_start3A_137 = arith.constant 0 : i32
      %dma_start3A_138 = tpu.memref_slice %arg4[%mul3A_130, %dma_start3A_136, %dma_start3A_137] : memref<1536x96x96xf32, #tpu.memory_space<hbm>> -> memref<1x48x96xf32, #tpu.memory_space<hbm>>
      %dma_start3A_139 = tpu.memref_slice %run_scoped3A_11[%rem3A_128] : memref<2x!tpu.dma_semaphore, #tpu.memory_space<semaphore_mem>> -> memref<1x!tpu.dma_semaphore, #tpu.memory_space<semaphore_mem>>
      %dma_start3A_140 = tpu.memref_squeeze %dma_start3A_139 : memref<1x!tpu.dma_semaphore, #tpu.memory_space<semaphore_mem>> -> memref<!tpu.dma_semaphore, #tpu.memory_space<semaphore_mem>>
      %dma_start3A_141 = arith.constant 0 : i32
      %dma_start3A_142 = arith.constant 0 : i32
      %dma_start3A_143 = arith.constant 0 : i32
      %dma_start3A_144 = tpu.memref_slice %run_scoped3A_10[%rem3A_128, %dma_start3A_141, %dma_start3A_142, %dma_start3A_143] : memref<2x1x48x96xf32, #tpu.memory_space<vmem>> -> memref<1x1x48x96xf32, #tpu.memory_space<vmem>>
      %dma_start3A_145 = tpu.memref_squeeze %dma_start3A_144 : memref<1x1x48x96xf32, #tpu.memory_space<vmem>> -> memref<1x48x96xf32, #tpu.memory_space<vmem>>
      %dma_start3A_146 = arith.constant 0 : i32
      %dma_start3A_147 = arith.constant 0 : i32
      %dma_start3A_148 = tpu.memref_slice %arg4[%mul3A_130, %dma_start3A_146, %dma_start3A_147] : memref<1536x96x96xf32, #tpu.memory_space<hbm>> -> memref<1x48x96xf32, #tpu.memory_space<hbm>>
      tpu.enqueue_dma source(%dma_start3A_148 : memref<1x48x96xf32, #tpu.memory_space<hbm>>) target(%dma_start3A_145 : memref<1x48x96xf32, #tpu.memory_space<vmem>>) target_semaphore(%dma_start3A_140 : memref<!tpu.dma_semaphore, #tpu.memory_space<semaphore_mem>>)
      %add3A_149 = arith.constant 0 : i32
      %add3A_150 = arith.constant 1 : i32
      %add3A_151 = arith.addi %add3A_149, %add3A_150 : i32
      %select_n3A_152 = arith.constant true
      %select_n3A_153 = arith.constant 0 : i32
      %select_n3A_154 = arith.select %select_n3A_152, %add3A_151, %select_n3A_153 : i32
      %rem3A_155 = arith.constant 0 : i32
      %rem3A_156 = arith.constant 2 : i32
      %rem3A_157 = arith.remui %rem3A_155, %rem3A_156 : i32
      %mul3A_158 = arith.constant 1 : i32
      %mul3A_159 = arith.muli %mul3A_158, %add3A_17 : i32
      %dma_start3A_160 = arith.constant 0 : i32
      %dma_start3A_161 = arith.constant 0 : i32
      %dma_start3A_162 = arith.constant 0 : i32
      %dma_start3A_163 = tpu.memref_slice %run_scoped3A_12[%rem3A_157, %dma_start3A_160, %dma_start3A_161, %dma_start3A_162] : memref<2x1x48x96xf32, #tpu.memory_space<vmem>> -> memref<1x1x48x96xf32, #tpu.memory_space<vmem>>
      %dma_start3A_164 = tpu.memref_squeeze %dma_start3A_163 : memref<1x1x48x96xf32, #tpu.memory_space<vmem>> -> memref<1x48x96xf32, #tpu.memory_space<vmem>>
      %dma_start3A_165 = arith.constant 0 : i32
      %dma_start3A_166 = arith.constant 0 : i32
      %dma_start3A_167 = tpu.memref_slice %arg5[%mul3A_159, %dma_start3A_165, %dma_start3A_166] : memref<1536x96x96xf32, #tpu.memory_space<hbm>> -> memref<1x48x96xf32, #tpu.memory_space<hbm>>
      %dma_start3A_168 = tpu.memref_slice %run_scoped3A_13[%rem3A_157] : memref<2x!tpu.dma_semaphore, #tpu.memory_space<semaphore_mem>> -> memref<1x!tpu.dma_semaphore, #tpu.memory_space<semaphore_mem>>
      %dma_start3A_169 = tpu.memref_squeeze %dma_start3A_168 : memref<1x!tpu.dma_semaphore, #tpu.memory_space<semaphore_mem>> -> memref<!tpu.dma_semaphore, #tpu.memory_space<semaphore_mem>>
      %dma_start3A_170 = arith.constant 0 : i32
      %dma_start3A_171 = arith.constant 0 : i32
      %dma_start3A_172 = arith.constant 0 : i32
      %dma_start3A_173 = tpu.memref_slice %run_scoped3A_12[%rem3A_157, %dma_start3A_170, %dma_start3A_171, %dma_start3A_172] : memref<2x1x48x96xf32, #tpu.memory_space<vmem>> -> memref<1x1x48x96xf32, #tpu.memory_space<vmem>>
      %dma_start3A_174 = tpu.memref_squeeze %dma_start3A_173 : memref<1x1x48x96xf32, #tpu.memory_space<vmem>> -> memref<1x48x96xf32, #tpu.memory_space<vmem>>
      %dma_start3A_175 = arith.constant 0 : i32
      %dma_start3A_176 = arith.constant 0 : i32
      %dma_start3A_177 = tpu.memref_slice %arg5[%mul3A_159, %dma_start3A_175, %dma_start3A_176] : memref<1536x96x96xf32, #tpu.memory_space<hbm>> -> memref<1x48x96xf32, #tpu.memory_space<hbm>>
      tpu.enqueue_dma source(%dma_start3A_177 : memref<1x48x96xf32, #tpu.memory_space<hbm>>) target(%dma_start3A_174 : memref<1x48x96xf32, #tpu.memory_space<vmem>>) target_semaphore(%dma_start3A_169 : memref<!tpu.dma_semaphore, #tpu.memory_space<semaphore_mem>>)
      %add3A_178 = arith.constant 0 : i32
      %add3A_179 = arith.constant 1 : i32
      %add3A_180 = arith.addi %add3A_178, %add3A_179 : i32
      %select_n3A_181 = arith.constant true
      %select_n3A_182 = arith.constant 0 : i32
      %select_n3A_183 = arith.select %select_n3A_181, %add3A_180, %select_n3A_182 : i32
      "tpu.trace_stop"() : () -> ()
      %scan3A = arith.constant 0 : i32
      %scan3A_184 = arith.constant 0 : i32
      %scan3A_185 = arith.constant 0 : i32
      %scan3A_186 = arith.constant 0 : i32
      %scan3A_187 = arith.constant 0 : i32
      %scan3A_188 = arith.constant 0 : i32
      %scan3A_189 = arith.constant 0 : i32
      %scan3A_190 = arith.constant 0 : i32
      %scan3A_191 = arith.constant 0 : i32
      %scan3A_192 = arith.constant 96 : i32
      %scan3A_193 = arith.addi %scan3A_191, %scan3A_192 : i32
      %scan3A_194 = arith.constant 1 : i32
      %scan3A_195:12 = scf.for %scan3A_289 = %scan3A_191 to %scan3A_193 step %scan3A_194 iter_args(%scan3A_290 = %select_n3A_96, %scan3A_291 = %scan3A, %scan3A_292 = %select_n3A_125, %scan3A_293 = %scan3A_184, %scan3A_294 = %select_n3A_154, %scan3A_295 = %scan3A_185, %scan3A_296 = %select_n3A_183, %scan3A_297 = %scan3A_186, %scan3A_298 = %scan3A_187, %scan3A_299 = %scan3A_188, %scan3A_300 = %scan3A_189, %scan3A_301 = %scan3A_190) -> (i32, i32, i32, i32, i32, i32, i32, i32, i32, i32, i32, i32)  : i32 {
        %eq3A_302 = arith.constant 0 : i32
        %eq3A_303 = arith.cmpi eq, %scan3A_289, %eq3A_302 : i32
        %eq3A_304 = arith.constant 95 : i32
        %eq3A_305 = arith.cmpi eq, %scan3A_289, %eq3A_304 : i32
        %add3A_306 = arith.addi %scan3A_300, %mul3A_6 : i32
        %add3A_307 = arith.constant 0 : i32
        %add3A_308 = arith.addi %scan3A_301, %add3A_307 : i32
        %sub3A_309 = arith.constant 1 : i32
        %sub3A_310 = arith.subi %scan3A_301, %sub3A_309 : i32
        %select_n3A_311 = arith.constant true
        %select_n3A_312 = arith.select %select_n3A_311, %sub3A_310, %scan3A_301 : i32
        %eq3A_313 = arith.constant -1 : i32
        %eq3A_314 = arith.cmpi eq, %select_n3A_312, %eq3A_313 : i32
        %select_n3A_315 = arith.constant 1 : i32
        %select_n3A_316 = arith.select %eq3A_314, %select_n3A_315, %select_n3A_312 : i32
        %sub3A_317 = arith.constant 1 : i32
        %sub3A_318 = arith.subi %scan3A_300, %sub3A_317 : i32
        %select_n3A_319 = arith.select %eq3A_314, %sub3A_318, %scan3A_300 : i32
        %eq3A_320 = arith.constant -1 : i32
        %eq3A_321 = arith.cmpi eq, %select_n3A_319, %eq3A_320 : i32
        %select_n3A_322 = arith.constant 47 : i32
        %select_n3A_323 = arith.select %eq3A_321, %select_n3A_322, %select_n3A_319 : i32
        %add3A_324 = arith.addi %select_n3A_323, %mul3A_6 : i32
        %add3A_325 = arith.constant 0 : i32
        %add3A_326 = arith.addi %select_n3A_316, %add3A_325 : i32
        %add3A_327 = arith.constant 1 : i32
        %add3A_328 = arith.addi %scan3A_301, %add3A_327 : i32
        %select_n3A_329 = arith.constant true
        %select_n3A_330 = arith.select %select_n3A_329, %add3A_328, %scan3A_301 : i32
        %eq3A_331 = arith.constant 2 : i32
        %eq3A_332 = arith.cmpi eq, %select_n3A_330, %eq3A_331 : i32
        %select_n3A_333 = arith.constant 0 : i32
        %select_n3A_334 = arith.select %eq3A_332, %select_n3A_333, %select_n3A_330 : i32
        %add3A_335 = arith.constant 1 : i32
        %add3A_336 = arith.addi %scan3A_300, %add3A_335 : i32
        %select_n3A_337 = arith.select %eq3A_332, %add3A_336, %scan3A_300 : i32
        %eq3A_338 = arith.constant 48 : i32
        %eq3A_339 = arith.cmpi eq, %select_n3A_337, %eq3A_338 : i32
        %select_n3A_340 = arith.constant 0 : i32
        %select_n3A_341 = arith.select %eq3A_339, %select_n3A_340, %select_n3A_337 : i32
        %add3A_342 = arith.addi %select_n3A_341, %mul3A_6 : i32
        %add3A_343 = arith.constant 0 : i32
        %add3A_344 = arith.addi %select_n3A_334, %add3A_343 : i32
        %add3A_345 = arith.constant 1 : i32
        %add3A_346 = arith.addi %select_n3A_334, %add3A_345 : i32
        %select_n3A_347 = arith.constant true
        %select_n3A_348 = arith.select %select_n3A_347, %add3A_346, %select_n3A_334 : i32
        %eq3A_349 = arith.constant 2 : i32
        %eq3A_350 = arith.cmpi eq, %select_n3A_348, %eq3A_349 : i32
        %select_n3A_351 = arith.constant 0 : i32
        %select_n3A_352 = arith.select %eq3A_350, %select_n3A_351, %select_n3A_348 : i32
        %add3A_353 = arith.constant 1 : i32
        %add3A_354 = arith.addi %select_n3A_341, %add3A_353 : i32
        %select_n3A_355 = arith.select %eq3A_350, %add3A_354, %select_n3A_341 : i32
        %eq3A_356 = arith.constant 48 : i32
        %eq3A_357 = arith.cmpi eq, %select_n3A_355, %eq3A_356 : i32
        %select_n3A_358 = arith.constant 0 : i32
        %select_n3A_359 = arith.select %eq3A_357, %select_n3A_358, %select_n3A_355 : i32
        %add3A_360 = arith.addi %select_n3A_359, %mul3A_6 : i32
        %add3A_361 = arith.constant 0 : i32
        %add3A_362 = arith.addi %select_n3A_352, %add3A_361 : i32
        %ne3A = arith.cmpi ne, %add3A_306, %add3A_342 : i32
        %ne3A_363 = arith.cmpi ne, %add3A_308, %add3A_344 : i32
        %or3A = arith.constant false
        %or3A_364 = arith.ori %or3A, %ne3A : i1
        %or3A_365 = arith.ori %or3A_364, %ne3A_363 : i1
        %or3A_366 = arith.constant false
        %or3A_367 = arith.ori %or3A_365, %or3A_366 : i1
        %ge3A = arith.constant 95 : i32
        %ge3A_368 = arith.cmpi sge, %scan3A_289, %ge3A : i32
        %not3A = arith.constant true
        %not3A_369 = arith.xori %ge3A_368, %not3A : i1
        %and3A = arith.andi %or3A_367, %not3A_369 : i1
        %convert_element_type3A = arith.extui %and3A : i1 to i32
        %cond3A = arith.constant 0 : i32
        %cond3A_370 = arith.cmpi ne, %convert_element_type3A, %cond3A : i32
        scf.if %cond3A_370 {
          "tpu.trace_start"() <{level = 10 : i32, message = "ep_copy_in"}> : () -> ()
          %rem3A_725 = arith.constant 2 : i32
          %rem3A_726 = arith.remui %scan3A_290, %rem3A_725 : i32
          %mul3A_727 = arith.constant 1 : i32
          %mul3A_728 = arith.muli %mul3A_727, %add3A_342 : i32
          %mul3A_729 = arith.constant 48 : i32
          %mul3A_730 = arith.muli %mul3A_729, %add3A_344 : i32
          %dma_start3A_731 = arith.constant 0 : i32
          %dma_start3A_732 = arith.constant 0 : i32
          %dma_start3A_733 = arith.constant 0 : i32
          %dma_start3A_734 = tpu.memref_slice %run_scoped3A[%rem3A_726, %dma_start3A_731, %dma_start3A_732, %dma_start3A_733] : memref<2x1x48x96xf32, #tpu.memory_space<vmem>> -> memref<1x1x48x96xf32, #tpu.memory_space<vmem>>
          %dma_start3A_735 = tpu.memref_squeeze %dma_start3A_734 : memref<1x1x48x96xf32, #tpu.memory_space<vmem>> -> memref<1x48x96xf32, #tpu.memory_space<vmem>>
          %dma_start3A_736 = arith.constant 0 : i32
          %dma_start3A_737 = tpu.memref_slice %arg2[%mul3A_728, %mul3A_730, %dma_start3A_736] : memref<1536x96x96xf32, #tpu.memory_space<hbm>> -> memref<1x48x96xf32, #tpu.memory_space<hbm>>
          %dma_start3A_738 = tpu.memref_slice %run_scoped3A_7[%rem3A_726] : memref<2x!tpu.dma_semaphore, #tpu.memory_space<semaphore_mem>> -> memref<1x!tpu.dma_semaphore, #tpu.memory_space<semaphore_mem>>
          %dma_start3A_739 = tpu.memref_squeeze %dma_start3A_738 : memref<1x!tpu.dma_semaphore, #tpu.memory_space<semaphore_mem>> -> memref<!tpu.dma_semaphore, #tpu.memory_space<semaphore_mem>>
          %dma_start3A_740 = arith.constant 0 : i32
          %dma_start3A_741 = arith.constant 0 : i32
          %dma_start3A_742 = arith.constant 0 : i32
          %dma_start3A_743 = tpu.memref_slice %run_scoped3A[%rem3A_726, %dma_start3A_740, %dma_start3A_741, %dma_start3A_742] : memref<2x1x48x96xf32, #tpu.memory_space<vmem>> -> memref<1x1x48x96xf32, #tpu.memory_space<vmem>>
          %dma_start3A_744 = tpu.memref_squeeze %dma_start3A_743 : memref<1x1x48x96xf32, #tpu.memory_space<vmem>> -> memref<1x48x96xf32, #tpu.memory_space<vmem>>
          %dma_start3A_745 = arith.constant 0 : i32
          %dma_start3A_746 = tpu.memref_slice %arg2[%mul3A_728, %mul3A_730, %dma_start3A_745] : memref<1536x96x96xf32, #tpu.memory_space<hbm>> -> memref<1x48x96xf32, #tpu.memory_space<hbm>>
          tpu.enqueue_dma source(%dma_start3A_746 : memref<1x48x96xf32, #tpu.memory_space<hbm>>) target(%dma_start3A_744 : memref<1x48x96xf32, #tpu.memory_space<vmem>>) target_semaphore(%dma_start3A_739 : memref<!tpu.dma_semaphore, #tpu.memory_space<semaphore_mem>>)
          "tpu.trace_stop"() : () -> ()
        } else {
        }
        %and3A_371 = arith.constant true
        %and3A_372 = arith.andi %and3A, %and3A_371 : i1
        %add3A_373 = arith.constant 1 : i32
        %add3A_374 = arith.addi %scan3A_290, %add3A_373 : i32
        %select_n3A_375 = arith.select %and3A_372, %add3A_374, %scan3A_290 : i32
        %ne3A_376 = arith.cmpi ne, %add3A_306, %add3A_342 : i32
        %ne3A_377 = arith.cmpi ne, %add3A_308, %add3A_344 : i32
        %or3A_378 = arith.constant false
        %or3A_379 = arith.ori %or3A_378, %ne3A_376 : i1
        %or3A_380 = arith.ori %or3A_379, %ne3A_377 : i1
        %or3A_381 = arith.constant false
        %or3A_382 = arith.ori %or3A_380, %or3A_381 : i1
        %ge3A_383 = arith.constant 95 : i32
        %ge3A_384 = arith.cmpi sge, %scan3A_289, %ge3A_383 : i32
        %not3A_385 = arith.constant true
        %not3A_386 = arith.xori %ge3A_384, %not3A_385 : i1
        %and3A_387 = arith.andi %or3A_382, %not3A_386 : i1
        %convert_element_type3A_388 = arith.extui %and3A_387 : i1 to i32
        %cond3A_389 = arith.constant 0 : i32
        %cond3A_390 = arith.cmpi ne, %convert_element_type3A_388, %cond3A_389 : i32
        scf.if %cond3A_390 {
          "tpu.trace_start"() <{level = 10 : i32, message = "ep_copy_in"}> : () -> ()
          %rem3A_725 = arith.constant 2 : i32
          %rem3A_726 = arith.remui %scan3A_292, %rem3A_725 : i32
          %mul3A_727 = arith.constant 1 : i32
          %mul3A_728 = arith.muli %mul3A_727, %add3A_342 : i32
          %mul3A_729 = arith.constant 48 : i32
          %mul3A_730 = arith.muli %mul3A_729, %add3A_344 : i32
          %dma_start3A_731 = arith.constant 0 : i32
          %dma_start3A_732 = arith.constant 0 : i32
          %dma_start3A_733 = arith.constant 0 : i32
          %dma_start3A_734 = tpu.memref_slice %run_scoped3A_8[%rem3A_726, %dma_start3A_731, %dma_start3A_732, %dma_start3A_733] : memref<2x1x48x96xf32, #tpu.memory_space<vmem>> -> memref<1x1x48x96xf32, #tpu.memory_space<vmem>>
          %dma_start3A_735 = tpu.memref_squeeze %dma_start3A_734 : memref<1x1x48x96xf32, #tpu.memory_space<vmem>> -> memref<1x48x96xf32, #tpu.memory_space<vmem>>
          %dma_start3A_736 = arith.constant 0 : i32
          %dma_start3A_737 = tpu.memref_slice %arg3[%mul3A_728, %mul3A_730, %dma_start3A_736] : memref<1536x96x96xf32, #tpu.memory_space<hbm>> -> memref<1x48x96xf32, #tpu.memory_space<hbm>>
          %dma_start3A_738 = tpu.memref_slice %run_scoped3A_9[%rem3A_726] : memref<2x!tpu.dma_semaphore, #tpu.memory_space<semaphore_mem>> -> memref<1x!tpu.dma_semaphore, #tpu.memory_space<semaphore_mem>>
          %dma_start3A_739 = tpu.memref_squeeze %dma_start3A_738 : memref<1x!tpu.dma_semaphore, #tpu.memory_space<semaphore_mem>> -> memref<!tpu.dma_semaphore, #tpu.memory_space<semaphore_mem>>
          %dma_start3A_740 = arith.constant 0 : i32
          %dma_start3A_741 = arith.constant 0 : i32
          %dma_start3A_742 = arith.constant 0 : i32
          %dma_start3A_743 = tpu.memref_slice %run_scoped3A_8[%rem3A_726, %dma_start3A_740, %dma_start3A_741, %dma_start3A_742] : memref<2x1x48x96xf32, #tpu.memory_space<vmem>> -> memref<1x1x48x96xf32, #tpu.memory_space<vmem>>
          %dma_start3A_744 = tpu.memref_squeeze %dma_start3A_743 : memref<1x1x48x96xf32, #tpu.memory_space<vmem>> -> memref<1x48x96xf32, #tpu.memory_space<vmem>>
          %dma_start3A_745 = arith.constant 0 : i32
          %dma_start3A_746 = tpu.memref_slice %arg3[%mul3A_728, %mul3A_730, %dma_start3A_745] : memref<1536x96x96xf32, #tpu.memory_space<hbm>> -> memref<1x48x96xf32, #tpu.memory_space<hbm>>
          tpu.enqueue_dma source(%dma_start3A_746 : memref<1x48x96xf32, #tpu.memory_space<hbm>>) target(%dma_start3A_744 : memref<1x48x96xf32, #tpu.memory_space<vmem>>) target_semaphore(%dma_start3A_739 : memref<!tpu.dma_semaphore, #tpu.memory_space<semaphore_mem>>)
          "tpu.trace_stop"() : () -> ()
        } else {
        }
        %and3A_391 = arith.constant true
        %and3A_392 = arith.andi %and3A_387, %and3A_391 : i1
        %add3A_393 = arith.constant 1 : i32
        %add3A_394 = arith.addi %scan3A_292, %add3A_393 : i32
        %select_n3A_395 = arith.select %and3A_392, %add3A_394, %scan3A_292 : i32
        %ne3A_396 = arith.cmpi ne, %add3A_306, %add3A_342 : i32
        %ne3A_397 = arith.cmpi ne, %add3A_308, %add3A_344 : i32
        %or3A_398 = arith.constant false
        %or3A_399 = arith.ori %or3A_398, %ne3A_396 : i1
        %or3A_400 = arith.ori %or3A_399, %ne3A_397 : i1
        %or3A_401 = arith.constant false
        %or3A_402 = arith.ori %or3A_400, %or3A_401 : i1
        %ge3A_403 = arith.constant 95 : i32
        %ge3A_404 = arith.cmpi sge, %scan3A_289, %ge3A_403 : i32
        %not3A_405 = arith.constant true
        %not3A_406 = arith.xori %ge3A_404, %not3A_405 : i1
        %and3A_407 = arith.andi %or3A_402, %not3A_406 : i1
        %convert_element_type3A_408 = arith.extui %and3A_407 : i1 to i32
        %cond3A_409 = arith.constant 0 : i32
        %cond3A_410 = arith.cmpi ne, %convert_element_type3A_408, %cond3A_409 : i32
        scf.if %cond3A_410 {
          "tpu.trace_start"() <{level = 10 : i32, message = "ep_copy_in"}> : () -> ()
          %rem3A_725 = arith.constant 2 : i32
          %rem3A_726 = arith.remui %scan3A_294, %rem3A_725 : i32
          %mul3A_727 = arith.constant 1 : i32
          %mul3A_728 = arith.muli %mul3A_727, %add3A_342 : i32
          %mul3A_729 = arith.constant 48 : i32
          %mul3A_730 = arith.muli %mul3A_729, %add3A_344 : i32
          %dma_start3A_731 = arith.constant 0 : i32
          %dma_start3A_732 = arith.constant 0 : i32
          %dma_start3A_733 = arith.constant 0 : i32
          %dma_start3A_734 = tpu.memref_slice %run_scoped3A_10[%rem3A_726, %dma_start3A_731, %dma_start3A_732, %dma_start3A_733] : memref<2x1x48x96xf32, #tpu.memory_space<vmem>> -> memref<1x1x48x96xf32, #tpu.memory_space<vmem>>
          %dma_start3A_735 = tpu.memref_squeeze %dma_start3A_734 : memref<1x1x48x96xf32, #tpu.memory_space<vmem>> -> memref<1x48x96xf32, #tpu.memory_space<vmem>>
          %dma_start3A_736 = arith.constant 0 : i32
          %dma_start3A_737 = tpu.memref_slice %arg4[%mul3A_728, %mul3A_730, %dma_start3A_736] : memref<1536x96x96xf32, #tpu.memory_space<hbm>> -> memref<1x48x96xf32, #tpu.memory_space<hbm>>
          %dma_start3A_738 = tpu.memref_slice %run_scoped3A_11[%rem3A_726] : memref<2x!tpu.dma_semaphore, #tpu.memory_space<semaphore_mem>> -> memref<1x!tpu.dma_semaphore, #tpu.memory_space<semaphore_mem>>
          %dma_start3A_739 = tpu.memref_squeeze %dma_start3A_738 : memref<1x!tpu.dma_semaphore, #tpu.memory_space<semaphore_mem>> -> memref<!tpu.dma_semaphore, #tpu.memory_space<semaphore_mem>>
          %dma_start3A_740 = arith.constant 0 : i32
          %dma_start3A_741 = arith.constant 0 : i32
          %dma_start3A_742 = arith.constant 0 : i32
          %dma_start3A_743 = tpu.memref_slice %run_scoped3A_10[%rem3A_726, %dma_start3A_740, %dma_start3A_741, %dma_start3A_742] : memref<2x1x48x96xf32, #tpu.memory_space<vmem>> -> memref<1x1x48x96xf32, #tpu.memory_space<vmem>>
          %dma_start3A_744 = tpu.memref_squeeze %dma_start3A_743 : memref<1x1x48x96xf32, #tpu.memory_space<vmem>> -> memref<1x48x96xf32, #tpu.memory_space<vmem>>
          %dma_start3A_745 = arith.constant 0 : i32
          %dma_start3A_746 = tpu.memref_slice %arg4[%mul3A_728, %mul3A_730, %dma_start3A_745] : memref<1536x96x96xf32, #tpu.memory_space<hbm>> -> memref<1x48x96xf32, #tpu.memory_space<hbm>>
          tpu.enqueue_dma source(%dma_start3A_746 : memref<1x48x96xf32, #tpu.memory_space<hbm>>) target(%dma_start3A_744 : memref<1x48x96xf32, #tpu.memory_space<vmem>>) target_semaphore(%dma_start3A_739 : memref<!tpu.dma_semaphore, #tpu.memory_space<semaphore_mem>>)
          "tpu.trace_stop"() : () -> ()
        } else {
        }
        %and3A_411 = arith.constant true
        %and3A_412 = arith.andi %and3A_407, %and3A_411 : i1
        %add3A_413 = arith.constant 1 : i32
        %add3A_414 = arith.addi %scan3A_294, %add3A_413 : i32
        %select_n3A_415 = arith.select %and3A_412, %add3A_414, %scan3A_294 : i32
        %ne3A_416 = arith.cmpi ne, %add3A_306, %add3A_342 : i32
        %ne3A_417 = arith.cmpi ne, %add3A_308, %add3A_344 : i32
        %or3A_418 = arith.constant false
        %or3A_419 = arith.ori %or3A_418, %ne3A_416 : i1
        %or3A_420 = arith.ori %or3A_419, %ne3A_417 : i1
        %or3A_421 = arith.constant false
        %or3A_422 = arith.ori %or3A_420, %or3A_421 : i1
        %ge3A_423 = arith.constant 95 : i32
        %ge3A_424 = arith.cmpi sge, %scan3A_289, %ge3A_423 : i32
        %not3A_425 = arith.constant true
        %not3A_426 = arith.xori %ge3A_424, %not3A_425 : i1
        %and3A_427 = arith.andi %or3A_422, %not3A_426 : i1
        %convert_element_type3A_428 = arith.extui %and3A_427 : i1 to i32
        %cond3A_429 = arith.constant 0 : i32
        %cond3A_430 = arith.cmpi ne, %convert_element_type3A_428, %cond3A_429 : i32
        scf.if %cond3A_430 {
          "tpu.trace_start"() <{level = 10 : i32, message = "ep_copy_in"}> : () -> ()
          %rem3A_725 = arith.constant 2 : i32
          %rem3A_726 = arith.remui %scan3A_296, %rem3A_725 : i32
          %mul3A_727 = arith.constant 1 : i32
          %mul3A_728 = arith.muli %mul3A_727, %add3A_342 : i32
          %mul3A_729 = arith.constant 48 : i32
          %mul3A_730 = arith.muli %mul3A_729, %add3A_344 : i32
          %dma_start3A_731 = arith.constant 0 : i32
          %dma_start3A_732 = arith.constant 0 : i32
          %dma_start3A_733 = arith.constant 0 : i32
          %dma_start3A_734 = tpu.memref_slice %run_scoped3A_12[%rem3A_726, %dma_start3A_731, %dma_start3A_732, %dma_start3A_733] : memref<2x1x48x96xf32, #tpu.memory_space<vmem>> -> memref<1x1x48x96xf32, #tpu.memory_space<vmem>>
          %dma_start3A_735 = tpu.memref_squeeze %dma_start3A_734 : memref<1x1x48x96xf32, #tpu.memory_space<vmem>> -> memref<1x48x96xf32, #tpu.memory_space<vmem>>
          %dma_start3A_736 = arith.constant 0 : i32
          %dma_start3A_737 = tpu.memref_slice %arg5[%mul3A_728, %mul3A_730, %dma_start3A_736] : memref<1536x96x96xf32, #tpu.memory_space<hbm>> -> memref<1x48x96xf32, #tpu.memory_space<hbm>>
          %dma_start3A_738 = tpu.memref_slice %run_scoped3A_13[%rem3A_726] : memref<2x!tpu.dma_semaphore, #tpu.memory_space<semaphore_mem>> -> memref<1x!tpu.dma_semaphore, #tpu.memory_space<semaphore_mem>>
          %dma_start3A_739 = tpu.memref_squeeze %dma_start3A_738 : memref<1x!tpu.dma_semaphore, #tpu.memory_space<semaphore_mem>> -> memref<!tpu.dma_semaphore, #tpu.memory_space<semaphore_mem>>
          %dma_start3A_740 = arith.constant 0 : i32
          %dma_start3A_741 = arith.constant 0 : i32
          %dma_start3A_742 = arith.constant 0 : i32
          %dma_start3A_743 = tpu.memref_slice %run_scoped3A_12[%rem3A_726, %dma_start3A_740, %dma_start3A_741, %dma_start3A_742] : memref<2x1x48x96xf32, #tpu.memory_space<vmem>> -> memref<1x1x48x96xf32, #tpu.memory_space<vmem>>
          %dma_start3A_744 = tpu.memref_squeeze %dma_start3A_743 : memref<1x1x48x96xf32, #tpu.memory_space<vmem>> -> memref<1x48x96xf32, #tpu.memory_space<vmem>>
          %dma_start3A_745 = arith.constant 0 : i32
          %dma_start3A_746 = tpu.memref_slice %arg5[%mul3A_728, %mul3A_730, %dma_start3A_745] : memref<1536x96x96xf32, #tpu.memory_space<hbm>> -> memref<1x48x96xf32, #tpu.memory_space<hbm>>
          tpu.enqueue_dma source(%dma_start3A_746 : memref<1x48x96xf32, #tpu.memory_space<hbm>>) target(%dma_start3A_744 : memref<1x48x96xf32, #tpu.memory_space<vmem>>) target_semaphore(%dma_start3A_739 : memref<!tpu.dma_semaphore, #tpu.memory_space<semaphore_mem>>)
          "tpu.trace_stop"() : () -> ()
        } else {
        }
        %and3A_431 = arith.constant true
        %and3A_432 = arith.andi %and3A_427, %and3A_431 : i1
        %add3A_433 = arith.constant 1 : i32
        %add3A_434 = arith.addi %scan3A_296, %add3A_433 : i32
        %select_n3A_435 = arith.select %and3A_432, %add3A_434, %scan3A_296 : i32
        %ne3A_436 = arith.cmpi ne, %add3A_306, %add3A_342 : i32
        %ne3A_437 = arith.cmpi ne, %add3A_308, %add3A_344 : i32
        %or3A_438 = arith.constant false
        %or3A_439 = arith.ori %or3A_438, %ne3A_436 : i1
        %or3A_440 = arith.ori %or3A_439, %ne3A_437 : i1
        %or3A_441 = arith.constant false
        %or3A_442 = arith.ori %or3A_440, %or3A_441 : i1
        %ge3A_443 = arith.constant 95 : i32
        %ge3A_444 = arith.cmpi sge, %scan3A_289, %ge3A_443 : i32
        %not3A_445 = arith.constant true
        %not3A_446 = arith.xori %ge3A_444, %not3A_445 : i1
        %and3A_447 = arith.andi %or3A_442, %not3A_446 : i1
        %ne3A_448 = arith.cmpi ne, %add3A_306, %add3A_324 : i32
        %ne3A_449 = arith.cmpi ne, %add3A_308, %add3A_326 : i32
        %or3A_450 = arith.constant false
        %or3A_451 = arith.ori %or3A_450, %ne3A_448 : i1
        %or3A_452 = arith.ori %or3A_451, %ne3A_449 : i1
        %or3A_453 = arith.constant false
        %or3A_454 = arith.ori %or3A_452, %or3A_453 : i1
        %or3A_455 = arith.ori %or3A_454, %eq3A_303 : i1
        %convert_element_type3A_456 = arith.extui %or3A_455 : i1 to i32
        %cond3A_457 = arith.constant 0 : i32
        %cond3A_458 = arith.cmpi ne, %convert_element_type3A_456, %cond3A_457 : i32
        scf.if %cond3A_458 {
          "tpu.trace_start"() <{level = 10 : i32, message = "ep_wait_in"}> : () -> ()
          %mul3A_725 = arith.constant 1 : i32
          %mul3A_726 = arith.muli %mul3A_725, %add3A_306 : i32
          %mul3A_727 = arith.constant 48 : i32
          %mul3A_728 = arith.muli %mul3A_727, %add3A_308 : i32
          %rem3A_729 = arith.constant 2 : i32
          %rem3A_730 = arith.remui %scan3A_291, %rem3A_729 : i32
          %dma_wait3A_731 = arith.constant 0 : i32
          %dma_wait3A_732 = arith.constant 0 : i32
          %dma_wait3A_733 = arith.constant 0 : i32
          %dma_wait3A_734 = tpu.memref_slice %run_scoped3A[%rem3A_730, %dma_wait3A_731, %dma_wait3A_732, %dma_wait3A_733] : memref<2x1x48x96xf32, #tpu.memory_space<vmem>> -> memref<1x1x48x96xf32, #tpu.memory_space<vmem>>
          %dma_wait3A_735 = tpu.memref_squeeze %dma_wait3A_734 : memref<1x1x48x96xf32, #tpu.memory_space<vmem>> -> memref<1x48x96xf32, #tpu.memory_space<vmem>>
          %dma_wait3A_736 = arith.constant 0 : i32
          %dma_wait3A_737 = tpu.memref_slice %arg2[%mul3A_726, %mul3A_728, %dma_wait3A_736] : memref<1536x96x96xf32, #tpu.memory_space<hbm>> -> memref<1x48x96xf32, #tpu.memory_space<hbm>>
          %dma_wait3A_738 = tpu.memref_slice %run_scoped3A_7[%rem3A_730] : memref<2x!tpu.dma_semaphore, #tpu.memory_space<semaphore_mem>> -> memref<1x!tpu.dma_semaphore, #tpu.memory_space<semaphore_mem>>
          %dma_wait3A_739 = tpu.memref_squeeze %dma_wait3A_738 : memref<1x!tpu.dma_semaphore, #tpu.memory_space<semaphore_mem>> -> memref<!tpu.dma_semaphore, #tpu.memory_space<semaphore_mem>>
          %dma_wait3A_740 = arith.constant 0 : i32
          %dma_wait3A_741 = arith.constant 0 : i32
          %dma_wait3A_742 = arith.constant 0 : i32
          %dma_wait3A_743 = tpu.memref_slice %run_scoped3A[%rem3A_730, %dma_wait3A_740, %dma_wait3A_741, %dma_wait3A_742] : memref<2x1x48x96xf32, #tpu.memory_space<vmem>> -> memref<1x1x48x96xf32, #tpu.memory_space<vmem>>
          %dma_wait3A_744 = tpu.memref_squeeze %dma_wait3A_743 : memref<1x1x48x96xf32, #tpu.memory_space<vmem>> -> memref<1x48x96xf32, #tpu.memory_space<vmem>>
          %dma_wait3A_745 = arith.constant 0 : i32
          %dma_wait3A_746 = tpu.memref_slice %arg2[%mul3A_726, %mul3A_728, %dma_wait3A_745] : memref<1536x96x96xf32, #tpu.memory_space<hbm>> -> memref<1x48x96xf32, #tpu.memory_space<hbm>>
          tpu.wait_dma2 semaphore(%dma_wait3A_739 : memref<!tpu.dma_semaphore, #tpu.memory_space<semaphore_mem>>) src(%dma_wait3A_746 : memref<1x48x96xf32, #tpu.memory_space<hbm>>) dst(%dma_wait3A_744 : memref<1x48x96xf32, #tpu.memory_space<vmem>>)
          "tpu.trace_stop"() : () -> ()
        } else {
        }
        %ne3A_459 = arith.cmpi ne, %add3A_306, %add3A_324 : i32
        %ne3A_460 = arith.cmpi ne, %add3A_308, %add3A_326 : i32
        %or3A_461 = arith.constant false
        %or3A_462 = arith.ori %or3A_461, %ne3A_459 : i1
        %or3A_463 = arith.ori %or3A_462, %ne3A_460 : i1
        %or3A_464 = arith.constant false
        %or3A_465 = arith.ori %or3A_463, %or3A_464 : i1
        %or3A_466 = arith.ori %or3A_465, %eq3A_303 : i1
        %convert_element_type3A_467 = arith.extui %or3A_466 : i1 to i32
        %cond3A_468 = arith.constant 0 : i32
        %cond3A_469 = arith.cmpi ne, %convert_element_type3A_467, %cond3A_468 : i32
        scf.if %cond3A_469 {
          "tpu.trace_start"() <{level = 10 : i32, message = "ep_wait_in"}> : () -> ()
          %mul3A_725 = arith.constant 1 : i32
          %mul3A_726 = arith.muli %mul3A_725, %add3A_306 : i32
          %mul3A_727 = arith.constant 48 : i32
          %mul3A_728 = arith.muli %mul3A_727, %add3A_308 : i32
          %rem3A_729 = arith.constant 2 : i32
          %rem3A_730 = arith.remui %scan3A_293, %rem3A_729 : i32
          %dma_wait3A_731 = arith.constant 0 : i32
          %dma_wait3A_732 = arith.constant 0 : i32
          %dma_wait3A_733 = arith.constant 0 : i32
          %dma_wait3A_734 = tpu.memref_slice %run_scoped3A_8[%rem3A_730, %dma_wait3A_731, %dma_wait3A_732, %dma_wait3A_733] : memref<2x1x48x96xf32, #tpu.memory_space<vmem>> -> memref<1x1x48x96xf32, #tpu.memory_space<vmem>>
          %dma_wait3A_735 = tpu.memref_squeeze %dma_wait3A_734 : memref<1x1x48x96xf32, #tpu.memory_space<vmem>> -> memref<1x48x96xf32, #tpu.memory_space<vmem>>
          %dma_wait3A_736 = arith.constant 0 : i32
          %dma_wait3A_737 = tpu.memref_slice %arg3[%mul3A_726, %mul3A_728, %dma_wait3A_736] : memref<1536x96x96xf32, #tpu.memory_space<hbm>> -> memref<1x48x96xf32, #tpu.memory_space<hbm>>
          %dma_wait3A_738 = tpu.memref_slice %run_scoped3A_9[%rem3A_730] : memref<2x!tpu.dma_semaphore, #tpu.memory_space<semaphore_mem>> -> memref<1x!tpu.dma_semaphore, #tpu.memory_space<semaphore_mem>>
          %dma_wait3A_739 = tpu.memref_squeeze %dma_wait3A_738 : memref<1x!tpu.dma_semaphore, #tpu.memory_space<semaphore_mem>> -> memref<!tpu.dma_semaphore, #tpu.memory_space<semaphore_mem>>
          %dma_wait3A_740 = arith.constant 0 : i32
          %dma_wait3A_741 = arith.constant 0 : i32
          %dma_wait3A_742 = arith.constant 0 : i32
          %dma_wait3A_743 = tpu.memref_slice %run_scoped3A_8[%rem3A_730, %dma_wait3A_740, %dma_wait3A_741, %dma_wait3A_742] : memref<2x1x48x96xf32, #tpu.memory_space<vmem>> -> memref<1x1x48x96xf32, #tpu.memory_space<vmem>>
          %dma_wait3A_744 = tpu.memref_squeeze %dma_wait3A_743 : memref<1x1x48x96xf32, #tpu.memory_space<vmem>> -> memref<1x48x96xf32, #tpu.memory_space<vmem>>
          %dma_wait3A_745 = arith.constant 0 : i32
          %dma_wait3A_746 = tpu.memref_slice %arg3[%mul3A_726, %mul3A_728, %dma_wait3A_745] : memref<1536x96x96xf32, #tpu.memory_space<hbm>> -> memref<1x48x96xf32, #tpu.memory_space<hbm>>
          tpu.wait_dma2 semaphore(%dma_wait3A_739 : memref<!tpu.dma_semaphore, #tpu.memory_space<semaphore_mem>>) src(%dma_wait3A_746 : memref<1x48x96xf32, #tpu.memory_space<hbm>>) dst(%dma_wait3A_744 : memref<1x48x96xf32, #tpu.memory_space<vmem>>)
          "tpu.trace_stop"() : () -> ()
        } else {
        }
        %ne3A_470 = arith.cmpi ne, %add3A_306, %add3A_324 : i32
        %ne3A_471 = arith.cmpi ne, %add3A_308, %add3A_326 : i32
        %or3A_472 = arith.constant false
        %or3A_473 = arith.ori %or3A_472, %ne3A_470 : i1
        %or3A_474 = arith.ori %or3A_473, %ne3A_471 : i1
        %or3A_475 = arith.constant false
        %or3A_476 = arith.ori %or3A_474, %or3A_475 : i1
        %or3A_477 = arith.ori %or3A_476, %eq3A_303 : i1
        %convert_element_type3A_478 = arith.extui %or3A_477 : i1 to i32
        %cond3A_479 = arith.constant 0 : i32
        %cond3A_480 = arith.cmpi ne, %convert_element_type3A_478, %cond3A_479 : i32
        scf.if %cond3A_480 {
          "tpu.trace_start"() <{level = 10 : i32, message = "ep_wait_in"}> : () -> ()
          %mul3A_725 = arith.constant 1 : i32
          %mul3A_726 = arith.muli %mul3A_725, %add3A_306 : i32
          %mul3A_727 = arith.constant 48 : i32
          %mul3A_728 = arith.muli %mul3A_727, %add3A_308 : i32
          %rem3A_729 = arith.constant 2 : i32
          %rem3A_730 = arith.remui %scan3A_295, %rem3A_729 : i32
          %dma_wait3A_731 = arith.constant 0 : i32
          %dma_wait3A_732 = arith.constant 0 : i32
          %dma_wait3A_733 = arith.constant 0 : i32
          %dma_wait3A_734 = tpu.memref_slice %run_scoped3A_10[%rem3A_730, %dma_wait3A_731, %dma_wait3A_732, %dma_wait3A_733] : memref<2x1x48x96xf32, #tpu.memory_space<vmem>> -> memref<1x1x48x96xf32, #tpu.memory_space<vmem>>
          %dma_wait3A_735 = tpu.memref_squeeze %dma_wait3A_734 : memref<1x1x48x96xf32, #tpu.memory_space<vmem>> -> memref<1x48x96xf32, #tpu.memory_space<vmem>>
          %dma_wait3A_736 = arith.constant 0 : i32
          %dma_wait3A_737 = tpu.memref_slice %arg4[%mul3A_726, %mul3A_728, %dma_wait3A_736] : memref<1536x96x96xf32, #tpu.memory_space<hbm>> -> memref<1x48x96xf32, #tpu.memory_space<hbm>>
          %dma_wait3A_738 = tpu.memref_slice %run_scoped3A_11[%rem3A_730] : memref<2x!tpu.dma_semaphore, #tpu.memory_space<semaphore_mem>> -> memref<1x!tpu.dma_semaphore, #tpu.memory_space<semaphore_mem>>
          %dma_wait3A_739 = tpu.memref_squeeze %dma_wait3A_738 : memref<1x!tpu.dma_semaphore, #tpu.memory_space<semaphore_mem>> -> memref<!tpu.dma_semaphore, #tpu.memory_space<semaphore_mem>>
          %dma_wait3A_740 = arith.constant 0 : i32
          %dma_wait3A_741 = arith.constant 0 : i32
          %dma_wait3A_742 = arith.constant 0 : i32
          %dma_wait3A_743 = tpu.memref_slice %run_scoped3A_10[%rem3A_730, %dma_wait3A_740, %dma_wait3A_741, %dma_wait3A_742] : memref<2x1x48x96xf32, #tpu.memory_space<vmem>> -> memref<1x1x48x96xf32, #tpu.memory_space<vmem>>
          %dma_wait3A_744 = tpu.memref_squeeze %dma_wait3A_743 : memref<1x1x48x96xf32, #tpu.memory_space<vmem>> -> memref<1x48x96xf32, #tpu.memory_space<vmem>>
          %dma_wait3A_745 = arith.constant 0 : i32
          %dma_wait3A_746 = tpu.memref_slice %arg4[%mul3A_726, %mul3A_728, %dma_wait3A_745] : memref<1536x96x96xf32, #tpu.memory_space<hbm>> -> memref<1x48x96xf32, #tpu.memory_space<hbm>>
          tpu.wait_dma2 semaphore(%dma_wait3A_739 : memref<!tpu.dma_semaphore, #tpu.memory_space<semaphore_mem>>) src(%dma_wait3A_746 : memref<1x48x96xf32, #tpu.memory_space<hbm>>) dst(%dma_wait3A_744 : memref<1x48x96xf32, #tpu.memory_space<vmem>>)
          "tpu.trace_stop"() : () -> ()
        } else {
        }
        %ne3A_481 = arith.cmpi ne, %add3A_306, %add3A_324 : i32
        %ne3A_482 = arith.cmpi ne, %add3A_308, %add3A_326 : i32
        %or3A_483 = arith.constant false
        %or3A_484 = arith.ori %or3A_483, %ne3A_481 : i1
        %or3A_485 = arith.ori %or3A_484, %ne3A_482 : i1
        %or3A_486 = arith.constant false
        %or3A_487 = arith.ori %or3A_485, %or3A_486 : i1
        %or3A_488 = arith.ori %or3A_487, %eq3A_303 : i1
        %convert_element_type3A_489 = arith.extui %or3A_488 : i1 to i32
        %cond3A_490 = arith.constant 0 : i32
        %cond3A_491 = arith.cmpi ne, %convert_element_type3A_489, %cond3A_490 : i32
        scf.if %cond3A_491 {
          "tpu.trace_start"() <{level = 10 : i32, message = "ep_wait_in"}> : () -> ()
          %mul3A_725 = arith.constant 1 : i32
          %mul3A_726 = arith.muli %mul3A_725, %add3A_306 : i32
          %mul3A_727 = arith.constant 48 : i32
          %mul3A_728 = arith.muli %mul3A_727, %add3A_308 : i32
          %rem3A_729 = arith.constant 2 : i32
          %rem3A_730 = arith.remui %scan3A_297, %rem3A_729 : i32
          %dma_wait3A_731 = arith.constant 0 : i32
          %dma_wait3A_732 = arith.constant 0 : i32
          %dma_wait3A_733 = arith.constant 0 : i32
          %dma_wait3A_734 = tpu.memref_slice %run_scoped3A_12[%rem3A_730, %dma_wait3A_731, %dma_wait3A_732, %dma_wait3A_733] : memref<2x1x48x96xf32, #tpu.memory_space<vmem>> -> memref<1x1x48x96xf32, #tpu.memory_space<vmem>>
          %dma_wait3A_735 = tpu.memref_squeeze %dma_wait3A_734 : memref<1x1x48x96xf32, #tpu.memory_space<vmem>> -> memref<1x48x96xf32, #tpu.memory_space<vmem>>
          %dma_wait3A_736 = arith.constant 0 : i32
          %dma_wait3A_737 = tpu.memref_slice %arg5[%mul3A_726, %mul3A_728, %dma_wait3A_736] : memref<1536x96x96xf32, #tpu.memory_space<hbm>> -> memref<1x48x96xf32, #tpu.memory_space<hbm>>
          %dma_wait3A_738 = tpu.memref_slice %run_scoped3A_13[%rem3A_730] : memref<2x!tpu.dma_semaphore, #tpu.memory_space<semaphore_mem>> -> memref<1x!tpu.dma_semaphore, #tpu.memory_space<semaphore_mem>>
          %dma_wait3A_739 = tpu.memref_squeeze %dma_wait3A_738 : memref<1x!tpu.dma_semaphore, #tpu.memory_space<semaphore_mem>> -> memref<!tpu.dma_semaphore, #tpu.memory_space<semaphore_mem>>
          %dma_wait3A_740 = arith.constant 0 : i32
          %dma_wait3A_741 = arith.constant 0 : i32
          %dma_wait3A_742 = arith.constant 0 : i32
          %dma_wait3A_743 = tpu.memref_slice %run_scoped3A_12[%rem3A_730, %dma_wait3A_740, %dma_wait3A_741, %dma_wait3A_742] : memref<2x1x48x96xf32, #tpu.memory_space<vmem>> -> memref<1x1x48x96xf32, #tpu.memory_space<vmem>>
          %dma_wait3A_744 = tpu.memref_squeeze %dma_wait3A_743 : memref<1x1x48x96xf32, #tpu.memory_space<vmem>> -> memref<1x48x96xf32, #tpu.memory_space<vmem>>
          %dma_wait3A_745 = arith.constant 0 : i32
          %dma_wait3A_746 = tpu.memref_slice %arg5[%mul3A_726, %mul3A_728, %dma_wait3A_745] : memref<1536x96x96xf32, #tpu.memory_space<hbm>> -> memref<1x48x96xf32, #tpu.memory_space<hbm>>
          tpu.wait_dma2 semaphore(%dma_wait3A_739 : memref<!tpu.dma_semaphore, #tpu.memory_space<semaphore_mem>>) src(%dma_wait3A_746 : memref<1x48x96xf32, #tpu.memory_space<hbm>>) dst(%dma_wait3A_744 : memref<1x48x96xf32, #tpu.memory_space<vmem>>)
          "tpu.trace_stop"() : () -> ()
        } else {
        }
        %ne3A_492 = arith.cmpi ne, %add3A_306, %add3A_324 : i32
        %ne3A_493 = arith.cmpi ne, %add3A_308, %add3A_326 : i32
        %or3A_494 = arith.constant false
        %or3A_495 = arith.ori %or3A_494, %ne3A_492 : i1
        %or3A_496 = arith.ori %or3A_495, %ne3A_493 : i1
        %or3A_497 = arith.constant false
        %or3A_498 = arith.ori %or3A_496, %or3A_497 : i1
        %or3A_499 = arith.ori %or3A_498, %eq3A_303 : i1
        %convert_element_type3A_500 = arith.extui %or3A_499 : i1 to i32
        %cond3A_501 = arith.constant 0 : i32
        %cond3A_502 = arith.cmpi ne, %convert_element_type3A_500, %cond3A_501 : i32
        scf.if %cond3A_502 {
        } else {
        }
        %rem3A_503 = arith.constant 2 : i32
        %rem3A_504 = arith.remui %scan3A_291, %rem3A_503 : i32
        %rem3A_505 = arith.constant 2 : i32
        %rem3A_506 = arith.remui %scan3A_293, %rem3A_505 : i32
        %rem3A_507 = arith.constant 2 : i32
        %rem3A_508 = arith.remui %scan3A_295, %rem3A_507 : i32
        %rem3A_509 = arith.constant 2 : i32
        %rem3A_510 = arith.remui %scan3A_297, %rem3A_509 : i32
        %rem3A_511 = arith.constant 2 : i32
        %rem3A_512 = arith.remui %scan3A_298, %rem3A_511 : i32
        "tpu.trace_start"() <{level = 10 : i32, message = "ep_run_kernel"}> : () -> ()
        %iota3A = tpu.iota {dimensions = array<i32: 0>} : vector<16xi32>
        %mul3A_513 = arith.constant 2 : i32
        %mul3A_514 = vector.broadcast %mul3A_513 : i32 to vector<16xi32>
        %mul3A_515 = arith.muli %iota3A, %mul3A_514 : vector<16xi32>
        %broadcast_in_dim3A = arith.constant 0 : i32
        %broadcast_in_dim3A_516 = vector.broadcast %broadcast_in_dim3A : i32 to vector<16xi32>
        %parallel_loop3A = arith.constant 0 : i32
        %parallel_loop3A_517 = arith.constant 48 : i32
        %parallel_loop3A_518 = arith.constant 1 : i32
        %parallel_loop3A_519 = arith.constant 0 : i32
        scf.for %parallel_loop3A_725 = %parallel_loop3A to %parallel_loop3A_517 step %parallel_loop3A_518  : i32 {
          %parallel_loop3A_726 = arith.constant 2 : i32
          %parallel_loop3A_727 = arith.muli %parallel_loop3A_726, %parallel_loop3A_725 : i32
          %parallel_loop3A_728 = vector.broadcast %parallel_loop3A_727 : i32 to vector<16xi32>
          %parallel_loop3A_729 = arith.addi %broadcast_in_dim3A_516, %parallel_loop3A_728 : vector<16xi32>
          %parallel_loop3A_730 = arith.constant 1 : i32
          %parallel_loop3A_731 = vector.broadcast %parallel_loop3A_730 : i32 to vector<16xi32>
          %parallel_loop3A_732 = arith.addi %parallel_loop3A_729, %parallel_loop3A_731 : vector<16xi32>
          %parallel_loop3A_733 = arith.constant 0 : i32
          %parallel_loop3A_734 = arith.constant 0 : i32
          %parallel_loop3A_735 = arith.constant 0 : i32
          %parallel_loop3A_736 = arith.constant 0 : i32
          %parallel_loop3A_737 = tpu.memref_slice %run_scoped3A[%rem3A_504, %parallel_loop3A_734, %parallel_loop3A_735, %parallel_loop3A_736] : memref<2x1x48x96xf32, #tpu.memory_space<vmem>> -> memref<1x1x48x96xf32, #tpu.memory_space<vmem>>
          %parallel_loop3A_738 = tpu.memref_squeeze %parallel_loop3A_737 : memref<1x1x48x96xf32, #tpu.memory_space<vmem>> -> memref<1x48x96xf32, #tpu.memory_space<vmem>>
          %parallel_loop3A_739 = arith.index_cast %parallel_loop3A_733 : i32 to index
          %parallel_loop3A_740 = arith.index_cast %parallel_loop3A_725 : i32 to index
          %parallel_loop3A_741 = arith.constant 0 : index
          %parallel_loop3A_742 = tpu.vector_load %parallel_loop3A_738[%parallel_loop3A_739, %parallel_loop3A_740, %parallel_loop3A_741] {strides = array<i32>} : memref<1x48x96xf32, #tpu.memory_space<vmem>>, vector<16xf32>,
          %parallel_loop3A_743 = arith.constant 0 : i32
          %parallel_loop3A_744 = arith.constant 0 : i32
          %parallel_loop3A_745 = arith.constant 0 : i32
          %parallel_loop3A_746 = arith.constant 0 : i32
          %parallel_loop3A_747 = tpu.memref_slice %run_scoped3A_8[%rem3A_506, %parallel_loop3A_744, %parallel_loop3A_745, %parallel_loop3A_746] : memref<2x1x48x96xf32, #tpu.memory_space<vmem>> -> memref<1x1x48x96xf32, #tpu.memory_space<vmem>>
          %parallel_loop3A_748 = tpu.memref_squeeze %parallel_loop3A_747 : memref<1x1x48x96xf32, #tpu.memory_space<vmem>> -> memref<1x48x96xf32, #tpu.memory_space<vmem>>
          %parallel_loop3A_749 = arith.index_cast %parallel_loop3A_743 : i32 to index
          %parallel_loop3A_750 = arith.index_cast %parallel_loop3A_725 : i32 to index
          %parallel_loop3A_751 = arith.constant 0 : index
          %parallel_loop3A_752 = tpu.vector_load %parallel_loop3A_748[%parallel_loop3A_749, %parallel_loop3A_750, %parallel_loop3A_751] {strides = array<i32>} : memref<1x48x96xf32, #tpu.memory_space<vmem>>, vector<16xf32>,
          %parallel_loop3A_753 = arith.constant 0 : i32
          %parallel_loop3A_754 = arith.constant 0 : i32
          %parallel_loop3A_755 = arith.constant 0 : i32
          %parallel_loop3A_756 = arith.constant 0 : i32
          %parallel_loop3A_757 = tpu.memref_slice %run_scoped3A_10[%rem3A_508, %parallel_loop3A_754, %parallel_loop3A_755, %parallel_loop3A_756] : memref<2x1x48x96xf32, #tpu.memory_space<vmem>> -> memref<1x1x48x96xf32, #tpu.memory_space<vmem>>
          %parallel_loop3A_758 = tpu.memref_squeeze %parallel_loop3A_757 : memref<1x1x48x96xf32, #tpu.memory_space<vmem>> -> memref<1x48x96xf32, #tpu.memory_space<vmem>>
          %parallel_loop3A_759 = arith.index_cast %parallel_loop3A_753 : i32 to index
          %parallel_loop3A_760 = arith.index_cast %parallel_loop3A_725 : i32 to index
          %parallel_loop3A_761 = arith.constant 0 : index
          %parallel_loop3A_762 = tpu.vector_load %parallel_loop3A_758[%parallel_loop3A_759, %parallel_loop3A_760, %parallel_loop3A_761] {strides = array<i32>} : memref<1x48x96xf32, #tpu.memory_space<vmem>>, vector<16xf32>,
          %parallel_loop3A_763 = arith.constant 0 : i32
          %parallel_loop3A_764 = arith.constant 0 : i32
          %parallel_loop3A_765 = arith.constant 0 : i32
          %parallel_loop3A_766 = arith.constant 0 : i32
          %parallel_loop3A_767 = tpu.memref_slice %run_scoped3A_12[%rem3A_510, %parallel_loop3A_764, %parallel_loop3A_765, %parallel_loop3A_766] : memref<2x1x48x96xf32, #tpu.memory_space<vmem>> -> memref<1x1x48x96xf32, #tpu.memory_space<vmem>>
          %parallel_loop3A_768 = tpu.memref_squeeze %parallel_loop3A_767 : memref<1x1x48x96xf32, #tpu.memory_space<vmem>> -> memref<1x48x96xf32, #tpu.memory_space<vmem>>
          %parallel_loop3A_769 = arith.index_cast %parallel_loop3A_763 : i32 to index
          %parallel_loop3A_770 = arith.index_cast %parallel_loop3A_725 : i32 to index
          %parallel_loop3A_771 = arith.constant 0 : index
          %parallel_loop3A_772 = tpu.vector_load %parallel_loop3A_768[%parallel_loop3A_769, %parallel_loop3A_770, %parallel_loop3A_771] {strides = array<i32>} : memref<1x48x96xf32, #tpu.memory_space<vmem>>, vector<16xf32>,
          %parallel_loop3A_773 = arith.subf %parallel_loop3A_742, %parallel_loop3A_762 : vector<16xf32>
          %parallel_loop3A_774 = arith.constant 5.000000e-01 : f32
          %parallel_loop3A_775 = vector.broadcast %parallel_loop3A_774 : f32 to vector<16xf32>
          %parallel_loop3A_776 = arith.mulf %parallel_loop3A_773, %parallel_loop3A_775 : vector<16xf32>
          %parallel_loop3A_777 = arith.subf %parallel_loop3A_752, %parallel_loop3A_772 : vector<16xf32>
          %parallel_loop3A_778 = arith.constant 5.000000e-01 : f32
          %parallel_loop3A_779 = vector.broadcast %parallel_loop3A_778 : f32 to vector<16xf32>
          %parallel_loop3A_780 = arith.mulf %parallel_loop3A_777, %parallel_loop3A_779 : vector<16xf32>
          %parallel_loop3A_781 = arith.addf %parallel_loop3A_742, %parallel_loop3A_762 : vector<16xf32>
          %parallel_loop3A_782 = arith.constant 5.000000e-01 : f32
          %parallel_loop3A_783 = vector.broadcast %parallel_loop3A_782 : f32 to vector<16xf32>
          %parallel_loop3A_784 = arith.mulf %parallel_loop3A_781, %parallel_loop3A_783 : vector<16xf32>
          %parallel_loop3A_785 = arith.addf %parallel_loop3A_752, %parallel_loop3A_772 : vector<16xf32>
          %parallel_loop3A_786 = arith.constant 5.000000e-01 : f32
          %parallel_loop3A_787 = vector.broadcast %parallel_loop3A_786 : f32 to vector<16xf32>
          %parallel_loop3A_788 = arith.mulf %parallel_loop3A_785, %parallel_loop3A_787 : vector<16xf32>
          %parallel_loop3A_789 = arith.constant 0 : i32
          %parallel_loop3A_790 = vector.broadcast %parallel_loop3A_789 : i32 to vector<16xi32>
          %parallel_loop3A_791 = arith.addi %mul3A_515, %parallel_loop3A_790 : vector<16xi32>
          %parallel_loop3A_792 = arith.constant 1 : i32
          %parallel_loop3A_793 = vector.broadcast %parallel_loop3A_792 : i32 to vector<16xi32>
          %parallel_loop3A_794 = arith.addi %parallel_loop3A_791, %parallel_loop3A_793 : vector<16xi32>
          %parallel_loop3A_795 = arith.subf %parallel_loop3A_776, %parallel_loop3A_780 : vector<16xf32>
          %parallel_loop3A_796 = arith.constant 0 : i32
          %parallel_loop3A_797 = arith.constant 0 : i32
          %parallel_loop3A_798 = arith.constant 0 : i32
          %parallel_loop3A_799 = tpu.memref_slice %run_scoped3A_14[%rem3A_512, %parallel_loop3A_796, %parallel_loop3A_797, %parallel_loop3A_798] : memref<2x1x96x192xf32, #tpu.memory_space<vmem>> -> memref<1x1x96x192xf32, #tpu.memory_space<vmem>>
          %parallel_loop3A_800 = tpu.memref_squeeze %parallel_loop3A_799 : memref<1x1x96x192xf32, #tpu.memory_space<vmem>> -> memref<1x96x192xf32, #tpu.memory_space<vmem>>
          %parallel_loop3A_801 = arith.constant 0 : i32
          %parallel_loop3A_802 = arith.constant 0 : i32
          %parallel_loop3A_803 = tpu.memref_slice %parallel_loop3A_800[%parallel_loop3A_519, %parallel_loop3A_801, %parallel_loop3A_802] : memref<1x96x192xf32, #tpu.memory_space<vmem>> -> memref<1x96x192xf32, #tpu.memory_space<vmem>>
          %parallel_loop3A_804 = tpu.memref_squeeze %parallel_loop3A_803 : memref<1x96x192xf32, #tpu.memory_space<vmem>> -> memref<96x192xf32, #tpu.memory_space<vmem>>
          tpu.vector_store_idx %parallel_loop3A_804[%parallel_loop3A_729, %parallel_loop3A_791], %parallel_loop3A_795 : memref<96x192xf32, #tpu.memory_space<vmem>>[vector<16xi32>, vector<16xi32>], vector<16xf32>,
          %parallel_loop3A_805 = arith.subf %parallel_loop3A_784, %parallel_loop3A_788 : vector<16xf32>
          %parallel_loop3A_806 = arith.constant 0 : i32
          %parallel_loop3A_807 = arith.constant 0 : i32
          %parallel_loop3A_808 = arith.constant 0 : i32
          %parallel_loop3A_809 = tpu.memref_slice %run_scoped3A_14[%rem3A_512, %parallel_loop3A_806, %parallel_loop3A_807, %parallel_loop3A_808] : memref<2x1x96x192xf32, #tpu.memory_space<vmem>> -> memref<1x1x96x192xf32, #tpu.memory_space<vmem>>
          %parallel_loop3A_810 = tpu.memref_squeeze %parallel_loop3A_809 : memref<1x1x96x192xf32, #tpu.memory_space<vmem>> -> memref<1x96x192xf32, #tpu.memory_space<vmem>>
          %parallel_loop3A_811 = arith.constant 0 : i32
          %parallel_loop3A_812 = arith.constant 0 : i32
          %parallel_loop3A_813 = tpu.memref_slice %parallel_loop3A_810[%parallel_loop3A_519, %parallel_loop3A_811, %parallel_loop3A_812] : memref<1x96x192xf32, #tpu.memory_space<vmem>> -> memref<1x96x192xf32, #tpu.memory_space<vmem>>
          %parallel_loop3A_814 = tpu.memref_squeeze %parallel_loop3A_813 : memref<1x96x192xf32, #tpu.memory_space<vmem>> -> memref<96x192xf32, #tpu.memory_space<vmem>>
          tpu.vector_store_idx %parallel_loop3A_814[%parallel_loop3A_729, %parallel_loop3A_794], %parallel_loop3A_805 : memref<96x192xf32, #tpu.memory_space<vmem>>[vector<16xi32>, vector<16xi32>], vector<16xf32>,
          %parallel_loop3A_815 = arith.addf %parallel_loop3A_776, %parallel_loop3A_780 : vector<16xf32>
          %parallel_loop3A_816 = arith.constant 0 : i32
          %parallel_loop3A_817 = arith.constant 0 : i32
          %parallel_loop3A_818 = arith.constant 0 : i32
          %parallel_loop3A_819 = tpu.memref_slice %run_scoped3A_14[%rem3A_512, %parallel_loop3A_816, %parallel_loop3A_817, %parallel_loop3A_818] : memref<2x1x96x192xf32, #tpu.memory_space<vmem>> -> memref<1x1x96x192xf32, #tpu.memory_space<vmem>>
          %parallel_loop3A_820 = tpu.memref_squeeze %parallel_loop3A_819 : memref<1x1x96x192xf32, #tpu.memory_space<vmem>> -> memref<1x96x192xf32, #tpu.memory_space<vmem>>
          %parallel_loop3A_821 = arith.constant 0 : i32
          %parallel_loop3A_822 = arith.constant 0 : i32
          %parallel_loop3A_823 = tpu.memref_slice %parallel_loop3A_820[%parallel_loop3A_519, %parallel_loop3A_821, %parallel_loop3A_822] : memref<1x96x192xf32, #tpu.memory_space<vmem>> -> memref<1x96x192xf32, #tpu.memory_space<vmem>>
          %parallel_loop3A_824 = tpu.memref_squeeze %parallel_loop3A_823 : memref<1x96x192xf32, #tpu.memory_space<vmem>> -> memref<96x192xf32, #tpu.memory_space<vmem>>
          tpu.vector_store_idx %parallel_loop3A_824[%parallel_loop3A_732, %parallel_loop3A_791], %parallel_loop3A_815 : memref<96x192xf32, #tpu.memory_space<vmem>>[vector<16xi32>, vector<16xi32>], vector<16xf32>,
          %parallel_loop3A_825 = arith.addf %parallel_loop3A_784, %parallel_loop3A_788 : vector<16xf32>
          %parallel_loop3A_826 = arith.constant 0 : i32
          %parallel_loop3A_827 = arith.constant 0 : i32
          %parallel_loop3A_828 = arith.constant 0 : i32
          %parallel_loop3A_829 = tpu.memref_slice %run_scoped3A_14[%rem3A_512, %parallel_loop3A_826, %parallel_loop3A_827, %parallel_loop3A_828] : memref<2x1x96x192xf32, #tpu.memory_space<vmem>> -> memref<1x1x96x192xf32, #tpu.memory_space<vmem>>
          %parallel_loop3A_830 = tpu.memref_squeeze %parallel_loop3A_829 : memref<1x1x96x192xf32, #tpu.memory_space<vmem>> -> memref<1x96x192xf32, #tpu.memory_space<vmem>>
          %parallel_loop3A_831 = arith.constant 0 : i32
          %parallel_loop3A_832 = arith.constant 0 : i32
          %parallel_loop3A_833 = tpu.memref_slice %parallel_loop3A_830[%parallel_loop3A_519, %parallel_loop3A_831, %parallel_loop3A_832] : memref<1x96x192xf32, #tpu.memory_space<vmem>> -> memref<1x96x192xf32, #tpu.memory_space<vmem>>
          %parallel_loop3A_834 = tpu.memref_squeeze %parallel_loop3A_833 : memref<1x96x192xf32, #tpu.memory_space<vmem>> -> memref<96x192xf32, #tpu.memory_space<vmem>>
          tpu.vector_store_idx %parallel_loop3A_834[%parallel_loop3A_732, %parallel_loop3A_794], %parallel_loop3A_825 : memref<96x192xf32, #tpu.memory_space<vmem>>[vector<16xi32>, vector<16xi32>], vector<16xf32>,
          %parallel_loop3A_835 = arith.constant 0 : i32
          %parallel_loop3A_836 = arith.constant 0 : i32
          %parallel_loop3A_837 = arith.constant 0 : i32
          %parallel_loop3A_838 = arith.constant 0 : i32
          %parallel_loop3A_839 = tpu.memref_slice %run_scoped3A[%rem3A_504, %parallel_loop3A_836, %parallel_loop3A_837, %parallel_loop3A_838] : memref<2x1x48x96xf32, #tpu.memory_space<vmem>> -> memref<1x1x48x96xf32, #tpu.memory_space<vmem>>
          %parallel_loop3A_840 = tpu.memref_squeeze %parallel_loop3A_839 : memref<1x1x48x96xf32, #tpu.memory_space<vmem>> -> memref<1x48x96xf32, #tpu.memory_space<vmem>>
          %parallel_loop3A_841 = arith.index_cast %parallel_loop3A_835 : i32 to index
          %parallel_loop3A_842 = arith.index_cast %parallel_loop3A_725 : i32 to index
          %parallel_loop3A_843 = arith.constant 16 : index
          %parallel_loop3A_844 = tpu.vector_load %parallel_loop3A_840[%parallel_loop3A_841, %parallel_loop3A_842, %parallel_loop3A_843] {strides = array<i32>} : memref<1x48x96xf32, #tpu.memory_space<vmem>>, vector<16xf32>,
          %parallel_loop3A_845 = arith.constant 0 : i32
          %parallel_loop3A_846 = arith.constant 0 : i32
          %parallel_loop3A_847 = arith.constant 0 : i32
          %parallel_loop3A_848 = arith.constant 0 : i32
          %parallel_loop3A_849 = tpu.memref_slice %run_scoped3A_8[%rem3A_506, %parallel_loop3A_846, %parallel_loop3A_847, %parallel_loop3A_848] : memref<2x1x48x96xf32, #tpu.memory_space<vmem>> -> memref<1x1x48x96xf32, #tpu.memory_space<vmem>>
          %parallel_loop3A_850 = tpu.memref_squeeze %parallel_loop3A_849 : memref<1x1x48x96xf32, #tpu.memory_space<vmem>> -> memref<1x48x96xf32, #tpu.memory_space<vmem>>
          %parallel_loop3A_851 = arith.index_cast %parallel_loop3A_845 : i32 to index
          %parallel_loop3A_852 = arith.index_cast %parallel_loop3A_725 : i32 to index
          %parallel_loop3A_853 = arith.constant 16 : index
          %parallel_loop3A_854 = tpu.vector_load %parallel_loop3A_850[%parallel_loop3A_851, %parallel_loop3A_852, %parallel_loop3A_853] {strides = array<i32>} : memref<1x48x96xf32, #tpu.memory_space<vmem>>, vector<16xf32>,
          %parallel_loop3A_855 = arith.constant 0 : i32
          %parallel_loop3A_856 = arith.constant 0 : i32
          %parallel_loop3A_857 = arith.constant 0 : i32
          %parallel_loop3A_858 = arith.constant 0 : i32
          %parallel_loop3A_859 = tpu.memref_slice %run_scoped3A_10[%rem3A_508, %parallel_loop3A_856, %parallel_loop3A_857, %parallel_loop3A_858] : memref<2x1x48x96xf32, #tpu.memory_space<vmem>> -> memref<1x1x48x96xf32, #tpu.memory_space<vmem>>
          %parallel_loop3A_860 = tpu.memref_squeeze %parallel_loop3A_859 : memref<1x1x48x96xf32, #tpu.memory_space<vmem>> -> memref<1x48x96xf32, #tpu.memory_space<vmem>>
          %parallel_loop3A_861 = arith.index_cast %parallel_loop3A_855 : i32 to index
          %parallel_loop3A_862 = arith.index_cast %parallel_loop3A_725 : i32 to index
          %parallel_loop3A_863 = arith.constant 16 : index
          %parallel_loop3A_864 = tpu.vector_load %parallel_loop3A_860[%parallel_loop3A_861, %parallel_loop3A_862, %parallel_loop3A_863] {strides = array<i32>} : memref<1x48x96xf32, #tpu.memory_space<vmem>>, vector<16xf32>,
          %parallel_loop3A_865 = arith.constant 0 : i32
          %parallel_loop3A_866 = arith.constant 0 : i32
          %parallel_loop3A_867 = arith.constant 0 : i32
          %parallel_loop3A_868 = arith.constant 0 : i32
          %parallel_loop3A_869 = tpu.memref_slice %run_scoped3A_12[%rem3A_510, %parallel_loop3A_866, %parallel_loop3A_867, %parallel_loop3A_868] : memref<2x1x48x96xf32, #tpu.memory_space<vmem>> -> memref<1x1x48x96xf32, #tpu.memory_space<vmem>>
          %parallel_loop3A_870 = tpu.memref_squeeze %parallel_loop3A_869 : memref<1x1x48x96xf32, #tpu.memory_space<vmem>> -> memref<1x48x96xf32, #tpu.memory_space<vmem>>
          %parallel_loop3A_871 = arith.index_cast %parallel_loop3A_865 : i32 to index
          %parallel_loop3A_872 = arith.index_cast %parallel_loop3A_725 : i32 to index
          %parallel_loop3A_873 = arith.constant 16 : index
          %parallel_loop3A_874 = tpu.vector_load %parallel_loop3A_870[%parallel_loop3A_871, %parallel_loop3A_872, %parallel_loop3A_873] {strides = array<i32>} : memref<1x48x96xf32, #tpu.memory_space<vmem>>, vector<16xf32>,
          %parallel_loop3A_875 = arith.subf %parallel_loop3A_844, %parallel_loop3A_864 : vector<16xf32>
          %parallel_loop3A_876 = arith.constant 5.000000e-01 : f32
          %parallel_loop3A_877 = vector.broadcast %parallel_loop3A_876 : f32 to vector<16xf32>
          %parallel_loop3A_878 = arith.mulf %parallel_loop3A_875, %parallel_loop3A_877 : vector<16xf32>
          %parallel_loop3A_879 = arith.subf %parallel_loop3A_854, %parallel_loop3A_874 : vector<16xf32>
          %parallel_loop3A_880 = arith.constant 5.000000e-01 : f32
          %parallel_loop3A_881 = vector.broadcast %parallel_loop3A_880 : f32 to vector<16xf32>
          %parallel_loop3A_882 = arith.mulf %parallel_loop3A_879, %parallel_loop3A_881 : vector<16xf32>
          %parallel_loop3A_883 = arith.addf %parallel_loop3A_844, %parallel_loop3A_864 : vector<16xf32>
          %parallel_loop3A_884 = arith.constant 5.000000e-01 : f32
          %parallel_loop3A_885 = vector.broadcast %parallel_loop3A_884 : f32 to vector<16xf32>
          %parallel_loop3A_886 = arith.mulf %parallel_loop3A_883, %parallel_loop3A_885 : vector<16xf32>
          %parallel_loop3A_887 = arith.addf %parallel_loop3A_854, %parallel_loop3A_874 : vector<16xf32>
          %parallel_loop3A_888 = arith.constant 5.000000e-01 : f32
          %parallel_loop3A_889 = vector.broadcast %parallel_loop3A_888 : f32 to vector<16xf32>
          %parallel_loop3A_890 = arith.mulf %parallel_loop3A_887, %parallel_loop3A_889 : vector<16xf32>
          %parallel_loop3A_891 = arith.constant 32 : i32
          %parallel_loop3A_892 = vector.broadcast %parallel_loop3A_891 : i32 to vector<16xi32>
          %parallel_loop3A_893 = arith.addi %mul3A_515, %parallel_loop3A_892 : vector<16xi32>
          %parallel_loop3A_894 = arith.constant 1 : i32
          %parallel_loop3A_895 = vector.broadcast %parallel_loop3A_894 : i32 to vector<16xi32>
          %parallel_loop3A_896 = arith.addi %parallel_loop3A_893, %parallel_loop3A_895 : vector<16xi32>
          %parallel_loop3A_897 = arith.subf %parallel_loop3A_878, %parallel_loop3A_882 : vector<16xf32>
          %parallel_loop3A_898 = arith.constant 0 : i32
          %parallel_loop3A_899 = arith.constant 0 : i32
          %parallel_loop3A_900 = arith.constant 0 : i32
          %parallel_loop3A_901 = tpu.memref_slice %run_scoped3A_14[%rem3A_512, %parallel_loop3A_898, %parallel_loop3A_899, %parallel_loop3A_900] : memref<2x1x96x192xf32, #tpu.memory_space<vmem>> -> memref<1x1x96x192xf32, #tpu.memory_space<vmem>>
          %parallel_loop3A_902 = tpu.memref_squeeze %parallel_loop3A_901 : memref<1x1x96x192xf32, #tpu.memory_space<vmem>> -> memref<1x96x192xf32, #tpu.memory_space<vmem>>
          %parallel_loop3A_903 = arith.constant 0 : i32
          %parallel_loop3A_904 = arith.constant 0 : i32
          %parallel_loop3A_905 = tpu.memref_slice %parallel_loop3A_902[%parallel_loop3A_519, %parallel_loop3A_903, %parallel_loop3A_904] : memref<1x96x192xf32, #tpu.memory_space<vmem>> -> memref<1x96x192xf32, #tpu.memory_space<vmem>>
          %parallel_loop3A_906 = tpu.memref_squeeze %parallel_loop3A_905 : memref<1x96x192xf32, #tpu.memory_space<vmem>> -> memref<96x192xf32, #tpu.memory_space<vmem>>
          tpu.vector_store_idx %parallel_loop3A_906[%parallel_loop3A_729, %parallel_loop3A_893], %parallel_loop3A_897 : memref<96x192xf32, #tpu.memory_space<vmem>>[vector<16xi32>, vector<16xi32>], vector<16xf32>,
          %parallel_loop3A_907 = arith.subf %parallel_loop3A_886, %parallel_loop3A_890 : vector<16xf32>
          %parallel_loop3A_908 = arith.constant 0 : i32
          %parallel_loop3A_909 = arith.constant 0 : i32
          %parallel_loop3A_910 = arith.constant 0 : i32
          %parallel_loop3A_911 = tpu.memref_slice %run_scoped3A_14[%rem3A_512, %parallel_loop3A_908, %parallel_loop3A_909, %parallel_loop3A_910] : memref<2x1x96x192xf32, #tpu.memory_space<vmem>> -> memref<1x1x96x192xf32, #tpu.memory_space<vmem>>
          %parallel_loop3A_912 = tpu.memref_squeeze %parallel_loop3A_911 : memref<1x1x96x192xf32, #tpu.memory_space<vmem>> -> memref<1x96x192xf32, #tpu.memory_space<vmem>>
          %parallel_loop3A_913 = arith.constant 0 : i32
          %parallel_loop3A_914 = arith.constant 0 : i32
          %parallel_loop3A_915 = tpu.memref_slice %parallel_loop3A_912[%parallel_loop3A_519, %parallel_loop3A_913, %parallel_loop3A_914] : memref<1x96x192xf32, #tpu.memory_space<vmem>> -> memref<1x96x192xf32, #tpu.memory_space<vmem>>
          %parallel_loop3A_916 = tpu.memref_squeeze %parallel_loop3A_915 : memref<1x96x192xf32, #tpu.memory_space<vmem>> -> memref<96x192xf32, #tpu.memory_space<vmem>>
          tpu.vector_store_idx %parallel_loop3A_916[%parallel_loop3A_729, %parallel_loop3A_896], %parallel_loop3A_907 : memref<96x192xf32, #tpu.memory_space<vmem>>[vector<16xi32>, vector<16xi32>], vector<16xf32>,
          %parallel_loop3A_917 = arith.addf %parallel_loop3A_878, %parallel_loop3A_882 : vector<16xf32>
          %parallel_loop3A_918 = arith.constant 0 : i32
          %parallel_loop3A_919 = arith.constant 0 : i32
          %parallel_loop3A_920 = arith.constant 0 : i32
          %parallel_loop3A_921 = tpu.memref_slice %run_scoped3A_14[%rem3A_512, %parallel_loop3A_918, %parallel_loop3A_919, %parallel_loop3A_920] : memref<2x1x96x192xf32, #tpu.memory_space<vmem>> -> memref<1x1x96x192xf32, #tpu.memory_space<vmem>>
          %parallel_loop3A_922 = tpu.memref_squeeze %parallel_loop3A_921 : memref<1x1x96x192xf32, #tpu.memory_space<vmem>> -> memref<1x96x192xf32, #tpu.memory_space<vmem>>
          %parallel_loop3A_923 = arith.constant 0 : i32
          %parallel_loop3A_924 = arith.constant 0 : i32
          %parallel_loop3A_925 = tpu.memref_slice %parallel_loop3A_922[%parallel_loop3A_519, %parallel_loop3A_923, %parallel_loop3A_924] : memref<1x96x192xf32, #tpu.memory_space<vmem>> -> memref<1x96x192xf32, #tpu.memory_space<vmem>>
          %parallel_loop3A_926 = tpu.memref_squeeze %parallel_loop3A_925 : memref<1x96x192xf32, #tpu.memory_space<vmem>> -> memref<96x192xf32, #tpu.memory_space<vmem>>
          tpu.vector_store_idx %parallel_loop3A_926[%parallel_loop3A_732, %parallel_loop3A_893], %parallel_loop3A_917 : memref<96x192xf32, #tpu.memory_space<vmem>>[vector<16xi32>, vector<16xi32>], vector<16xf32>,
          %parallel_loop3A_927 = arith.addf %parallel_loop3A_886, %parallel_loop3A_890 : vector<16xf32>
          %parallel_loop3A_928 = arith.constant 0 : i32
          %parallel_loop3A_929 = arith.constant 0 : i32
          %parallel_loop3A_930 = arith.constant 0 : i32
          %parallel_loop3A_931 = tpu.memref_slice %run_scoped3A_14[%rem3A_512, %parallel_loop3A_928, %parallel_loop3A_929, %parallel_loop3A_930] : memref<2x1x96x192xf32, #tpu.memory_space<vmem>> -> memref<1x1x96x192xf32, #tpu.memory_space<vmem>>
          %parallel_loop3A_932 = tpu.memref_squeeze %parallel_loop3A_931 : memref<1x1x96x192xf32, #tpu.memory_space<vmem>> -> memref<1x96x192xf32, #tpu.memory_space<vmem>>
          %parallel_loop3A_933 = arith.constant 0 : i32
          %parallel_loop3A_934 = arith.constant 0 : i32
          %parallel_loop3A_935 = tpu.memref_slice %parallel_loop3A_932[%parallel_loop3A_519, %parallel_loop3A_933, %parallel_loop3A_934] : memref<1x96x192xf32, #tpu.memory_space<vmem>> -> memref<1x96x192xf32, #tpu.memory_space<vmem>>
          %parallel_loop3A_936 = tpu.memref_squeeze %parallel_loop3A_935 : memref<1x96x192xf32, #tpu.memory_space<vmem>> -> memref<96x192xf32, #tpu.memory_space<vmem>>
          tpu.vector_store_idx %parallel_loop3A_936[%parallel_loop3A_732, %parallel_loop3A_896], %parallel_loop3A_927 : memref<96x192xf32, #tpu.memory_space<vmem>>[vector<16xi32>, vector<16xi32>], vector<16xf32>,
          %parallel_loop3A_937 = arith.constant 0 : i32
          %parallel_loop3A_938 = arith.constant 0 : i32
          %parallel_loop3A_939 = arith.constant 0 : i32
          %parallel_loop3A_940 = arith.constant 0 : i32
          %parallel_loop3A_941 = tpu.memref_slice %run_scoped3A[%rem3A_504, %parallel_loop3A_938, %parallel_loop3A_939, %parallel_loop3A_940] : memref<2x1x48x96xf32, #tpu.memory_space<vmem>> -> memref<1x1x48x96xf32, #tpu.memory_space<vmem>>
          %parallel_loop3A_942 = tpu.memref_squeeze %parallel_loop3A_941 : memref<1x1x48x96xf32, #tpu.memory_space<vmem>> -> memref<1x48x96xf32, #tpu.memory_space<vmem>>
          %parallel_loop3A_943 = arith.index_cast %parallel_loop3A_937 : i32 to index
          %parallel_loop3A_944 = arith.index_cast %parallel_loop3A_725 : i32 to index
          %parallel_loop3A_945 = arith.constant 32 : index
          %parallel_loop3A_946 = tpu.vector_load %parallel_loop3A_942[%parallel_loop3A_943, %parallel_loop3A_944, %parallel_loop3A_945] {strides = array<i32>} : memref<1x48x96xf32, #tpu.memory_space<vmem>>, vector<16xf32>,
          %parallel_loop3A_947 = arith.constant 0 : i32
          %parallel_loop3A_948 = arith.constant 0 : i32
          %parallel_loop3A_949 = arith.constant 0 : i32
          %parallel_loop3A_950 = arith.constant 0 : i32
          %parallel_loop3A_951 = tpu.memref_slice %run_scoped3A_8[%rem3A_506, %parallel_loop3A_948, %parallel_loop3A_949, %parallel_loop3A_950] : memref<2x1x48x96xf32, #tpu.memory_space<vmem>> -> memref<1x1x48x96xf32, #tpu.memory_space<vmem>>
          %parallel_loop3A_952 = tpu.memref_squeeze %parallel_loop3A_951 : memref<1x1x48x96xf32, #tpu.memory_space<vmem>> -> memref<1x48x96xf32, #tpu.memory_space<vmem>>
          %parallel_loop3A_953 = arith.index_cast %parallel_loop3A_947 : i32 to index
          %parallel_loop3A_954 = arith.index_cast %parallel_loop3A_725 : i32 to index
          %parallel_loop3A_955 = arith.constant 32 : index
          %parallel_loop3A_956 = tpu.vector_load %parallel_loop3A_952[%parallel_loop3A_953, %parallel_loop3A_954, %parallel_loop3A_955] {strides = array<i32>} : memref<1x48x96xf32, #tpu.memory_space<vmem>>, vector<16xf32>,
          %parallel_loop3A_957 = arith.constant 0 : i32
          %parallel_loop3A_958 = arith.constant 0 : i32
          %parallel_loop3A_959 = arith.constant 0 : i32
          %parallel_loop3A_960 = arith.constant 0 : i32
          %parallel_loop3A_961 = tpu.memref_slice %run_scoped3A_10[%rem3A_508, %parallel_loop3A_958, %parallel_loop3A_959, %parallel_loop3A_960] : memref<2x1x48x96xf32, #tpu.memory_space<vmem>> -> memref<1x1x48x96xf32, #tpu.memory_space<vmem>>
          %parallel_loop3A_962 = tpu.memref_squeeze %parallel_loop3A_961 : memref<1x1x48x96xf32, #tpu.memory_space<vmem>> -> memref<1x48x96xf32, #tpu.memory_space<vmem>>
          %parallel_loop3A_963 = arith.index_cast %parallel_loop3A_957 : i32 to index
          %parallel_loop3A_964 = arith.index_cast %parallel_loop3A_725 : i32 to index
          %parallel_loop3A_965 = arith.constant 32 : index
          %parallel_loop3A_966 = tpu.vector_load %parallel_loop3A_962[%parallel_loop3A_963, %parallel_loop3A_964, %parallel_loop3A_965] {strides = array<i32>} : memref<1x48x96xf32, #tpu.memory_space<vmem>>, vector<16xf32>,
          %parallel_loop3A_967 = arith.constant 0 : i32
          %parallel_loop3A_968 = arith.constant 0 : i32
          %parallel_loop3A_969 = arith.constant 0 : i32
          %parallel_loop3A_970 = arith.constant 0 : i32
          %parallel_loop3A_971 = tpu.memref_slice %run_scoped3A_12[%rem3A_510, %parallel_loop3A_968, %parallel_loop3A_969, %parallel_loop3A_970] : memref<2x1x48x96xf32, #tpu.memory_space<vmem>> -> memref<1x1x48x96xf32, #tpu.memory_space<vmem>>
          %parallel_loop3A_972 = tpu.memref_squeeze %parallel_loop3A_971 : memref<1x1x48x96xf32, #tpu.memory_space<vmem>> -> memref<1x48x96xf32, #tpu.memory_space<vmem>>
          %parallel_loop3A_973 = arith.index_cast %parallel_loop3A_967 : i32 to index
          %parallel_loop3A_974 = arith.index_cast %parallel_loop3A_725 : i32 to index
          %parallel_loop3A_975 = arith.constant 32 : index
          %parallel_loop3A_976 = tpu.vector_load %parallel_loop3A_972[%parallel_loop3A_973, %parallel_loop3A_974, %parallel_loop3A_975] {strides = array<i32>} : memref<1x48x96xf32, #tpu.memory_space<vmem>>, vector<16xf32>,
          %parallel_loop3A_977 = arith.subf %parallel_loop3A_946, %parallel_loop3A_966 : vector<16xf32>
          %parallel_loop3A_978 = arith.constant 5.000000e-01 : f32
          %parallel_loop3A_979 = vector.broadcast %parallel_loop3A_978 : f32 to vector<16xf32>
          %parallel_loop3A_980 = arith.mulf %parallel_loop3A_977, %parallel_loop3A_979 : vector<16xf32>
          %parallel_loop3A_981 = arith.subf %parallel_loop3A_956, %parallel_loop3A_976 : vector<16xf32>
          %parallel_loop3A_982 = arith.constant 5.000000e-01 : f32
          %parallel_loop3A_983 = vector.broadcast %parallel_loop3A_982 : f32 to vector<16xf32>
          %parallel_loop3A_984 = arith.mulf %parallel_loop3A_981, %parallel_loop3A_983 : vector<16xf32>
          %parallel_loop3A_985 = arith.addf %parallel_loop3A_946, %parallel_loop3A_966 : vector<16xf32>
          %parallel_loop3A_986 = arith.constant 5.000000e-01 : f32
          %parallel_loop3A_987 = vector.broadcast %parallel_loop3A_986 : f32 to vector<16xf32>
          %parallel_loop3A_988 = arith.mulf %parallel_loop3A_985, %parallel_loop3A_987 : vector<16xf32>
          %parallel_loop3A_989 = arith.addf %parallel_loop3A_956, %parallel_loop3A_976 : vector<16xf32>
          %parallel_loop3A_990 = arith.constant 5.000000e-01 : f32
          %parallel_loop3A_991 = vector.broadcast %parallel_loop3A_990 : f32 to vector<16xf32>
          %parallel_loop3A_992 = arith.mulf %parallel_loop3A_989, %parallel_loop3A_991 : vector<16xf32>
          %parallel_loop3A_993 = arith.constant 64 : i32
          %parallel_loop3A_994 = vector.broadcast %parallel_loop3A_993 : i32 to vector<16xi32>
          %parallel_loop3A_995 = arith.addi %mul3A_515, %parallel_loop3A_994 : vector<16xi32>
          %parallel_loop3A_996 = arith.constant 1 : i32
          %parallel_loop3A_997 = vector.broadcast %parallel_loop3A_996 : i32 to vector<16xi32>
          %parallel_loop3A_998 = arith.addi %parallel_loop3A_995, %parallel_loop3A_997 : vector<16xi32>
          %parallel_loop3A_999 = arith.subf %parallel_loop3A_980, %parallel_loop3A_984 : vector<16xf32>
          %parallel_loop3A_1000 = arith.constant 0 : i32
          %parallel_loop3A_1001 = arith.constant 0 : i32
          %parallel_loop3A_1002 = arith.constant 0 : i32
          %parallel_loop3A_1003 = tpu.memref_slice %run_scoped3A_14[%rem3A_512, %parallel_loop3A_1000, %parallel_loop3A_1001, %parallel_loop3A_1002] : memref<2x1x96x192xf32, #tpu.memory_space<vmem>> -> memref<1x1x96x192xf32, #tpu.memory_space<vmem>>
          %parallel_loop3A_1004 = tpu.memref_squeeze %parallel_loop3A_1003 : memref<1x1x96x192xf32, #tpu.memory_space<vmem>> -> memref<1x96x192xf32, #tpu.memory_space<vmem>>
          %parallel_loop3A_1005 = arith.constant 0 : i32
          %parallel_loop3A_1006 = arith.constant 0 : i32
          %parallel_loop3A_1007 = tpu.memref_slice %parallel_loop3A_1004[%parallel_loop3A_519, %parallel_loop3A_1005, %parallel_loop3A_1006] : memref<1x96x192xf32, #tpu.memory_space<vmem>> -> memref<1x96x192xf32, #tpu.memory_space<vmem>>
          %parallel_loop3A_1008 = tpu.memref_squeeze %parallel_loop3A_1007 : memref<1x96x192xf32, #tpu.memory_space<vmem>> -> memref<96x192xf32, #tpu.memory_space<vmem>>
          tpu.vector_store_idx %parallel_loop3A_1008[%parallel_loop3A_729, %parallel_loop3A_995], %parallel_loop3A_999 : memref<96x192xf32, #tpu.memory_space<vmem>>[vector<16xi32>, vector<16xi32>], vector<16xf32>,
          %parallel_loop3A_1009 = arith.subf %parallel_loop3A_988, %parallel_loop3A_992 : vector<16xf32>
          %parallel_loop3A_1010 = arith.constant 0 : i32
          %parallel_loop3A_1011 = arith.constant 0 : i32
          %parallel_loop3A_1012 = arith.constant 0 : i32
          %parallel_loop3A_1013 = tpu.memref_slice %run_scoped3A_14[%rem3A_512, %parallel_loop3A_1010, %parallel_loop3A_1011, %parallel_loop3A_1012] : memref<2x1x96x192xf32, #tpu.memory_space<vmem>> -> memref<1x1x96x192xf32, #tpu.memory_space<vmem>>
          %parallel_loop3A_1014 = tpu.memref_squeeze %parallel_loop3A_1013 : memref<1x1x96x192xf32, #tpu.memory_space<vmem>> -> memref<1x96x192xf32, #tpu.memory_space<vmem>>
          %parallel_loop3A_1015 = arith.constant 0 : i32
          %parallel_loop3A_1016 = arith.constant 0 : i32
          %parallel_loop3A_1017 = tpu.memref_slice %parallel_loop3A_1014[%parallel_loop3A_519, %parallel_loop3A_1015, %parallel_loop3A_1016] : memref<1x96x192xf32, #tpu.memory_space<vmem>> -> memref<1x96x192xf32, #tpu.memory_space<vmem>>
          %parallel_loop3A_1018 = tpu.memref_squeeze %parallel_loop3A_1017 : memref<1x96x192xf32, #tpu.memory_space<vmem>> -> memref<96x192xf32, #tpu.memory_space<vmem>>
          tpu.vector_store_idx %parallel_loop3A_1018[%parallel_loop3A_729, %parallel_loop3A_998], %parallel_loop3A_1009 : memref<96x192xf32, #tpu.memory_space<vmem>>[vector<16xi32>, vector<16xi32>], vector<16xf32>,
          %parallel_loop3A_1019 = arith.addf %parallel_loop3A_980, %parallel_loop3A_984 : vector<16xf32>
          %parallel_loop3A_1020 = arith.constant 0 : i32
          %parallel_loop3A_1021 = arith.constant 0 : i32
          %parallel_loop3A_1022 = arith.constant 0 : i32
          %parallel_loop3A_1023 = tpu.memref_slice %run_scoped3A_14[%rem3A_512, %parallel_loop3A_1020, %parallel_loop3A_1021, %parallel_loop3A_1022] : memref<2x1x96x192xf32, #tpu.memory_space<vmem>> -> memref<1x1x96x192xf32, #tpu.memory_space<vmem>>
          %parallel_loop3A_1024 = tpu.memref_squeeze %parallel_loop3A_1023 : memref<1x1x96x192xf32, #tpu.memory_space<vmem>> -> memref<1x96x192xf32, #tpu.memory_space<vmem>>
          %parallel_loop3A_1025 = arith.constant 0 : i32
          %parallel_loop3A_1026 = arith.constant 0 : i32
          %parallel_loop3A_1027 = tpu.memref_slice %parallel_loop3A_1024[%parallel_loop3A_519, %parallel_loop3A_1025, %parallel_loop3A_1026] : memref<1x96x192xf32, #tpu.memory_space<vmem>> -> memref<1x96x192xf32, #tpu.memory_space<vmem>>
          %parallel_loop3A_1028 = tpu.memref_squeeze %parallel_loop3A_1027 : memref<1x96x192xf32, #tpu.memory_space<vmem>> -> memref<96x192xf32, #tpu.memory_space<vmem>>
          tpu.vector_store_idx %parallel_loop3A_1028[%parallel_loop3A_732, %parallel_loop3A_995], %parallel_loop3A_1019 : memref<96x192xf32, #tpu.memory_space<vmem>>[vector<16xi32>, vector<16xi32>], vector<16xf32>,
          %parallel_loop3A_1029 = arith.addf %parallel_loop3A_988, %parallel_loop3A_992 : vector<16xf32>
          %parallel_loop3A_1030 = arith.constant 0 : i32
          %parallel_loop3A_1031 = arith.constant 0 : i32
          %parallel_loop3A_1032 = arith.constant 0 : i32
          %parallel_loop3A_1033 = tpu.memref_slice %run_scoped3A_14[%rem3A_512, %parallel_loop3A_1030, %parallel_loop3A_1031, %parallel_loop3A_1032] : memref<2x1x96x192xf32, #tpu.memory_space<vmem>> -> memref<1x1x96x192xf32, #tpu.memory_space<vmem>>
          %parallel_loop3A_1034 = tpu.memref_squeeze %parallel_loop3A_1033 : memref<1x1x96x192xf32, #tpu.memory_space<vmem>> -> memref<1x96x192xf32, #tpu.memory_space<vmem>>
          %parallel_loop3A_1035 = arith.constant 0 : i32
          %parallel_loop3A_1036 = arith.constant 0 : i32
          %parallel_loop3A_1037 = tpu.memref_slice %parallel_loop3A_1034[%parallel_loop3A_519, %parallel_loop3A_1035, %parallel_loop3A_1036] : memref<1x96x192xf32, #tpu.memory_space<vmem>> -> memref<1x96x192xf32, #tpu.memory_space<vmem>>
          %parallel_loop3A_1038 = tpu.memref_squeeze %parallel_loop3A_1037 : memref<1x96x192xf32, #tpu.memory_space<vmem>> -> memref<96x192xf32, #tpu.memory_space<vmem>>
          tpu.vector_store_idx %parallel_loop3A_1038[%parallel_loop3A_732, %parallel_loop3A_998], %parallel_loop3A_1029 : memref<96x192xf32, #tpu.memory_space<vmem>>[vector<16xi32>, vector<16xi32>], vector<16xf32>,
          %parallel_loop3A_1039 = arith.constant 0 : i32
          %parallel_loop3A_1040 = arith.constant 0 : i32
          %parallel_loop3A_1041 = arith.constant 0 : i32
          %parallel_loop3A_1042 = arith.constant 0 : i32
          %parallel_loop3A_1043 = tpu.memref_slice %run_scoped3A[%rem3A_504, %parallel_loop3A_1040, %parallel_loop3A_1041, %parallel_loop3A_1042] : memref<2x1x48x96xf32, #tpu.memory_space<vmem>> -> memref<1x1x48x96xf32, #tpu.memory_space<vmem>>
          %parallel_loop3A_1044 = tpu.memref_squeeze %parallel_loop3A_1043 : memref<1x1x48x96xf32, #tpu.memory_space<vmem>> -> memref<1x48x96xf32, #tpu.memory_space<vmem>>
          %parallel_loop3A_1045 = arith.index_cast %parallel_loop3A_1039 : i32 to index
          %parallel_loop3A_1046 = arith.index_cast %parallel_loop3A_725 : i32 to index
          %parallel_loop3A_1047 = arith.constant 48 : index
          %parallel_loop3A_1048 = tpu.vector_load %parallel_loop3A_1044[%parallel_loop3A_1045, %parallel_loop3A_1046, %parallel_loop3A_1047] {strides = array<i32>} : memref<1x48x96xf32, #tpu.memory_space<vmem>>, vector<16xf32>,
          %parallel_loop3A_1049 = arith.constant 0 : i32
          %parallel_loop3A_1050 = arith.constant 0 : i32
          %parallel_loop3A_1051 = arith.constant 0 : i32
          %parallel_loop3A_1052 = arith.constant 0 : i32
          %parallel_loop3A_1053 = tpu.memref_slice %run_scoped3A_8[%rem3A_506, %parallel_loop3A_1050, %parallel_loop3A_1051, %parallel_loop3A_1052] : memref<2x1x48x96xf32, #tpu.memory_space<vmem>> -> memref<1x1x48x96xf32, #tpu.memory_space<vmem>>
          %parallel_loop3A_1054 = tpu.memref_squeeze %parallel_loop3A_1053 : memref<1x1x48x96xf32, #tpu.memory_space<vmem>> -> memref<1x48x96xf32, #tpu.memory_space<vmem>>
          %parallel_loop3A_1055 = arith.index_cast %parallel_loop3A_1049 : i32 to index
          %parallel_loop3A_1056 = arith.index_cast %parallel_loop3A_725 : i32 to index
          %parallel_loop3A_1057 = arith.constant 48 : index
          %parallel_loop3A_1058 = tpu.vector_load %parallel_loop3A_1054[%parallel_loop3A_1055, %parallel_loop3A_1056, %parallel_loop3A_1057] {strides = array<i32>} : memref<1x48x96xf32, #tpu.memory_space<vmem>>, vector<16xf32>,
          %parallel_loop3A_1059 = arith.constant 0 : i32
          %parallel_loop3A_1060 = arith.constant 0 : i32
          %parallel_loop3A_1061 = arith.constant 0 : i32
          %parallel_loop3A_1062 = arith.constant 0 : i32
          %parallel_loop3A_1063 = tpu.memref_slice %run_scoped3A_10[%rem3A_508, %parallel_loop3A_1060, %parallel_loop3A_1061, %parallel_loop3A_1062] : memref<2x1x48x96xf32, #tpu.memory_space<vmem>> -> memref<1x1x48x96xf32, #tpu.memory_space<vmem>>
          %parallel_loop3A_1064 = tpu.memref_squeeze %parallel_loop3A_1063 : memref<1x1x48x96xf32, #tpu.memory_space<vmem>> -> memref<1x48x96xf32, #tpu.memory_space<vmem>>
          %parallel_loop3A_1065 = arith.index_cast %parallel_loop3A_1059 : i32 to index
          %parallel_loop3A_1066 = arith.index_cast %parallel_loop3A_725 : i32 to index
          %parallel_loop3A_1067 = arith.constant 48 : index
          %parallel_loop3A_1068 = tpu.vector_load %parallel_loop3A_1064[%parallel_loop3A_1065, %parallel_loop3A_1066, %parallel_loop3A_1067] {strides = array<i32>} : memref<1x48x96xf32, #tpu.memory_space<vmem>>, vector<16xf32>,
          %parallel_loop3A_1069 = arith.constant 0 : i32
          %parallel_loop3A_1070 = arith.constant 0 : i32
          %parallel_loop3A_1071 = arith.constant 0 : i32
          %parallel_loop3A_1072 = arith.constant 0 : i32
          %parallel_loop3A_1073 = tpu.memref_slice %run_scoped3A_12[%rem3A_510, %parallel_loop3A_1070, %parallel_loop3A_1071, %parallel_loop3A_1072] : memref<2x1x48x96xf32, #tpu.memory_space<vmem>> -> memref<1x1x48x96xf32, #tpu.memory_space<vmem>>
          %parallel_loop3A_1074 = tpu.memref_squeeze %parallel_loop3A_1073 : memref<1x1x48x96xf32, #tpu.memory_space<vmem>> -> memref<1x48x96xf32, #tpu.memory_space<vmem>>
          %parallel_loop3A_1075 = arith.index_cast %parallel_loop3A_1069 : i32 to index
          %parallel_loop3A_1076 = arith.index_cast %parallel_loop3A_725 : i32 to index
          %parallel_loop3A_1077 = arith.constant 48 : index
          %parallel_loop3A_1078 = tpu.vector_load %parallel_loop3A_1074[%parallel_loop3A_1075, %parallel_loop3A_1076, %parallel_loop3A_1077] {strides = array<i32>} : memref<1x48x96xf32, #tpu.memory_space<vmem>>, vector<16xf32>,
          %parallel_loop3A_1079 = arith.subf %parallel_loop3A_1048, %parallel_loop3A_1068 : vector<16xf32>
          %parallel_loop3A_1080 = arith.constant 5.000000e-01 : f32
          %parallel_loop3A_1081 = vector.broadcast %parallel_loop3A_1080 : f32 to vector<16xf32>
          %parallel_loop3A_1082 = arith.mulf %parallel_loop3A_1079, %parallel_loop3A_1081 : vector<16xf32>
          %parallel_loop3A_1083 = arith.subf %parallel_loop3A_1058, %parallel_loop3A_1078 : vector<16xf32>
          %parallel_loop3A_1084 = arith.constant 5.000000e-01 : f32
          %parallel_loop3A_1085 = vector.broadcast %parallel_loop3A_1084 : f32 to vector<16xf32>
          %parallel_loop3A_1086 = arith.mulf %parallel_loop3A_1083, %parallel_loop3A_1085 : vector<16xf32>
          %parallel_loop3A_1087 = arith.addf %parallel_loop3A_1048, %parallel_loop3A_1068 : vector<16xf32>
          %parallel_loop3A_1088 = arith.constant 5.000000e-01 : f32
          %parallel_loop3A_1089 = vector.broadcast %parallel_loop3A_1088 : f32 to vector<16xf32>
          %parallel_loop3A_1090 = arith.mulf %parallel_loop3A_1087, %parallel_loop3A_1089 : vector<16xf32>
          %parallel_loop3A_1091 = arith.addf %parallel_loop3A_1058, %parallel_loop3A_1078 : vector<16xf32>
          %parallel_loop3A_1092 = arith.constant 5.000000e-01 : f32
          %parallel_loop3A_1093 = vector.broadcast %parallel_loop3A_1092 : f32 to vector<16xf32>
          %parallel_loop3A_1094 = arith.mulf %parallel_loop3A_1091, %parallel_loop3A_1093 : vector<16xf32>
          %parallel_loop3A_1095 = arith.constant 96 : i32
          %parallel_loop3A_1096 = vector.broadcast %parallel_loop3A_1095 : i32 to vector<16xi32>
          %parallel_loop3A_1097 = arith.addi %mul3A_515, %parallel_loop3A_1096 : vector<16xi32>
          %parallel_loop3A_1098 = arith.constant 1 : i32
          %parallel_loop3A_1099 = vector.broadcast %parallel_loop3A_1098 : i32 to vector<16xi32>
          %parallel_loop3A_1100 = arith.addi %parallel_loop3A_1097, %parallel_loop3A_1099 : vector<16xi32>
          %parallel_loop3A_1101 = arith.subf %parallel_loop3A_1082, %parallel_loop3A_1086 : vector<16xf32>
          %parallel_loop3A_1102 = arith.constant 0 : i32
          %parallel_loop3A_1103 = arith.constant 0 : i32
          %parallel_loop3A_1104 = arith.constant 0 : i32
          %parallel_loop3A_1105 = tpu.memref_slice %run_scoped3A_14[%rem3A_512, %parallel_loop3A_1102, %parallel_loop3A_1103, %parallel_loop3A_1104] : memref<2x1x96x192xf32, #tpu.memory_space<vmem>> -> memref<1x1x96x192xf32, #tpu.memory_space<vmem>>
          %parallel_loop3A_1106 = tpu.memref_squeeze %parallel_loop3A_1105 : memref<1x1x96x192xf32, #tpu.memory_space<vmem>> -> memref<1x96x192xf32, #tpu.memory_space<vmem>>
          %parallel_loop3A_1107 = arith.constant 0 : i32
          %parallel_loop3A_1108 = arith.constant 0 : i32
          %parallel_loop3A_1109 = tpu.memref_slice %parallel_loop3A_1106[%parallel_loop3A_519, %parallel_loop3A_1107, %parallel_loop3A_1108] : memref<1x96x192xf32, #tpu.memory_space<vmem>> -> memref<1x96x192xf32, #tpu.memory_space<vmem>>
          %parallel_loop3A_1110 = tpu.memref_squeeze %parallel_loop3A_1109 : memref<1x96x192xf32, #tpu.memory_space<vmem>> -> memref<96x192xf32, #tpu.memory_space<vmem>>
          tpu.vector_store_idx %parallel_loop3A_1110[%parallel_loop3A_729, %parallel_loop3A_1097], %parallel_loop3A_1101 : memref<96x192xf32, #tpu.memory_space<vmem>>[vector<16xi32>, vector<16xi32>], vector<16xf32>,
          %parallel_loop3A_1111 = arith.subf %parallel_loop3A_1090, %parallel_loop3A_1094 : vector<16xf32>
          %parallel_loop3A_1112 = arith.constant 0 : i32
          %parallel_loop3A_1113 = arith.constant 0 : i32
          %parallel_loop3A_1114 = arith.constant 0 : i32
          %parallel_loop3A_1115 = tpu.memref_slice %run_scoped3A_14[%rem3A_512, %parallel_loop3A_1112, %parallel_loop3A_1113, %parallel_loop3A_1114] : memref<2x1x96x192xf32, #tpu.memory_space<vmem>> -> memref<1x1x96x192xf32, #tpu.memory_space<vmem>>
          %parallel_loop3A_1116 = tpu.memref_squeeze %parallel_loop3A_1115 : memref<1x1x96x192xf32, #tpu.memory_space<vmem>> -> memref<1x96x192xf32, #tpu.memory_space<vmem>>
          %parallel_loop3A_1117 = arith.constant 0 : i32
          %parallel_loop3A_1118 = arith.constant 0 : i32
          %parallel_loop3A_1119 = tpu.memref_slice %parallel_loop3A_1116[%parallel_loop3A_519, %parallel_loop3A_1117, %parallel_loop3A_1118] : memref<1x96x192xf32, #tpu.memory_space<vmem>> -> memref<1x96x192xf32, #tpu.memory_space<vmem>>
          %parallel_loop3A_1120 = tpu.memref_squeeze %parallel_loop3A_1119 : memref<1x96x192xf32, #tpu.memory_space<vmem>> -> memref<96x192xf32, #tpu.memory_space<vmem>>
          tpu.vector_store_idx %parallel_loop3A_1120[%parallel_loop3A_729, %parallel_loop3A_1100], %parallel_loop3A_1111 : memref<96x192xf32, #tpu.memory_space<vmem>>[vector<16xi32>, vector<16xi32>], vector<16xf32>,
          %parallel_loop3A_1121 = arith.addf %parallel_loop3A_1082, %parallel_loop3A_1086 : vector<16xf32>
          %parallel_loop3A_1122 = arith.constant 0 : i32
          %parallel_loop3A_1123 = arith.constant 0 : i32
          %parallel_loop3A_1124 = arith.constant 0 : i32
          %parallel_loop3A_1125 = tpu.memref_slice %run_scoped3A_14[%rem3A_512, %parallel_loop3A_1122, %parallel_loop3A_1123, %parallel_loop3A_1124] : memref<2x1x96x192xf32, #tpu.memory_space<vmem>> -> memref<1x1x96x192xf32, #tpu.memory_space<vmem>>
          %parallel_loop3A_1126 = tpu.memref_squeeze %parallel_loop3A_1125 : memref<1x1x96x192xf32, #tpu.memory_space<vmem>> -> memref<1x96x192xf32, #tpu.memory_space<vmem>>
          %parallel_loop3A_1127 = arith.constant 0 : i32
          %parallel_loop3A_1128 = arith.constant 0 : i32
          %parallel_loop3A_1129 = tpu.memref_slice %parallel_loop3A_1126[%parallel_loop3A_519, %parallel_loop3A_1127, %parallel_loop3A_1128] : memref<1x96x192xf32, #tpu.memory_space<vmem>> -> memref<1x96x192xf32, #tpu.memory_space<vmem>>
          %parallel_loop3A_1130 = tpu.memref_squeeze %parallel_loop3A_1129 : memref<1x96x192xf32, #tpu.memory_space<vmem>> -> memref<96x192xf32, #tpu.memory_space<vmem>>
          tpu.vector_store_idx %parallel_loop3A_1130[%parallel_loop3A_732, %parallel_loop3A_1097], %parallel_loop3A_1121 : memref<96x192xf32, #tpu.memory_space<vmem>>[vector<16xi32>, vector<16xi32>], vector<16xf32>,
          %parallel_loop3A_1131 = arith.addf %parallel_loop3A_1090, %parallel_loop3A_1094 : vector<16xf32>
          %parallel_loop3A_1132 = arith.constant 0 : i32
          %parallel_loop3A_1133 = arith.constant 0 : i32
          %parallel_loop3A_1134 = arith.constant 0 : i32
          %parallel_loop3A_1135 = tpu.memref_slice %run_scoped3A_14[%rem3A_512, %parallel_loop3A_1132, %parallel_loop3A_1133, %parallel_loop3A_1134] : memref<2x1x96x192xf32, #tpu.memory_space<vmem>> -> memref<1x1x96x192xf32, #tpu.memory_space<vmem>>
          %parallel_loop3A_1136 = tpu.memref_squeeze %parallel_loop3A_1135 : memref<1x1x96x192xf32, #tpu.memory_space<vmem>> -> memref<1x96x192xf32, #tpu.memory_space<vmem>>
          %parallel_loop3A_1137 = arith.constant 0 : i32
          %parallel_loop3A_1138 = arith.constant 0 : i32
          %parallel_loop3A_1139 = tpu.memref_slice %parallel_loop3A_1136[%parallel_loop3A_519, %parallel_loop3A_1137, %parallel_loop3A_1138] : memref<1x96x192xf32, #tpu.memory_space<vmem>> -> memref<1x96x192xf32, #tpu.memory_space<vmem>>
          %parallel_loop3A_1140 = tpu.memref_squeeze %parallel_loop3A_1139 : memref<1x96x192xf32, #tpu.memory_space<vmem>> -> memref<96x192xf32, #tpu.memory_space<vmem>>
          tpu.vector_store_idx %parallel_loop3A_1140[%parallel_loop3A_732, %parallel_loop3A_1100], %parallel_loop3A_1131 : memref<96x192xf32, #tpu.memory_space<vmem>>[vector<16xi32>, vector<16xi32>], vector<16xf32>,
          %parallel_loop3A_1141 = arith.constant 0 : i32
          %parallel_loop3A_1142 = arith.constant 0 : i32
          %parallel_loop3A_1143 = arith.constant 0 : i32
          %parallel_loop3A_1144 = arith.constant 0 : i32
          %parallel_loop3A_1145 = tpu.memref_slice %run_scoped3A[%rem3A_504, %parallel_loop3A_1142, %parallel_loop3A_1143, %parallel_loop3A_1144] : memref<2x1x48x96xf32, #tpu.memory_space<vmem>> -> memref<1x1x48x96xf32, #tpu.memory_space<vmem>>
          %parallel_loop3A_1146 = tpu.memref_squeeze %parallel_loop3A_1145 : memref<1x1x48x96xf32, #tpu.memory_space<vmem>> -> memref<1x48x96xf32, #tpu.memory_space<vmem>>
          %parallel_loop3A_1147 = arith.index_cast %parallel_loop3A_1141 : i32 to index
          %parallel_loop3A_1148 = arith.index_cast %parallel_loop3A_725 : i32 to index
          %parallel_loop3A_1149 = arith.constant 64 : index
          %parallel_loop3A_1150 = tpu.vector_load %parallel_loop3A_1146[%parallel_loop3A_1147, %parallel_loop3A_1148, %parallel_loop3A_1149] {strides = array<i32>} : memref<1x48x96xf32, #tpu.memory_space<vmem>>, vector<16xf32>,
          %parallel_loop3A_1151 = arith.constant 0 : i32
          %parallel_loop3A_1152 = arith.constant 0 : i32
          %parallel_loop3A_1153 = arith.constant 0 : i32
          %parallel_loop3A_1154 = arith.constant 0 : i32
          %parallel_loop3A_1155 = tpu.memref_slice %run_scoped3A_8[%rem3A_506, %parallel_loop3A_1152, %parallel_loop3A_1153, %parallel_loop3A_1154] : memref<2x1x48x96xf32, #tpu.memory_space<vmem>> -> memref<1x1x48x96xf32, #tpu.memory_space<vmem>>
          %parallel_loop3A_1156 = tpu.memref_squeeze %parallel_loop3A_1155 : memref<1x1x48x96xf32, #tpu.memory_space<vmem>> -> memref<1x48x96xf32, #tpu.memory_space<vmem>>
          %parallel_loop3A_1157 = arith.index_cast %parallel_loop3A_1151 : i32 to index
          %parallel_loop3A_1158 = arith.index_cast %parallel_loop3A_725 : i32 to index
          %parallel_loop3A_1159 = arith.constant 64 : index
          %parallel_loop3A_1160 = tpu.vector_load %parallel_loop3A_1156[%parallel_loop3A_1157, %parallel_loop3A_1158, %parallel_loop3A_1159] {strides = array<i32>} : memref<1x48x96xf32, #tpu.memory_space<vmem>>, vector<16xf32>,
          %parallel_loop3A_1161 = arith.constant 0 : i32
          %parallel_loop3A_1162 = arith.constant 0 : i32
          %parallel_loop3A_1163 = arith.constant 0 : i32
          %parallel_loop3A_1164 = arith.constant 0 : i32
          %parallel_loop3A_1165 = tpu.memref_slice %run_scoped3A_10[%rem3A_508, %parallel_loop3A_1162, %parallel_loop3A_1163, %parallel_loop3A_1164] : memref<2x1x48x96xf32, #tpu.memory_space<vmem>> -> memref<1x1x48x96xf32, #tpu.memory_space<vmem>>
          %parallel_loop3A_1166 = tpu.memref_squeeze %parallel_loop3A_1165 : memref<1x1x48x96xf32, #tpu.memory_space<vmem>> -> memref<1x48x96xf32, #tpu.memory_space<vmem>>
          %parallel_loop3A_1167 = arith.index_cast %parallel_loop3A_1161 : i32 to index
          %parallel_loop3A_1168 = arith.index_cast %parallel_loop3A_725 : i32 to index
          %parallel_loop3A_1169 = arith.constant 64 : index
          %parallel_loop3A_1170 = tpu.vector_load %parallel_loop3A_1166[%parallel_loop3A_1167, %parallel_loop3A_1168, %parallel_loop3A_1169] {strides = array<i32>} : memref<1x48x96xf32, #tpu.memory_space<vmem>>, vector<16xf32>,
          %parallel_loop3A_1171 = arith.constant 0 : i32
          %parallel_loop3A_1172 = arith.constant 0 : i32
          %parallel_loop3A_1173 = arith.constant 0 : i32
          %parallel_loop3A_1174 = arith.constant 0 : i32
          %parallel_loop3A_1175 = tpu.memref_slice %run_scoped3A_12[%rem3A_510, %parallel_loop3A_1172, %parallel_loop3A_1173, %parallel_loop3A_1174] : memref<2x1x48x96xf32, #tpu.memory_space<vmem>> -> memref<1x1x48x96xf32, #tpu.memory_space<vmem>>
          %parallel_loop3A_1176 = tpu.memref_squeeze %parallel_loop3A_1175 : memref<1x1x48x96xf32, #tpu.memory_space<vmem>> -> memref<1x48x96xf32, #tpu.memory_space<vmem>>
          %parallel_loop3A_1177 = arith.index_cast %parallel_loop3A_1171 : i32 to index
          %parallel_loop3A_1178 = arith.index_cast %parallel_loop3A_725 : i32 to index
          %parallel_loop3A_1179 = arith.constant 64 : index
          %parallel_loop3A_1180 = tpu.vector_load %parallel_loop3A_1176[%parallel_loop3A_1177, %parallel_loop3A_1178, %parallel_loop3A_1179] {strides = array<i32>} : memref<1x48x96xf32, #tpu.memory_space<vmem>>, vector<16xf32>,
          %parallel_loop3A_1181 = arith.subf %parallel_loop3A_1150, %parallel_loop3A_1170 : vector<16xf32>
          %parallel_loop3A_1182 = arith.constant 5.000000e-01 : f32
          %parallel_loop3A_1183 = vector.broadcast %parallel_loop3A_1182 : f32 to vector<16xf32>
          %parallel_loop3A_1184 = arith.mulf %parallel_loop3A_1181, %parallel_loop3A_1183 : vector<16xf32>
          %parallel_loop3A_1185 = arith.subf %parallel_loop3A_1160, %parallel_loop3A_1180 : vector<16xf32>
          %parallel_loop3A_1186 = arith.constant 5.000000e-01 : f32
          %parallel_loop3A_1187 = vector.broadcast %parallel_loop3A_1186 : f32 to vector<16xf32>
          %parallel_loop3A_1188 = arith.mulf %parallel_loop3A_1185, %parallel_loop3A_1187 : vector<16xf32>
          %parallel_loop3A_1189 = arith.addf %parallel_loop3A_1150, %parallel_loop3A_1170 : vector<16xf32>
          %parallel_loop3A_1190 = arith.constant 5.000000e-01 : f32
          %parallel_loop3A_1191 = vector.broadcast %parallel_loop3A_1190 : f32 to vector<16xf32>
          %parallel_loop3A_1192 = arith.mulf %parallel_loop3A_1189, %parallel_loop3A_1191 : vector<16xf32>
          %parallel_loop3A_1193 = arith.addf %parallel_loop3A_1160, %parallel_loop3A_1180 : vector<16xf32>
          %parallel_loop3A_1194 = arith.constant 5.000000e-01 : f32
          %parallel_loop3A_1195 = vector.broadcast %parallel_loop3A_1194 : f32 to vector<16xf32>
          %parallel_loop3A_1196 = arith.mulf %parallel_loop3A_1193, %parallel_loop3A_1195 : vector<16xf32>
          %parallel_loop3A_1197 = arith.constant 128 : i32
          %parallel_loop3A_1198 = vector.broadcast %parallel_loop3A_1197 : i32 to vector<16xi32>
          %parallel_loop3A_1199 = arith.addi %mul3A_515, %parallel_loop3A_1198 : vector<16xi32>
          %parallel_loop3A_1200 = arith.constant 1 : i32
          %parallel_loop3A_1201 = vector.broadcast %parallel_loop3A_1200 : i32 to vector<16xi32>
          %parallel_loop3A_1202 = arith.addi %parallel_loop3A_1199, %parallel_loop3A_1201 : vector<16xi32>
          %parallel_loop3A_1203 = arith.subf %parallel_loop3A_1184, %parallel_loop3A_1188 : vector<16xf32>
          %parallel_loop3A_1204 = arith.constant 0 : i32
          %parallel_loop3A_1205 = arith.constant 0 : i32
          %parallel_loop3A_1206 = arith.constant 0 : i32
          %parallel_loop3A_1207 = tpu.memref_slice %run_scoped3A_14[%rem3A_512, %parallel_loop3A_1204, %parallel_loop3A_1205, %parallel_loop3A_1206] : memref<2x1x96x192xf32, #tpu.memory_space<vmem>> -> memref<1x1x96x192xf32, #tpu.memory_space<vmem>>
          %parallel_loop3A_1208 = tpu.memref_squeeze %parallel_loop3A_1207 : memref<1x1x96x192xf32, #tpu.memory_space<vmem>> -> memref<1x96x192xf32, #tpu.memory_space<vmem>>
          %parallel_loop3A_1209 = arith.constant 0 : i32
          %parallel_loop3A_1210 = arith.constant 0 : i32
          %parallel_loop3A_1211 = tpu.memref_slice %parallel_loop3A_1208[%parallel_loop3A_519, %parallel_loop3A_1209, %parallel_loop3A_1210] : memref<1x96x192xf32, #tpu.memory_space<vmem>> -> memref<1x96x192xf32, #tpu.memory_space<vmem>>
          %parallel_loop3A_1212 = tpu.memref_squeeze %parallel_loop3A_1211 : memref<1x96x192xf32, #tpu.memory_space<vmem>> -> memref<96x192xf32, #tpu.memory_space<vmem>>
          tpu.vector_store_idx %parallel_loop3A_1212[%parallel_loop3A_729, %parallel_loop3A_1199], %parallel_loop3A_1203 : memref<96x192xf32, #tpu.memory_space<vmem>>[vector<16xi32>, vector<16xi32>], vector<16xf32>,
          %parallel_loop3A_1213 = arith.subf %parallel_loop3A_1192, %parallel_loop3A_1196 : vector<16xf32>
          %parallel_loop3A_1214 = arith.constant 0 : i32
          %parallel_loop3A_1215 = arith.constant 0 : i32
          %parallel_loop3A_1216 = arith.constant 0 : i32
          %parallel_loop3A_1217 = tpu.memref_slice %run_scoped3A_14[%rem3A_512, %parallel_loop3A_1214, %parallel_loop3A_1215, %parallel_loop3A_1216] : memref<2x1x96x192xf32, #tpu.memory_space<vmem>> -> memref<1x1x96x192xf32, #tpu.memory_space<vmem>>
          %parallel_loop3A_1218 = tpu.memref_squeeze %parallel_loop3A_1217 : memref<1x1x96x192xf32, #tpu.memory_space<vmem>> -> memref<1x96x192xf32, #tpu.memory_space<vmem>>
          %parallel_loop3A_1219 = arith.constant 0 : i32
          %parallel_loop3A_1220 = arith.constant 0 : i32
          %parallel_loop3A_1221 = tpu.memref_slice %parallel_loop3A_1218[%parallel_loop3A_519, %parallel_loop3A_1219, %parallel_loop3A_1220] : memref<1x96x192xf32, #tpu.memory_space<vmem>> -> memref<1x96x192xf32, #tpu.memory_space<vmem>>
          %parallel_loop3A_1222 = tpu.memref_squeeze %parallel_loop3A_1221 : memref<1x96x192xf32, #tpu.memory_space<vmem>> -> memref<96x192xf32, #tpu.memory_space<vmem>>
          tpu.vector_store_idx %parallel_loop3A_1222[%parallel_loop3A_729, %parallel_loop3A_1202], %parallel_loop3A_1213 : memref<96x192xf32, #tpu.memory_space<vmem>>[vector<16xi32>, vector<16xi32>], vector<16xf32>,
          %parallel_loop3A_1223 = arith.addf %parallel_loop3A_1184, %parallel_loop3A_1188 : vector<16xf32>
          %parallel_loop3A_1224 = arith.constant 0 : i32
          %parallel_loop3A_1225 = arith.constant 0 : i32
          %parallel_loop3A_1226 = arith.constant 0 : i32
          %parallel_loop3A_1227 = tpu.memref_slice %run_scoped3A_14[%rem3A_512, %parallel_loop3A_1224, %parallel_loop3A_1225, %parallel_loop3A_1226] : memref<2x1x96x192xf32, #tpu.memory_space<vmem>> -> memref<1x1x96x192xf32, #tpu.memory_space<vmem>>
          %parallel_loop3A_1228 = tpu.memref_squeeze %parallel_loop3A_1227 : memref<1x1x96x192xf32, #tpu.memory_space<vmem>> -> memref<1x96x192xf32, #tpu.memory_space<vmem>>
          %parallel_loop3A_1229 = arith.constant 0 : i32
          %parallel_loop3A_1230 = arith.constant 0 : i32
          %parallel_loop3A_1231 = tpu.memref_slice %parallel_loop3A_1228[%parallel_loop3A_519, %parallel_loop3A_1229, %parallel_loop3A_1230] : memref<1x96x192xf32, #tpu.memory_space<vmem>> -> memref<1x96x192xf32, #tpu.memory_space<vmem>>
          %parallel_loop3A_1232 = tpu.memref_squeeze %parallel_loop3A_1231 : memref<1x96x192xf32, #tpu.memory_space<vmem>> -> memref<96x192xf32, #tpu.memory_space<vmem>>
          tpu.vector_store_idx %parallel_loop3A_1232[%parallel_loop3A_732, %parallel_loop3A_1199], %parallel_loop3A_1223 : memref<96x192xf32, #tpu.memory_space<vmem>>[vector<16xi32>, vector<16xi32>], vector<16xf32>,
          %parallel_loop3A_1233 = arith.addf %parallel_loop3A_1192, %parallel_loop3A_1196 : vector<16xf32>
          %parallel_loop3A_1234 = arith.constant 0 : i32
          %parallel_loop3A_1235 = arith.constant 0 : i32
          %parallel_loop3A_1236 = arith.constant 0 : i32
          %parallel_loop3A_1237 = tpu.memref_slice %run_scoped3A_14[%rem3A_512, %parallel_loop3A_1234, %parallel_loop3A_1235, %parallel_loop3A_1236] : memref<2x1x96x192xf32, #tpu.memory_space<vmem>> -> memref<1x1x96x192xf32, #tpu.memory_space<vmem>>
          %parallel_loop3A_1238 = tpu.memref_squeeze %parallel_loop3A_1237 : memref<1x1x96x192xf32, #tpu.memory_space<vmem>> -> memref<1x96x192xf32, #tpu.memory_space<vmem>>
          %parallel_loop3A_1239 = arith.constant 0 : i32
          %parallel_loop3A_1240 = arith.constant 0 : i32
          %parallel_loop3A_1241 = tpu.memref_slice %parallel_loop3A_1238[%parallel_loop3A_519, %parallel_loop3A_1239, %parallel_loop3A_1240] : memref<1x96x192xf32, #tpu.memory_space<vmem>> -> memref<1x96x192xf32, #tpu.memory_space<vmem>>
          %parallel_loop3A_1242 = tpu.memref_squeeze %parallel_loop3A_1241 : memref<1x96x192xf32, #tpu.memory_space<vmem>> -> memref<96x192xf32, #tpu.memory_space<vmem>>
          tpu.vector_store_idx %parallel_loop3A_1242[%parallel_loop3A_732, %parallel_loop3A_1202], %parallel_loop3A_1233 : memref<96x192xf32, #tpu.memory_space<vmem>>[vector<16xi32>, vector<16xi32>], vector<16xf32>,
          %parallel_loop3A_1243 = arith.constant 0 : i32
          %parallel_loop3A_1244 = arith.constant 0 : i32
          %parallel_loop3A_1245 = arith.constant 0 : i32
          %parallel_loop3A_1246 = arith.constant 0 : i32
          %parallel_loop3A_1247 = tpu.memref_slice %run_scoped3A[%rem3A_504, %parallel_loop3A_1244, %parallel_loop3A_1245, %parallel_loop3A_1246] : memref<2x1x48x96xf32, #tpu.memory_space<vmem>> -> memref<1x1x48x96xf32, #tpu.memory_space<vmem>>
          %parallel_loop3A_1248 = tpu.memref_squeeze %parallel_loop3A_1247 : memref<1x1x48x96xf32, #tpu.memory_space<vmem>> -> memref<1x48x96xf32, #tpu.memory_space<vmem>>
          %parallel_loop3A_1249 = arith.index_cast %parallel_loop3A_1243 : i32 to index
          %parallel_loop3A_1250 = arith.index_cast %parallel_loop3A_725 : i32 to index
          %parallel_loop3A_1251 = arith.constant 80 : index
          %parallel_loop3A_1252 = tpu.vector_load %parallel_loop3A_1248[%parallel_loop3A_1249, %parallel_loop3A_1250, %parallel_loop3A_1251] {strides = array<i32>} : memref<1x48x96xf32, #tpu.memory_space<vmem>>, vector<16xf32>,
          %parallel_loop3A_1253 = arith.constant 0 : i32
          %parallel_loop3A_1254 = arith.constant 0 : i32
          %parallel_loop3A_1255 = arith.constant 0 : i32
          %parallel_loop3A_1256 = arith.constant 0 : i32
          %parallel_loop3A_1257 = tpu.memref_slice %run_scoped3A_8[%rem3A_506, %parallel_loop3A_1254, %parallel_loop3A_1255, %parallel_loop3A_1256] : memref<2x1x48x96xf32, #tpu.memory_space<vmem>> -> memref<1x1x48x96xf32, #tpu.memory_space<vmem>>
          %parallel_loop3A_1258 = tpu.memref_squeeze %parallel_loop3A_1257 : memref<1x1x48x96xf32, #tpu.memory_space<vmem>> -> memref<1x48x96xf32, #tpu.memory_space<vmem>>
          %parallel_loop3A_1259 = arith.index_cast %parallel_loop3A_1253 : i32 to index
          %parallel_loop3A_1260 = arith.index_cast %parallel_loop3A_725 : i32 to index
          %parallel_loop3A_1261 = arith.constant 80 : index
          %parallel_loop3A_1262 = tpu.vector_load %parallel_loop3A_1258[%parallel_loop3A_1259, %parallel_loop3A_1260, %parallel_loop3A_1261] {strides = array<i32>} : memref<1x48x96xf32, #tpu.memory_space<vmem>>, vector<16xf32>,
          %parallel_loop3A_1263 = arith.constant 0 : i32
          %parallel_loop3A_1264 = arith.constant 0 : i32
          %parallel_loop3A_1265 = arith.constant 0 : i32
          %parallel_loop3A_1266 = arith.constant 0 : i32
          %parallel_loop3A_1267 = tpu.memref_slice %run_scoped3A_10[%rem3A_508, %parallel_loop3A_1264, %parallel_loop3A_1265, %parallel_loop3A_1266] : memref<2x1x48x96xf32, #tpu.memory_space<vmem>> -> memref<1x1x48x96xf32, #tpu.memory_space<vmem>>
          %parallel_loop3A_1268 = tpu.memref_squeeze %parallel_loop3A_1267 : memref<1x1x48x96xf32, #tpu.memory_space<vmem>> -> memref<1x48x96xf32, #tpu.memory_space<vmem>>
          %parallel_loop3A_1269 = arith.index_cast %parallel_loop3A_1263 : i32 to index
          %parallel_loop3A_1270 = arith.index_cast %parallel_loop3A_725 : i32 to index
          %parallel_loop3A_1271 = arith.constant 80 : index
          %parallel_loop3A_1272 = tpu.vector_load %parallel_loop3A_1268[%parallel_loop3A_1269, %parallel_loop3A_1270, %parallel_loop3A_1271] {strides = array<i32>} : memref<1x48x96xf32, #tpu.memory_space<vmem>>, vector<16xf32>,
          %parallel_loop3A_1273 = arith.constant 0 : i32
          %parallel_loop3A_1274 = arith.constant 0 : i32
          %parallel_loop3A_1275 = arith.constant 0 : i32
          %parallel_loop3A_1276 = arith.constant 0 : i32
          %parallel_loop3A_1277 = tpu.memref_slice %run_scoped3A_12[%rem3A_510, %parallel_loop3A_1274, %parallel_loop3A_1275, %parallel_loop3A_1276] : memref<2x1x48x96xf32, #tpu.memory_space<vmem>> -> memref<1x1x48x96xf32, #tpu.memory_space<vmem>>
          %parallel_loop3A_1278 = tpu.memref_squeeze %parallel_loop3A_1277 : memref<1x1x48x96xf32, #tpu.memory_space<vmem>> -> memref<1x48x96xf32, #tpu.memory_space<vmem>>
          %parallel_loop3A_1279 = arith.index_cast %parallel_loop3A_1273 : i32 to index
          %parallel_loop3A_1280 = arith.index_cast %parallel_loop3A_725 : i32 to index
          %parallel_loop3A_1281 = arith.constant 80 : index
          %parallel_loop3A_1282 = tpu.vector_load %parallel_loop3A_1278[%parallel_loop3A_1279, %parallel_loop3A_1280, %parallel_loop3A_1281] {strides = array<i32>} : memref<1x48x96xf32, #tpu.memory_space<vmem>>, vector<16xf32>,
          %parallel_loop3A_1283 = arith.subf %parallel_loop3A_1252, %parallel_loop3A_1272 : vector<16xf32>
          %parallel_loop3A_1284 = arith.constant 5.000000e-01 : f32
          %parallel_loop3A_1285 = vector.broadcast %parallel_loop3A_1284 : f32 to vector<16xf32>
          %parallel_loop3A_1286 = arith.mulf %parallel_loop3A_1283, %parallel_loop3A_1285 : vector<16xf32>
          %parallel_loop3A_1287 = arith.subf %parallel_loop3A_1262, %parallel_loop3A_1282 : vector<16xf32>
          %parallel_loop3A_1288 = arith.constant 5.000000e-01 : f32
          %parallel_loop3A_1289 = vector.broadcast %parallel_loop3A_1288 : f32 to vector<16xf32>
          %parallel_loop3A_1290 = arith.mulf %parallel_loop3A_1287, %parallel_loop3A_1289 : vector<16xf32>
          %parallel_loop3A_1291 = arith.addf %parallel_loop3A_1252, %parallel_loop3A_1272 : vector<16xf32>
          %parallel_loop3A_1292 = arith.constant 5.000000e-01 : f32
          %parallel_loop3A_1293 = vector.broadcast %parallel_loop3A_1292 : f32 to vector<16xf32>
          %parallel_loop3A_1294 = arith.mulf %parallel_loop3A_1291, %parallel_loop3A_1293 : vector<16xf32>
          %parallel_loop3A_1295 = arith.addf %parallel_loop3A_1262, %parallel_loop3A_1282 : vector<16xf32>
          %parallel_loop3A_1296 = arith.constant 5.000000e-01 : f32
          %parallel_loop3A_1297 = vector.broadcast %parallel_loop3A_1296 : f32 to vector<16xf32>
          %parallel_loop3A_1298 = arith.mulf %parallel_loop3A_1295, %parallel_loop3A_1297 : vector<16xf32>
          %parallel_loop3A_1299 = arith.constant 160 : i32
          %parallel_loop3A_1300 = vector.broadcast %parallel_loop3A_1299 : i32 to vector<16xi32>
          %parallel_loop3A_1301 = arith.addi %mul3A_515, %parallel_loop3A_1300 : vector<16xi32>
          %parallel_loop3A_1302 = arith.constant 1 : i32
          %parallel_loop3A_1303 = vector.broadcast %parallel_loop3A_1302 : i32 to vector<16xi32>
          %parallel_loop3A_1304 = arith.addi %parallel_loop3A_1301, %parallel_loop3A_1303 : vector<16xi32>
          %parallel_loop3A_1305 = arith.subf %parallel_loop3A_1286, %parallel_loop3A_1290 : vector<16xf32>
          %parallel_loop3A_1306 = arith.constant 0 : i32
          %parallel_loop3A_1307 = arith.constant 0 : i32
          %parallel_loop3A_1308 = arith.constant 0 : i32
          %parallel_loop3A_1309 = tpu.memref_slice %run_scoped3A_14[%rem3A_512, %parallel_loop3A_1306, %parallel_loop3A_1307, %parallel_loop3A_1308] : memref<2x1x96x192xf32, #tpu.memory_space<vmem>> -> memref<1x1x96x192xf32, #tpu.memory_space<vmem>>
          %parallel_loop3A_1310 = tpu.memref_squeeze %parallel_loop3A_1309 : memref<1x1x96x192xf32, #tpu.memory_space<vmem>> -> memref<1x96x192xf32, #tpu.memory_space<vmem>>
          %parallel_loop3A_1311 = arith.constant 0 : i32
          %parallel_loop3A_1312 = arith.constant 0 : i32
          %parallel_loop3A_1313 = tpu.memref_slice %parallel_loop3A_1310[%parallel_loop3A_519, %parallel_loop3A_1311, %parallel_loop3A_1312] : memref<1x96x192xf32, #tpu.memory_space<vmem>> -> memref<1x96x192xf32, #tpu.memory_space<vmem>>
          %parallel_loop3A_1314 = tpu.memref_squeeze %parallel_loop3A_1313 : memref<1x96x192xf32, #tpu.memory_space<vmem>> -> memref<96x192xf32, #tpu.memory_space<vmem>>
          tpu.vector_store_idx %parallel_loop3A_1314[%parallel_loop3A_729, %parallel_loop3A_1301], %parallel_loop3A_1305 : memref<96x192xf32, #tpu.memory_space<vmem>>[vector<16xi32>, vector<16xi32>], vector<16xf32>,
          %parallel_loop3A_1315 = arith.subf %parallel_loop3A_1294, %parallel_loop3A_1298 : vector<16xf32>
          %parallel_loop3A_1316 = arith.constant 0 : i32
          %parallel_loop3A_1317 = arith.constant 0 : i32
          %parallel_loop3A_1318 = arith.constant 0 : i32
          %parallel_loop3A_1319 = tpu.memref_slice %run_scoped3A_14[%rem3A_512, %parallel_loop3A_1316, %parallel_loop3A_1317, %parallel_loop3A_1318] : memref<2x1x96x192xf32, #tpu.memory_space<vmem>> -> memref<1x1x96x192xf32, #tpu.memory_space<vmem>>
          %parallel_loop3A_1320 = tpu.memref_squeeze %parallel_loop3A_1319 : memref<1x1x96x192xf32, #tpu.memory_space<vmem>> -> memref<1x96x192xf32, #tpu.memory_space<vmem>>
          %parallel_loop3A_1321 = arith.constant 0 : i32
          %parallel_loop3A_1322 = arith.constant 0 : i32
          %parallel_loop3A_1323 = tpu.memref_slice %parallel_loop3A_1320[%parallel_loop3A_519, %parallel_loop3A_1321, %parallel_loop3A_1322] : memref<1x96x192xf32, #tpu.memory_space<vmem>> -> memref<1x96x192xf32, #tpu.memory_space<vmem>>
          %parallel_loop3A_1324 = tpu.memref_squeeze %parallel_loop3A_1323 : memref<1x96x192xf32, #tpu.memory_space<vmem>> -> memref<96x192xf32, #tpu.memory_space<vmem>>
          tpu.vector_store_idx %parallel_loop3A_1324[%parallel_loop3A_729, %parallel_loop3A_1304], %parallel_loop3A_1315 : memref<96x192xf32, #tpu.memory_space<vmem>>[vector<16xi32>, vector<16xi32>], vector<16xf32>,
          %parallel_loop3A_1325 = arith.addf %parallel_loop3A_1286, %parallel_loop3A_1290 : vector<16xf32>
          %parallel_loop3A_1326 = arith.constant 0 : i32
          %parallel_loop3A_1327 = arith.constant 0 : i32
          %parallel_loop3A_1328 = arith.constant 0 : i32
          %parallel_loop3A_1329 = tpu.memref_slice %run_scoped3A_14[%rem3A_512, %parallel_loop3A_1326, %parallel_loop3A_1327, %parallel_loop3A_1328] : memref<2x1x96x192xf32, #tpu.memory_space<vmem>> -> memref<1x1x96x192xf32, #tpu.memory_space<vmem>>
          %parallel_loop3A_1330 = tpu.memref_squeeze %parallel_loop3A_1329 : memref<1x1x96x192xf32, #tpu.memory_space<vmem>> -> memref<1x96x192xf32, #tpu.memory_space<vmem>>
          %parallel_loop3A_1331 = arith.constant 0 : i32
          %parallel_loop3A_1332 = arith.constant 0 : i32
          %parallel_loop3A_1333 = tpu.memref_slice %parallel_loop3A_1330[%parallel_loop3A_519, %parallel_loop3A_1331, %parallel_loop3A_1332] : memref<1x96x192xf32, #tpu.memory_space<vmem>> -> memref<1x96x192xf32, #tpu.memory_space<vmem>>
          %parallel_loop3A_1334 = tpu.memref_squeeze %parallel_loop3A_1333 : memref<1x96x192xf32, #tpu.memory_space<vmem>> -> memref<96x192xf32, #tpu.memory_space<vmem>>
          tpu.vector_store_idx %parallel_loop3A_1334[%parallel_loop3A_732, %parallel_loop3A_1301], %parallel_loop3A_1325 : memref<96x192xf32, #tpu.memory_space<vmem>>[vector<16xi32>, vector<16xi32>], vector<16xf32>,
          %parallel_loop3A_1335 = arith.addf %parallel_loop3A_1294, %parallel_loop3A_1298 : vector<16xf32>
          %parallel_loop3A_1336 = arith.constant 0 : i32
          %parallel_loop3A_1337 = arith.constant 0 : i32
          %parallel_loop3A_1338 = arith.constant 0 : i32
          %parallel_loop3A_1339 = tpu.memref_slice %run_scoped3A_14[%rem3A_512, %parallel_loop3A_1336, %parallel_loop3A_1337, %parallel_loop3A_1338] : memref<2x1x96x192xf32, #tpu.memory_space<vmem>> -> memref<1x1x96x192xf32, #tpu.memory_space<vmem>>
          %parallel_loop3A_1340 = tpu.memref_squeeze %parallel_loop3A_1339 : memref<1x1x96x192xf32, #tpu.memory_space<vmem>> -> memref<1x96x192xf32, #tpu.memory_space<vmem>>
          %parallel_loop3A_1341 = arith.constant 0 : i32
          %parallel_loop3A_1342 = arith.constant 0 : i32
          %parallel_loop3A_1343 = tpu.memref_slice %parallel_loop3A_1340[%parallel_loop3A_519, %parallel_loop3A_1341, %parallel_loop3A_1342] : memref<1x96x192xf32, #tpu.memory_space<vmem>> -> memref<1x96x192xf32, #tpu.memory_space<vmem>>
          %parallel_loop3A_1344 = tpu.memref_squeeze %parallel_loop3A_1343 : memref<1x96x192xf32, #tpu.memory_space<vmem>> -> memref<96x192xf32, #tpu.memory_space<vmem>>
          tpu.vector_store_idx %parallel_loop3A_1344[%parallel_loop3A_732, %parallel_loop3A_1304], %parallel_loop3A_1335 : memref<96x192xf32, #tpu.memory_space<vmem>>[vector<16xi32>, vector<16xi32>], vector<16xf32>,
        } {sc.loop_unroll_factor = 4 : i64, sc.parallel_access}
        "tpu.trace_stop"() : () -> ()
        %ne3A_520 = arith.cmpi ne, %add3A_306, %add3A_342 : i32
        %ne3A_521 = arith.cmpi ne, %add3A_308, %add3A_344 : i32
        %or3A_522 = arith.constant false
        %or3A_523 = arith.ori %or3A_522, %ne3A_520 : i1
        %or3A_524 = arith.ori %or3A_523, %ne3A_521 : i1
        %or3A_525 = arith.constant false
        %or3A_526 = arith.ori %or3A_524, %or3A_525 : i1
        %or3A_527 = arith.ori %or3A_526, %eq3A_305 : i1
        %convert_element_type3A_528 = arith.extui %or3A_527 : i1 to i32
        %cond3A_529 = arith.constant 0 : i32
        %cond3A_530 = arith.cmpi ne, %convert_element_type3A_528, %cond3A_529 : i32
        scf.if %cond3A_530 {
        } else {
        }
        %and3A_531 = arith.constant false
        %and3A_532 = arith.andi %or3A_527, %and3A_531 : i1
        %ne3A_533 = arith.cmpi ne, %add3A_306, %add3A_342 : i32
        %ne3A_534 = arith.cmpi ne, %add3A_308, %add3A_344 : i32
        %or3A_535 = arith.constant false
        %or3A_536 = arith.ori %or3A_535, %ne3A_533 : i1
        %or3A_537 = arith.ori %or3A_536, %ne3A_534 : i1
        %or3A_538 = arith.constant false
        %or3A_539 = arith.ori %or3A_537, %or3A_538 : i1
        %or3A_540 = arith.ori %or3A_539, %eq3A_305 : i1
        %convert_element_type3A_541 = arith.extui %or3A_540 : i1 to i32
        %cond3A_542 = arith.constant 0 : i32
        %cond3A_543 = arith.cmpi ne, %convert_element_type3A_541, %cond3A_542 : i32
        scf.if %cond3A_543 {
        } else {
        }
        %and3A_544 = arith.constant false
        %and3A_545 = arith.andi %or3A_540, %and3A_544 : i1
        %ne3A_546 = arith.cmpi ne, %add3A_306, %add3A_342 : i32
        %ne3A_547 = arith.cmpi ne, %add3A_308, %add3A_344 : i32
        %or3A_548 = arith.constant false
        %or3A_549 = arith.ori %or3A_548, %ne3A_546 : i1
        %or3A_550 = arith.ori %or3A_549, %ne3A_547 : i1
        %or3A_551 = arith.constant false
        %or3A_552 = arith.ori %or3A_550, %or3A_551 : i1
        %or3A_553 = arith.ori %or3A_552, %eq3A_305 : i1
        %convert_element_type3A_554 = arith.extui %or3A_553 : i1 to i32
        %cond3A_555 = arith.constant 0 : i32
        %cond3A_556 = arith.cmpi ne, %convert_element_type3A_554, %cond3A_555 : i32
        scf.if %cond3A_556 {
        } else {
        }
        %and3A_557 = arith.constant false
        %and3A_558 = arith.andi %or3A_553, %and3A_557 : i1
        %ne3A_559 = arith.cmpi ne, %add3A_306, %add3A_342 : i32
        %ne3A_560 = arith.cmpi ne, %add3A_308, %add3A_344 : i32
        %or3A_561 = arith.constant false
        %or3A_562 = arith.ori %or3A_561, %ne3A_559 : i1
        %or3A_563 = arith.ori %or3A_562, %ne3A_560 : i1
        %or3A_564 = arith.constant false
        %or3A_565 = arith.ori %or3A_563, %or3A_564 : i1
        %or3A_566 = arith.ori %or3A_565, %eq3A_305 : i1
        %convert_element_type3A_567 = arith.extui %or3A_566 : i1 to i32
        %cond3A_568 = arith.constant 0 : i32
        %cond3A_569 = arith.cmpi ne, %convert_element_type3A_567, %cond3A_568 : i32
        scf.if %cond3A_569 {
        } else {
        }
        %and3A_570 = arith.constant false
        %and3A_571 = arith.andi %or3A_566, %and3A_570 : i1
        %ne3A_572 = arith.cmpi ne, %add3A_306, %add3A_342 : i32
        %ne3A_573 = arith.cmpi ne, %add3A_308, %add3A_344 : i32
        %or3A_574 = arith.constant false
        %or3A_575 = arith.ori %or3A_574, %ne3A_572 : i1
        %or3A_576 = arith.ori %or3A_575, %ne3A_573 : i1
        %or3A_577 = arith.constant false
        %or3A_578 = arith.ori %or3A_576, %or3A_577 : i1
        %or3A_579 = arith.ori %or3A_578, %eq3A_305 : i1
        %convert_element_type3A_580 = arith.extui %or3A_579 : i1 to i32
        %cond3A_581 = arith.constant 0 : i32
        %cond3A_582 = arith.cmpi ne, %convert_element_type3A_580, %cond3A_581 : i32
        scf.if %cond3A_582 {
          "tpu.trace_start"() <{level = 10 : i32, message = "ep_copy_out"}> : () -> ()
          %rem3A_725 = arith.constant 2 : i32
          %rem3A_726 = arith.remui %scan3A_298, %rem3A_725 : i32
          %mul3A_727 = arith.constant 1 : i32
          %mul3A_728 = arith.muli %mul3A_727, %add3A_306 : i32
          %mul3A_729 = arith.constant 96 : i32
          %mul3A_730 = arith.muli %mul3A_729, %add3A_308 : i32
          %dma_start3A_731 = arith.constant 0 : i32
          %dma_start3A_732 = arith.constant 0 : i32
          %dma_start3A_733 = arith.constant 0 : i32
          %dma_start3A_734 = tpu.memref_slice %run_scoped3A_14[%rem3A_726, %dma_start3A_731, %dma_start3A_732, %dma_start3A_733] : memref<2x1x96x192xf32, #tpu.memory_space<vmem>> -> memref<1x1x96x192xf32, #tpu.memory_space<vmem>>
          %dma_start3A_735 = tpu.memref_squeeze %dma_start3A_734 : memref<1x1x96x192xf32, #tpu.memory_space<vmem>> -> memref<1x96x192xf32, #tpu.memory_space<vmem>>
          %dma_start3A_736 = arith.constant 0 : i32
          %dma_start3A_737 = tpu.memref_slice %arg6[%mul3A_728, %mul3A_730, %dma_start3A_736] : memref<1536x192x192xf32, #tpu.memory_space<hbm>> -> memref<1x96x192xf32, #tpu.memory_space<hbm>>
          %dma_start3A_738 = tpu.memref_slice %run_scoped3A_15[%rem3A_726] : memref<2x!tpu.dma_semaphore, #tpu.memory_space<semaphore_mem>> -> memref<1x!tpu.dma_semaphore, #tpu.memory_space<semaphore_mem>>
          %dma_start3A_739 = tpu.memref_squeeze %dma_start3A_738 : memref<1x!tpu.dma_semaphore, #tpu.memory_space<semaphore_mem>> -> memref<!tpu.dma_semaphore, #tpu.memory_space<semaphore_mem>>
          %dma_start3A_740 = arith.constant 0 : i32
          %dma_start3A_741 = tpu.memref_slice %arg6[%mul3A_728, %mul3A_730, %dma_start3A_740] : memref<1536x192x192xf32, #tpu.memory_space<hbm>> -> memref<1x96x192xf32, #tpu.memory_space<hbm>>
          %dma_start3A_742 = arith.constant 0 : i32
          %dma_start3A_743 = arith.constant 0 : i32
          %dma_start3A_744 = arith.constant 0 : i32
          %dma_start3A_745 = tpu.memref_slice %run_scoped3A_14[%rem3A_726, %dma_start3A_742, %dma_start3A_743, %dma_start3A_744] : memref<2x1x96x192xf32, #tpu.memory_space<vmem>> -> memref<1x1x96x192xf32, #tpu.memory_space<vmem>>
          %dma_start3A_746 = tpu.memref_squeeze %dma_start3A_745 : memref<1x1x96x192xf32, #tpu.memory_space<vmem>> -> memref<1x96x192xf32, #tpu.memory_space<vmem>>
          tpu.enqueue_dma source(%dma_start3A_746 : memref<1x96x192xf32, #tpu.memory_space<vmem>>) target(%dma_start3A_741 : memref<1x96x192xf32, #tpu.memory_space<hbm>>) target_semaphore(%dma_start3A_739 : memref<!tpu.dma_semaphore, #tpu.memory_space<semaphore_mem>>)
          "tpu.trace_stop"() : () -> ()
        } else {
        }
        %and3A_583 = arith.constant true
        %and3A_584 = arith.andi %or3A_579, %and3A_583 : i1
        %add3A_585 = arith.constant 1 : i32
        %add3A_586 = arith.addi %scan3A_298, %add3A_585 : i32
        %select_n3A_587 = arith.select %and3A_584, %add3A_586, %scan3A_298 : i32
        %ne3A_588 = arith.cmpi ne, %add3A_306, %add3A_324 : i32
        %ne3A_589 = arith.cmpi ne, %add3A_308, %add3A_326 : i32
        %or3A_590 = arith.constant false
        %or3A_591 = arith.ori %or3A_590, %ne3A_588 : i1
        %or3A_592 = arith.ori %or3A_591, %ne3A_589 : i1
        %or3A_593 = arith.constant false
        %or3A_594 = arith.ori %or3A_592, %or3A_593 : i1
        %not3A_595 = arith.constant true
        %not3A_596 = arith.xori %eq3A_303, %not3A_595 : i1
        %and3A_597 = arith.andi %or3A_594, %not3A_596 : i1
        %convert_element_type3A_598 = arith.extui %and3A_597 : i1 to i32
        %cond3A_599 = arith.constant 0 : i32
        %cond3A_600 = arith.cmpi ne, %convert_element_type3A_598, %cond3A_599 : i32
        scf.if %cond3A_600 {
        } else {
        }
        %and3A_601 = arith.constant false
        %and3A_602 = arith.andi %and3A_597, %and3A_601 : i1
        %ne3A_603 = arith.cmpi ne, %add3A_306, %add3A_324 : i32
        %ne3A_604 = arith.cmpi ne, %add3A_308, %add3A_326 : i32
        %or3A_605 = arith.constant false
        %or3A_606 = arith.ori %or3A_605, %ne3A_603 : i1
        %or3A_607 = arith.ori %or3A_606, %ne3A_604 : i1
        %or3A_608 = arith.constant false
        %or3A_609 = arith.ori %or3A_607, %or3A_608 : i1
        %not3A_610 = arith.constant true
        %not3A_611 = arith.xori %eq3A_303, %not3A_610 : i1
        %and3A_612 = arith.andi %or3A_609, %not3A_611 : i1
        %convert_element_type3A_613 = arith.extui %and3A_612 : i1 to i32
        %cond3A_614 = arith.constant 0 : i32
        %cond3A_615 = arith.cmpi ne, %convert_element_type3A_613, %cond3A_614 : i32
        scf.if %cond3A_615 {
        } else {
        }
        %and3A_616 = arith.constant false
        %and3A_617 = arith.andi %and3A_612, %and3A_616 : i1
        %ne3A_618 = arith.cmpi ne, %add3A_306, %add3A_324 : i32
        %ne3A_619 = arith.cmpi ne, %add3A_308, %add3A_326 : i32
        %or3A_620 = arith.constant false
        %or3A_621 = arith.ori %or3A_620, %ne3A_618 : i1
        %or3A_622 = arith.ori %or3A_621, %ne3A_619 : i1
        %or3A_623 = arith.constant false
        %or3A_624 = arith.ori %or3A_622, %or3A_623 : i1
        %not3A_625 = arith.constant true
        %not3A_626 = arith.xori %eq3A_303, %not3A_625 : i1
        %and3A_627 = arith.andi %or3A_624, %not3A_626 : i1
        %convert_element_type3A_628 = arith.extui %and3A_627 : i1 to i32
        %cond3A_629 = arith.constant 0 : i32
        %cond3A_630 = arith.cmpi ne, %convert_element_type3A_628, %cond3A_629 : i32
        scf.if %cond3A_630 {
        } else {
        }
        %and3A_631 = arith.constant false
        %and3A_632 = arith.andi %and3A_627, %and3A_631 : i1
        %ne3A_633 = arith.cmpi ne, %add3A_306, %add3A_324 : i32
        %ne3A_634 = arith.cmpi ne, %add3A_308, %add3A_326 : i32
        %or3A_635 = arith.constant false
        %or3A_636 = arith.ori %or3A_635, %ne3A_633 : i1
        %or3A_637 = arith.ori %or3A_636, %ne3A_634 : i1
        %or3A_638 = arith.constant false
        %or3A_639 = arith.ori %or3A_637, %or3A_638 : i1
        %not3A_640 = arith.constant true
        %not3A_641 = arith.xori %eq3A_303, %not3A_640 : i1
        %and3A_642 = arith.andi %or3A_639, %not3A_641 : i1
        %convert_element_type3A_643 = arith.extui %and3A_642 : i1 to i32
        %cond3A_644 = arith.constant 0 : i32
        %cond3A_645 = arith.cmpi ne, %convert_element_type3A_643, %cond3A_644 : i32
        scf.if %cond3A_645 {
        } else {
        }
        %and3A_646 = arith.constant false
        %and3A_647 = arith.andi %and3A_642, %and3A_646 : i1
        %ne3A_648 = arith.cmpi ne, %add3A_306, %add3A_324 : i32
        %ne3A_649 = arith.cmpi ne, %add3A_308, %add3A_326 : i32
        %or3A_650 = arith.constant false
        %or3A_651 = arith.ori %or3A_650, %ne3A_648 : i1
        %or3A_652 = arith.ori %or3A_651, %ne3A_649 : i1
        %or3A_653 = arith.constant false
        %or3A_654 = arith.ori %or3A_652, %or3A_653 : i1
        %not3A_655 = arith.constant true
        %not3A_656 = arith.xori %eq3A_303, %not3A_655 : i1
        %and3A_657 = arith.andi %or3A_654, %not3A_656 : i1
        %convert_element_type3A_658 = arith.extui %and3A_657 : i1 to i32
        %cond3A_659 = arith.constant 0 : i32
        %cond3A_660 = arith.cmpi ne, %convert_element_type3A_658, %cond3A_659 : i32
        scf.if %cond3A_660 {
          "tpu.trace_start"() <{level = 10 : i32, message = "ep_wait_out"}> : () -> ()
          %rem3A_725 = arith.constant 2 : i32
          %rem3A_726 = arith.remui %scan3A_299, %rem3A_725 : i32
          %mul3A_727 = arith.constant 1 : i32
          %mul3A_728 = arith.muli %mul3A_727, %add3A_324 : i32
          %mul3A_729 = arith.constant 96 : i32
          %mul3A_730 = arith.muli %mul3A_729, %add3A_326 : i32
          %dma_wait3A_731 = arith.constant 0 : i32
          %dma_wait3A_732 = arith.constant 0 : i32
          %dma_wait3A_733 = arith.constant 0 : i32
          %dma_wait3A_734 = tpu.memref_slice %run_scoped3A_14[%rem3A_726, %dma_wait3A_731, %dma_wait3A_732, %dma_wait3A_733] : memref<2x1x96x192xf32, #tpu.memory_space<vmem>> -> memref<1x1x96x192xf32, #tpu.memory_space<vmem>>
          %dma_wait3A_735 = tpu.memref_squeeze %dma_wait3A_734 : memref<1x1x96x192xf32, #tpu.memory_space<vmem>> -> memref<1x96x192xf32, #tpu.memory_space<vmem>>
          %dma_wait3A_736 = arith.constant 0 : i32
          %dma_wait3A_737 = tpu.memref_slice %arg6[%mul3A_728, %mul3A_730, %dma_wait3A_736] : memref<1536x192x192xf32, #tpu.memory_space<hbm>> -> memref<1x96x192xf32, #tpu.memory_space<hbm>>
          %dma_wait3A_738 = tpu.memref_slice %run_scoped3A_15[%rem3A_726] : memref<2x!tpu.dma_semaphore, #tpu.memory_space<semaphore_mem>> -> memref<1x!tpu.dma_semaphore, #tpu.memory_space<semaphore_mem>>
          %dma_wait3A_739 = tpu.memref_squeeze %dma_wait3A_738 : memref<1x!tpu.dma_semaphore, #tpu.memory_space<semaphore_mem>> -> memref<!tpu.dma_semaphore, #tpu.memory_space<semaphore_mem>>
          %dma_wait3A_740 = arith.constant 0 : i32
          %dma_wait3A_741 = tpu.memref_slice %arg6[%mul3A_728, %mul3A_730, %dma_wait3A_740] : memref<1536x192x192xf32, #tpu.memory_space<hbm>> -> memref<1x96x192xf32, #tpu.memory_space<hbm>>
          %dma_wait3A_742 = arith.constant 0 : i32
          %dma_wait3A_743 = arith.constant 0 : i32
          %dma_wait3A_744 = arith.constant 0 : i32
          %dma_wait3A_745 = tpu.memref_slice %run_scoped3A_14[%rem3A_726, %dma_wait3A_742, %dma_wait3A_743, %dma_wait3A_744] : memref<2x1x96x192xf32, #tpu.memory_space<vmem>> -> memref<1x1x96x192xf32, #tpu.memory_space<vmem>>
          %dma_wait3A_746 = tpu.memref_squeeze %dma_wait3A_745 : memref<1x1x96x192xf32, #tpu.memory_space<vmem>> -> memref<1x96x192xf32, #tpu.memory_space<vmem>>
          tpu.wait_dma2 semaphore(%dma_wait3A_739 : memref<!tpu.dma_semaphore, #tpu.memory_space<semaphore_mem>>) src(%dma_wait3A_746 : memref<1x96x192xf32, #tpu.memory_space<vmem>>) dst(%dma_wait3A_741 : memref<1x96x192xf32, #tpu.memory_space<hbm>>)
          "tpu.trace_stop"() : () -> ()
        } else {
        }
        %and3A_661 = arith.constant true
        %and3A_662 = arith.andi %and3A_657, %and3A_661 : i1
        %add3A_663 = arith.constant 1 : i32
        %add3A_664 = arith.addi %scan3A_299, %add3A_663 : i32
        %select_n3A_665 = arith.select %and3A_662, %add3A_664, %scan3A_299 : i32
        %ne3A_666 = arith.cmpi ne, %add3A_306, %add3A_342 : i32
        %ne3A_667 = arith.cmpi ne, %add3A_308, %add3A_344 : i32
        %or3A_668 = arith.constant false
        %or3A_669 = arith.ori %or3A_668, %ne3A_666 : i1
        %or3A_670 = arith.ori %or3A_669, %ne3A_667 : i1
        %or3A_671 = arith.constant false
        %or3A_672 = arith.ori %or3A_670, %or3A_671 : i1
        %or3A_673 = arith.ori %or3A_672, %eq3A_305 : i1
        %add3A_674 = arith.constant 1 : i32
        %add3A_675 = arith.addi %scan3A_291, %add3A_674 : i32
        %select_n3A_676 = arith.select %or3A_673, %add3A_675, %scan3A_291 : i32
        %ne3A_677 = arith.cmpi ne, %add3A_306, %add3A_342 : i32
        %ne3A_678 = arith.cmpi ne, %add3A_308, %add3A_344 : i32
        %or3A_679 = arith.constant false
        %or3A_680 = arith.ori %or3A_679, %ne3A_677 : i1
        %or3A_681 = arith.ori %or3A_680, %ne3A_678 : i1
        %or3A_682 = arith.constant false
        %or3A_683 = arith.ori %or3A_681, %or3A_682 : i1
        %or3A_684 = arith.ori %or3A_683, %eq3A_305 : i1
        %add3A_685 = arith.constant 1 : i32
        %add3A_686 = arith.addi %scan3A_293, %add3A_685 : i32
        %select_n3A_687 = arith.select %or3A_684, %add3A_686, %scan3A_293 : i32
        %ne3A_688 = arith.cmpi ne, %add3A_306, %add3A_342 : i32
        %ne3A_689 = arith.cmpi ne, %add3A_308, %add3A_344 : i32
        %or3A_690 = arith.constant false
        %or3A_691 = arith.ori %or3A_690, %ne3A_688 : i1
        %or3A_692 = arith.ori %or3A_691, %ne3A_689 : i1
        %or3A_693 = arith.constant false
        %or3A_694 = arith.ori %or3A_692, %or3A_693 : i1
        %or3A_695 = arith.ori %or3A_694, %eq3A_305 : i1
        %add3A_696 = arith.constant 1 : i32
        %add3A_697 = arith.addi %scan3A_295, %add3A_696 : i32
        %select_n3A_698 = arith.select %or3A_695, %add3A_697, %scan3A_295 : i32
        %ne3A_699 = arith.cmpi ne, %add3A_306, %add3A_342 : i32
        %ne3A_700 = arith.cmpi ne, %add3A_308, %add3A_344 : i32
        %or3A_701 = arith.constant false
        %or3A_702 = arith.ori %or3A_701, %ne3A_699 : i1
        %or3A_703 = arith.ori %or3A_702, %ne3A_700 : i1
        %or3A_704 = arith.constant false
        %or3A_705 = arith.ori %or3A_703, %or3A_704 : i1
        %or3A_706 = arith.ori %or3A_705, %eq3A_305 : i1
        %add3A_707 = arith.constant 1 : i32
        %add3A_708 = arith.addi %scan3A_297, %add3A_707 : i32
        %select_n3A_709 = arith.select %or3A_706, %add3A_708, %scan3A_297 : i32
        %add3A_710 = arith.constant 1 : i32
        %add3A_711 = arith.addi %scan3A_301, %add3A_710 : i32
        %select_n3A_712 = arith.constant true
        %select_n3A_713 = arith.select %select_n3A_712, %add3A_711, %scan3A_301 : i32
        %eq3A_714 = arith.constant 2 : i32
        %eq3A_715 = arith.cmpi eq, %select_n3A_713, %eq3A_714 : i32
        %select_n3A_716 = arith.constant 0 : i32
        %select_n3A_717 = arith.select %eq3A_715, %select_n3A_716, %select_n3A_713 : i32
        %add3A_718 = arith.constant 1 : i32
        %add3A_719 = arith.addi %scan3A_300, %add3A_718 : i32
        %select_n3A_720 = arith.select %eq3A_715, %add3A_719, %scan3A_300 : i32
        %eq3A_721 = arith.constant 48 : i32
        %eq3A_722 = arith.cmpi eq, %select_n3A_720, %eq3A_721 : i32
        %select_n3A_723 = arith.constant 0 : i32
        %select_n3A_724 = arith.select %eq3A_722, %select_n3A_723, %select_n3A_720 : i32
        scf.yield %select_n3A_375, %select_n3A_676, %select_n3A_395, %select_n3A_687, %select_n3A_415, %select_n3A_698, %select_n3A_435, %select_n3A_709, %select_n3A_587, %select_n3A_665, %select_n3A_724, %select_n3A_717 : i32, i32, i32, i32, i32, i32, i32, i32, i32, i32, i32, i32
      }
      %scan3A_196 = arith.constant 96 : i32
      %sub3A = arith.constant 1 : i32
      %sub3A_197 = arith.subi %scan3A_195#11, %sub3A : i32
      %select_n3A_198 = arith.constant true
      %select_n3A_199 = arith.select %select_n3A_198, %sub3A_197, %scan3A_195#11 : i32
      %eq3A_200 = arith.constant -1 : i32
      %eq3A_201 = arith.cmpi eq, %select_n3A_199, %eq3A_200 : i32
      %select_n3A_202 = arith.constant 1 : i32
      %select_n3A_203 = arith.select %eq3A_201, %select_n3A_202, %select_n3A_199 : i32
      %sub3A_204 = arith.constant 1 : i32
      %sub3A_205 = arith.subi %scan3A_195#10, %sub3A_204 : i32
      %select_n3A_206 = arith.select %eq3A_201, %sub3A_205, %scan3A_195#10 : i32
      %eq3A_207 = arith.constant -1 : i32
      %eq3A_208 = arith.cmpi eq, %select_n3A_206, %eq3A_207 : i32
      %select_n3A_209 = arith.constant 47 : i32
      %select_n3A_210 = arith.select %eq3A_208, %select_n3A_209, %select_n3A_206 : i32
      %add3A_211 = arith.addi %select_n3A_210, %mul3A_6 : i32
      %add3A_212 = arith.constant 0 : i32
      %add3A_213 = arith.addi %select_n3A_203, %add3A_212 : i32
      %sub3A_214 = arith.constant 1 : i32
      %sub3A_215 = arith.subi %select_n3A_203, %sub3A_214 : i32
      %select_n3A_216 = arith.constant true
      %select_n3A_217 = arith.select %select_n3A_216, %sub3A_215, %select_n3A_203 : i32
      %eq3A_218 = arith.constant -1 : i32
      %eq3A_219 = arith.cmpi eq, %select_n3A_217, %eq3A_218 : i32
      %select_n3A_220 = arith.constant 1 : i32
      %select_n3A_221 = arith.select %eq3A_219, %select_n3A_220, %select_n3A_217 : i32
      %sub3A_222 = arith.constant 1 : i32
      %sub3A_223 = arith.subi %select_n3A_210, %sub3A_222 : i32
      %select_n3A_224 = arith.select %eq3A_219, %sub3A_223, %select_n3A_210 : i32
      %eq3A_225 = arith.constant -1 : i32
      %eq3A_226 = arith.cmpi eq, %select_n3A_224, %eq3A_225 : i32
      %select_n3A_227 = arith.constant 47 : i32
      %select_n3A_228 = arith.select %eq3A_226, %select_n3A_227, %select_n3A_224 : i32
      %add3A_229 = arith.addi %select_n3A_228, %mul3A_6 : i32
      %add3A_230 = arith.constant 0 : i32
      %add3A_231 = arith.addi %select_n3A_221, %add3A_230 : i32
      %add3A_232 = arith.constant 1 : i32
      %add3A_233 = arith.addi %select_n3A_203, %add3A_232 : i32
      %select_n3A_234 = arith.constant true
      %select_n3A_235 = arith.select %select_n3A_234, %add3A_233, %select_n3A_203 : i32
      %eq3A_236 = arith.constant 2 : i32
      %eq3A_237 = arith.cmpi eq, %select_n3A_235, %eq3A_236 : i32
      %select_n3A_238 = arith.constant 0 : i32
      %select_n3A_239 = arith.select %eq3A_237, %select_n3A_238, %select_n3A_235 : i32
      %add3A_240 = arith.constant 1 : i32
      %add3A_241 = arith.addi %select_n3A_210, %add3A_240 : i32
      %select_n3A_242 = arith.select %eq3A_237, %add3A_241, %select_n3A_210 : i32
      %eq3A_243 = arith.constant 48 : i32
      %eq3A_244 = arith.cmpi eq, %select_n3A_242, %eq3A_243 : i32
      %select_n3A_245 = arith.constant 0 : i32
      %select_n3A_246 = arith.select %eq3A_244, %select_n3A_245, %select_n3A_242 : i32
      %add3A_247 = arith.addi %select_n3A_246, %mul3A_6 : i32
      %add3A_248 = arith.constant 0 : i32
      %add3A_249 = arith.addi %select_n3A_239, %add3A_248 : i32
      %add3A_250 = arith.constant 1 : i32
      %add3A_251 = arith.addi %select_n3A_239, %add3A_250 : i32
      %select_n3A_252 = arith.constant true
      %select_n3A_253 = arith.select %select_n3A_252, %add3A_251, %select_n3A_239 : i32
      %eq3A_254 = arith.constant 2 : i32
      %eq3A_255 = arith.cmpi eq, %select_n3A_253, %eq3A_254 : i32
      %select_n3A_256 = arith.constant 0 : i32
      %select_n3A_257 = arith.select %eq3A_255, %select_n3A_256, %select_n3A_253 : i32
      %add3A_258 = arith.constant 1 : i32
      %add3A_259 = arith.addi %select_n3A_246, %add3A_258 : i32
      %select_n3A_260 = arith.select %eq3A_255, %add3A_259, %select_n3A_246 : i32
      %eq3A_261 = arith.constant 48 : i32
      %eq3A_262 = arith.cmpi eq, %select_n3A_260, %eq3A_261 : i32
      %select_n3A_263 = arith.constant 0 : i32
      %select_n3A_264 = arith.select %eq3A_262, %select_n3A_263, %select_n3A_260 : i32
      %add3A_265 = arith.addi %select_n3A_264, %mul3A_6 : i32
      %add3A_266 = arith.constant 0 : i32
      %add3A_267 = arith.addi %select_n3A_257, %add3A_266 : i32
      "tpu.trace_start"() <{level = 10 : i32, message = "ep_finalize"}> : () -> ()
      %rem3A_268 = arith.constant 2 : i32
      %rem3A_269 = arith.remui %scan3A_195#9, %rem3A_268 : i32
      %mul3A_270 = arith.constant 1 : i32
      %mul3A_271 = arith.muli %mul3A_270, %add3A_211 : i32
      %mul3A_272 = arith.constant 96 : i32
      %mul3A_273 = arith.muli %mul3A_272, %add3A_213 : i32
      %dma_wait3A = arith.constant 0 : i32
      %dma_wait3A_274 = arith.constant 0 : i32
      %dma_wait3A_275 = arith.constant 0 : i32
      %dma_wait3A_276 = tpu.memref_slice %run_scoped3A_14[%rem3A_269, %dma_wait3A, %dma_wait3A_274, %dma_wait3A_275] : memref<2x1x96x192xf32, #tpu.memory_space<vmem>> -> memref<1x1x96x192xf32, #tpu.memory_space<vmem>>
      %dma_wait3A_277 = tpu.memref_squeeze %dma_wait3A_276 : memref<1x1x96x192xf32, #tpu.memory_space<vmem>> -> memref<1x96x192xf32, #tpu.memory_space<vmem>>
      %dma_wait3A_278 = arith.constant 0 : i32
      %dma_wait3A_279 = tpu.memref_slice %arg6[%mul3A_271, %mul3A_273, %dma_wait3A_278] : memref<1536x192x192xf32, #tpu.memory_space<hbm>> -> memref<1x96x192xf32, #tpu.memory_space<hbm>>
      %dma_wait3A_280 = tpu.memref_slice %run_scoped3A_15[%rem3A_269] : memref<2x!tpu.dma_semaphore, #tpu.memory_space<semaphore_mem>> -> memref<1x!tpu.dma_semaphore, #tpu.memory_space<semaphore_mem>>
      %dma_wait3A_281 = tpu.memref_squeeze %dma_wait3A_280 : memref<1x!tpu.dma_semaphore, #tpu.memory_space<semaphore_mem>> -> memref<!tpu.dma_semaphore, #tpu.memory_space<semaphore_mem>>
      %dma_wait3A_282 = arith.constant 0 : i32
      %dma_wait3A_283 = tpu.memref_slice %arg6[%mul3A_271, %mul3A_273, %dma_wait3A_282] : memref<1536x192x192xf32, #tpu.memory_space<hbm>> -> memref<1x96x192xf32, #tpu.memory_space<hbm>>
      %dma_wait3A_284 = arith.constant 0 : i32
      %dma_wait3A_285 = arith.constant 0 : i32
      %dma_wait3A_286 = arith.constant 0 : i32
      %dma_wait3A_287 = tpu.memref_slice %run_scoped3A_14[%rem3A_269, %dma_wait3A_284, %dma_wait3A_285, %dma_wait3A_286] : memref<2x1x96x192xf32, #tpu.memory_space<vmem>> -> memref<1x1x96x192xf32, #tpu.memory_space<vmem>>
      %dma_wait3A_288 = tpu.memref_squeeze %dma_wait3A_287 : memref<1x1x96x192xf32, #tpu.memory_space<vmem>> -> memref<1x96x192xf32, #tpu.memory_space<vmem>>
      tpu.wait_dma2 semaphore(%dma_wait3A_281 : memref<!tpu.dma_semaphore, #tpu.memory_space<semaphore_mem>>) src(%dma_wait3A_288 : memref<1x96x192xf32, #tpu.memory_space<vmem>>) dst(%dma_wait3A_283 : memref<1x96x192xf32, #tpu.memory_space<hbm>>)
      "tpu.trace_stop"() : () -> ()
      tpu.yield
    }) : () -> ()
    return
  }
}

</mosaic_0001>

<sc_bundles>
// kernel: kernel.3.cloned.1.call-start
scs
__scs_entry_jumppad:
0x0: {  	(pc) =	sbr.rel $0x88, $3  }
0x1: {  	(tag) =	ssettag $0x0;
	lr =	simm.s32 $0x1  }
0x2: {  	[smem:$0x3F9D] =	sst lr;
	_ =	strace $0xD0000000  }
0x3: {  	_ = 	snop  }
0x4: {  	_ = 	snop  }
0x5: {  	_ = 	snop  }
0x6: {  	_ = 	snop  }
0x7: {  	_ = 	snop  }
__scs_overlays_trampoline_lowered:
0x8: {  	[smem:$0x3FAC] =	sst s0  }
0x9: {  	[smem:$0x3FAD] =	sst s1  }
0xa: {  	[smem:$0x3FAE] =	sst s2  }
0xb: {  	[smem:$0x3FAF] =	sst s3  }
0xc: {  	[smem:$0x3FB0] =	sst s4  }
0xd: {  	[smem:$0x3FB1] =	sst s5  }
0xe: {  	[smem:$0x3FB2] =	sst s6  }
0xf: {  	[smem:$0x3FB3] =	sst s7  }
0x10: {  	[smem:$0x3FB4] =	sst s8  }
0x11: {  	[smem:$0x3FB5] =	sst s9;
	s0 =	simm.s32 @!p0 $0x0  }
0x12: {  	s1 =	sld [smem:$0x3F9B];
	s0 =	simm.s32 @p0 $0x1  }
0x13: {  	[smem:$0x3FB6] =	sst s0;
	s0 =	simm.s32 @!p1 $0x0  }
0x14: {  	s2 =	sld [smem:$0x3F9A];
	s0 =	simm.s32 @p1 $0x1  }
0x15: {  	[smem:$0x3FB7] =	sst s0;
	s0 =	simm.s32 @!p2 $0x0  }
0x16: {  	s3 =	sld [smem:$0x3FDB];
	s0 =	simm.s32 @p2 $0x1  }
0x17: {  	s4 =	simm.s32 $0x1BF5;
	[smem:$0x3FB9] =	sst s0  }
0x18: {  	s0 =	sld [smem:$0x3F9C];
	_ =	swait.ge [sflag:s4], $0x0  }
0x19: {  	s7 =	sld [smem:$0x3F9D]  }
0x1a: {  	s8 =	sadd.s32 $0xFFFFE003, lr  }
0x1b: {  	s9 =	sadd.s32 $0xFFFFFEF7, lr;
	s5 =	simm.s32 $0xFFFFFFFF;
	p2 =	slt.u32 s8, $0xFFFFF086  }
0x1c: {  	p1 =	slt.u32 s9, $0xF7A;
	s5 =	simm.s32 @!p2 $0x0  }
0x1d: {  	s5 =	simm.s32 @p1 $0x1;
	p0 =	seq.s32 s7, s2  }
0x1e: {  	s7 =	smul.u32 @!p0 $0xF7A, s2;
	p2 =	seq.s32 @!p0 s5, $0x0  }
0x1f: {  	s9 =	smul.u32 $0xF7A, s1;
	s8 =	simm.s32 @!p0 $0x1BF5;
	p2 =	por !p2, p0  }
0x20: {  	[sflag:s8] =	ssyncset.s32 @!p0 $0xFFFFF086;
	s6 =	sadd.s32 @!p0 s3, s7;
	s7 =	simm.s32 @!p0 $0x108  }
0x21: {  	s3 =	sadd.s32 s3, s9;
	s6 =	sadd.s32 @!p0 $0x88, s6;
	s7 =	simm.s32 @p2 $0x1082  }
0x22: {  	[simem:s7], [sflag:s8] =	dma.local @!p0 [hbm:s6], $0xF7A  }
0x23: {  	s9 =	sor.u32 $0xD0000000, s2;
	s6 =	simm.s32 $0x108;
	_ =	swait.ge @!p0 [sflag:s8], $0x0  }
0x24: {  	s3 =	sadd.s32 $0x88, s3;
	s6 =	simm.s32 @!p1 $0x1082;
	[sflag:s4] =	ssyncset.s32 $0xFFFFF086  }
0x25: {  	[simem:s6], [sflag:s4] =	dma.local [hbm:s3], $0xF7A  }
0x26: {  	[smem:$0x3F9D] =	sst s1;
	(tag) =	ssettag s2;
	_ =	strace s9  }
0x27: {  	s1 =	sld [smem:$0x3FAD]  }
0x28: {  	s2 =	sld [smem:$0x3FAE]  }
0x29: {  	s4 =	sld [smem:$0x3FB0]  }
0x2a: {  	p0 =	seq.s32 s5, $0x0;
	s5 =	sld [smem:$0x3FB1]  }
0x2b: {  	s6 =	sld [smem:$0x3FB2]  }
0x2c: {  	s7 =	sld [smem:$0x3FB3]  }
0x2d: {  	s3 =	simm.s32 $0x108;
	s8 =	sld [smem:$0x3FB4]  }
0x2e: {  	s3 =	simm.s32 @!p0 $0x1082;
	s9 =	sld [smem:$0x3FB5]  }
0x2f: {  	lr =	sadd.s32 s0, s3;
	s0 =	sld [smem:$0x3FAC]  }
0x30: {  	s3 =	sld [smem:$0x3FAF]  }
0x31: {  	[smem:$0x3FB8] =	sst s10  }
0x32: {  	s10 =	sld [smem:$0x3FB6];
	_ =	sdelay $0x3  }
0x33: {  	p0 =	seq.s32 s10, $0x1;
	s10 =	sld [smem:$0x3FB8];
	_ =	sdelay $0x3  }
0x34: {  	[smem:$0x3FB8] =	sst s10  }
0x35: {  	s10 =	sld [smem:$0x3FB7];
	_ =	sdelay $0x3  }
0x36: {  	p1 =	seq.s32 s10, $0x1;
	s10 =	sld [smem:$0x3FB8];
	_ =	sdelay $0x3  }
0x37: {  	[smem:$0x3FB8] =	sst s10  }
0x38: {  	s10 =	sld [smem:$0x3FB9]  }
0x39: {  	_ = 	snop;
	(pc) =	sbr.ind lr, $3  }
0x3a: {  	_ = 	snop  }
0x3b: {  	_ = 	snop  }
0x3c: {  	p2 =	seq.s32 s10, $0x1;
	s10 =	sld [smem:$0x3FB8]  }
0x3d: {  	_ =	shalt  }
0x3e: {  	_ =	shalt  }
0x3f: {  	_ =	shalt  }
0x40: {  	_ =	shalt  }
0x41: {  	_ =	shalt  }
0x42: {  	_ =	shalt  }
0x43: {  	_ =	shalt  }
0x44: {  	_ =	shalt  }
0x45: {  	_ =	shalt  }
0x46: {  	_ =	shalt  }
0x47: {  	_ =	shalt  }
0x48: {  	_ =	shalt  }
0x49: {  	_ =	shalt  }
0x4a: {  	_ =	shalt  }
0x4b: {  	_ =	shalt  }
0x4c: {  	_ =	shalt  }
0x4d: {  	_ =	shalt  }
0x4e: {  	_ =	shalt  }
0x4f: {  	_ =	shalt  }
0x50: {  	_ =	shalt  }
0x51: {  	_ =	shalt  }
0x52: {  	_ =	shalt  }
0x53: {  	_ =	shalt  }
0x54: {  	_ =	shalt  }
0x55: {  	_ =	shalt  }
0x56: {  	_ =	shalt  }
0x57: {  	_ =	shalt  }
0x58: {  	_ =	shalt  }
0x59: {  	_ =	shalt  }
0x5a: {  	_ =	shalt  }
0x5b: {  	_ =	shalt  }
0x5c: {  	_ =	shalt  }
0x5d: {  	_ =	shalt  }
0x5e: {  	_ =	shalt  }
0x5f: {  	_ =	shalt  }
0x60: {  	_ =	shalt  }
0x61: {  	_ =	shalt  }
0x62: {  	_ =	shalt  }
0x63: {  	_ =	shalt  }
0x64: {  	_ =	shalt  }
0x65: {  	_ =	shalt  }
0x66: {  	_ =	shalt  }
0x67: {  	_ =	shalt  }
0x68: {  	_ =	shalt  }
0x69: {  	_ =	shalt  }
0x6a: {  	_ =	shalt  }
0x6b: {  	_ =	shalt  }
0x6c: {  	_ =	shalt  }
0x6d: {  	_ =	shalt  }
0x6e: {  	_ =	shalt  }
0x6f: {  	_ =	shalt  }
0x70: {  	_ =	shalt  }
0x71: {  	_ =	shalt  }
0x72: {  	_ =	shalt  }
0x73: {  	_ =	shalt  }
0x74: {  	_ =	shalt  }
0x75: {  	_ =	shalt  }
0x76: {  	_ =	shalt  }
0x77: {  	_ =	shalt  }
0x78: {  	_ =	shalt  }
0x79: {  	_ =	shalt  }
0x7a: {  	_ =	shalt  }
0x7b: {  	_ =	shalt  }
0x7c: {  	_ =	shalt  }
0x7d: {  	_ =	shalt  }
0x7e: {  	_ =	shalt  }
0x7f: {  	_ =	shalt  }
0x80: {  	_ =	shalt  }
0x81: {  	_ =	shalt  }
0x82: {  	_ =	shalt  }
0x83: {  	_ =	shalt  }
0x84: {  	_ =	shalt  }
0x85: {  	_ =	shalt  }
0x86: {  	_ =	shalt  }
0x87: {  	_ =	shalt  }
.Lfunc_end0:
.L_simem_size_0:
called_computation_lowered:
.L_overlay_start_0:
0x88: {  	s2 =	sld [smem:$0x3FD9]  }
0x89: {  	s3 =	sld [smem:$0x3FFE];
	_ =	sdelay $0x1  }
0x8a: {  	s1 =	srdreg.scid  }
0x8b: {  	s0 =	sand.u32 $0x1, s1  }
0x8c: {  	s18 =	sshll.u32 s0, $0xA;
	s2 =	sadd.s32 s3, s2  }
0x8d: {  	s2 =	sadd.s32 s2, s18  }
0x8e: {  	[smem:$0x3FC4] =	sst s2  }
0x8f: {  	_ = 	snop  }
0x90: {  	s2 =	sld [smem:$0x3FC9]  }
0x91: {  	s19 =	sld [smem:$0x3FC8]  }
0x92: {  	s4 =	sld [smem:$0x3FC7]  }
0x93: {  	s5 =	sld [smem:$0x3FC6]  }
0x94: {  	s6 =	sld [smem:$0x3FD0];
	(tm) =	ssettm $0x1  }
0x95: {  	s7 =	sld [smem:$0x3FFB];
	_ =	sdelay $0x3  }
0x96: {  	_ =	strace s7  }
0x97: {  	s7 =	sld [smem:$0x3FFC];
	_ =	sdelay $0x3  }
0x98: {  	_ =	strace s7  }
0x99: {  	s7 =	sld [smem:$0x3FFD];
	_ =	sdelay $0x3  }
0x9a: {  	_ =	strace s7  }
0x9b: {  	_ =	strace $0x8FFFFFFF  }
0x9c: {  	s20 =	sld [smem:$0x3FDB];
	_ =	sdelay $0x1  }
0x9d: {  	s8 =	simm.s32 $_scs_section_size  }
0x9e: {  	s9 =	simm.s32 $_size__tile_overlayer_lowered;
	s10 =	simm.s32 $_tile_overlayer_lowered  }
0x9f: {  	s23 =	simm.s32 $0x1BFF;
	s22 =	sshll.u32 s10, $0x1;
	s7 =	sadd.s32 s8, s20  }
0xa0: {  	s11 =	simm.s32 $0x0;
	s21 =	sshll.u32 s9, $0x1;
	s9 =	sadd.s32 s22, s7  }
0xa1: {  	[timem:s11], [sflag:s23] =	dma.local [hbm:s9], s21  }
0xa2: {  	_ =	swait.ge [sflag:s23], s21  }
0xa3: {  	s8 =	ssub.s32 $0x0, s21;
	[sflag:s23] =	ssyncset.done $0x0  }
0xa4: {  	[sflag:s23] =	ssyncadd.s32 s8;
	_ =	sdelay $0x1  }
0xa5: {  	s24 =	simm.s32 $0x1B8B  }
0xa6: {  	_ =	swait.ge [sflag:s24], $0x1  }
0xa7: {  	[sflag:s24] =	ssyncset.done $0x0  }
0xa8: {  	s25 =	simm.s32 $0x1B8E;
	[sflag:s24] =	ssyncadd.s32 $0xFFFFFFFF  }
0xa9: {  	s26 =	simm.s32 $execute0_lowered;
	[smem:$0x3FD2] =	sst s25  }
0xaa: {  	s8 =	sshll.u32 s26, $0x1;
	_ =	strace $0x80000046;
	[dreg:$0x1] =	wrdreg $0xFFFFFFFF  }
0xab: {  	s28 =	simm.s32 $_size_execute0_lowered;
	s7 =	sadd.s32 s7, s8;
	[dreg:$0x0] =	wrdreg $0x0  }
0xac: {  	s8 =	sshll.u32 s28, $0x1;
	[dreg:$0x2] =	wrdreg s7  }
0xad: {  	[dreg:$0x3] =	wrdreg s8  }
0xae: {  	[dreg:$0x4] =	wrdreg $0xC0  }
0xaf: {  	_ =	task [dreg:s11], $0x5FFFF  }
0xb0: {  	[dreg:$0x1] =	wrdreg $0xFFFFFFFF  }
0xb1: {  	[dreg:$0x0] =	wrdreg $0x60  }
0xb2: {  	[dreg:$0x2] =	wrdreg s2  }
0xb3: {  	[dreg:$0x3] =	wrdreg s19  }
0xb4: {  	[dreg:$0x4] =	wrdreg s4  }
0xb5: {  	[dreg:$0x5] =	wrdreg s5  }
0xb6: {  	[dreg:$0x6] =	wrdreg s6  }
0xb7: {  	[dreg:$0x7] =	wrdreg $0x9  }
0xb8: {  	_ =	task.clear_ibuf [dreg:s11], $0x8FFFF;
	_ =	strace $0x90000046  }
0xb9: {  	s29 =	simm.s32 $0x9;
	_ =	strace $0x80000055  }
0xba: {  	_ =	swait.ge [sflag:s29], $0x1  }
0xbb: {  	[sflag:s29] =	ssyncadd.s32 $0xFFFFFFFF  }
0xbc: {  	_ =	strace $0x90000055  }
0xbd: {  	_ =	sfence  }
0xbe: {  	s30 =	sld [smem:$0x0];
	_ =	sdelay $0x2  }
0xbf: {  	s31 =	sshll.u32 s1, $0xD;
	s1 =	sshrl.u32 s1, $0x2  }
0xc0: {  	s3 =	sand.u32 $0x4000, s31;
	s1 =	sadd.s32 s1, s30  }
0xc1: {  	s0 =	sor.u32 s3, s0;
	s1 =	sshll.u32 s1, $0x11  }
0xc2: {  	s0 =	sor.u32 s1, s0  }
0xc3: {  	s0 =	sadd.s32 $0x8F2B, s0  }
0xc4: {  	[sflag:s0] =	ssyncadd.remote.s32 $0x1  }
0xc5: {  	_ =	sfence.sel $0xFFFF  }
0xc6: {  	[dreg:$0x0] =	wrdreg $0xFFFFFFFF;
	(pc) =	sbr.abs _section_cstart, $3  }
0xc7: {  	[dreg:$0x1] =	wrdreg $0xFFFFFFFF  }
0xc8: {  	_ =	task.clear_ibuf [dreg:s11], $0x2FFFF;
	_ =	strace $0x9FFFFFFF  }
0xc9: {  	(tm) =	ssettm $0x7FFFFFFF  }
tec
execute0_lowered:
.L_overlay_start_1:
0x0: {  	(tag) =	ssettag $0x1  }
0x1: {  	v0 =	vlaneseq.u32  }
0x2: {  	v21 =	vmul.u32 $0x2, v0;
	_ =	sdelay $0x1  }
0x3: {  	v0 =	vor.u32 $0x420, v21  }
0x4: {  	v58 =	vor.u32 $0x421, v21;
	[tilespmem:$0x1FC00] =	vst v0  }
0x5: {  	v59 =	vor.u32 $0x161, v21;
	[tilespmem:$0x1FC10] =	vst v58  }
0x6: {  	v60 =	vor.u32 $0x1E0, v21;
	[tilespmem:$0x1FC20] =	vst v59  }
0x7: {  	v61 =	vor.u32 $0x1E1, v21;
	[tilespmem:$0x1FC30] =	vst v60  }
0x8: {  	v62 =	vor.u32 $0x500, v21;
	[tilespmem:$0x1FC40] =	vst v61  }
0x9: {  	v63 =	vor.u32 $0x501, v21;
	[tilespmem:$0x1FC50] =	vst v62  }
0xa: {  	v4 =	vor.u32 $0x580, v21;
	[tilespmem:$0x1FC60] =	vst v63  }
0xb: {  	v8 =	vor.u32 $0x581, v21;
	[tilespmem:$0x1FC70] =	vst v4  }
0xc: {  	v14 =	vor.u32 $0x520, v21;
	[tilespmem:$0x1FC80] =	vst v8  }
0xd: {  	v15 =	vor.u32 $0x521, v21;
	[tilespmem:$0x1FC90] =	vst v14  }
0xe: {  	s1 =	rddreg [dreg:$0x0];
	v18 =	vor.u32 $0x5A0, v21;
	[tilespmem:$0x1FCA0] =	vst v15  }
0xf: {  	s9 =	rddreg [dreg:$0x1];
	v19 =	vor.u32 $0x5A1, v21;
	[tilespmem:$0x1FCB0] =	vst v18  }
0x10: {  	s10 =	rddreg [dreg:$0x2];
	s3 =	simm.s32 $0x0;
	v24 =	vor.u32 $0x200, v21;
	[tilespmem:$0x1FCC0] =	vst v19  }
0x11: {  	[smem:$0x7FF] =	sst s3;
	v25 =	vor.u32 $0x201, v21;
	[tilespmem:$0x1FCD0] =	vst v24  }
0x12: {  	s11 =	rddreg [dreg:$0x3];
	v26 =	vor.u32 $0x280, v21;
	_ =	strace $0x80000047;
	[tilespmem:$0x1FCE0] =	vst v25  }
0x13: {  	v27 =	vor.u32 $0x281, v21;
	[tilespmem:$0x1FCF0] =	vst v26  }
0x14: {  	v28 =	vor.u32 $0x220, v21;
	[tilespmem:$0x1FD00] =	vst v27  }
0x15: {  	v29 =	vor.u32 $0x221, v21;
	[tilespmem:$0x1FD10] =	vst v28  }
0x16: {  	v30 =	vor.u32 $0x2A0, v21;
	[tilespmem:$0x1FD20] =	vst v29  }
0x17: {  	v31 =	vor.u32 $0x2A1, v21;
	[tilespmem:$0x1FD30] =	vst v30  }
0x18: {  	v50 =	vor.u32 $0x240, v21;
	[tilespmem:$0x1FD40] =	vst v31  }
0x19: {  	v54 =	vor.u32 $0x241, v21;
	[tilespmem:$0x1FD50] =	vst v50  }
0x1a: {  	v58 =	vor.u32 $0x2C0, v21;
	[tilespmem:$0x1FD60] =	vst v54  }
0x1b: {  	v59 =	vor.u32 $0x2C1, v21;
	[tilespmem:$0x1FD70] =	vst v58  }
0x1c: {  	v60 =	vor.u32 $0x260, v21;
	[tilespmem:$0x1FD80] =	vst v59  }
0x1d: {  	v61 =	vor.u32 $0x261, v21;
	[tilespmem:$0x1FD90] =	vst v60  }
0x1e: {  	v62 =	vor.u32 $0x2E0, v21;
	[tilespmem:$0x1FDA0] =	vst v61  }
0x1f: {  	v63 =	vor.u32 $0x2E1, v21;
	[tilespmem:$0x1FDB0] =	vst v62  }
0x20: {  	[tilespmem:$0x1FDC0] =	vst v63  }
0x21: {  	v11 =	vor.u32 $0x4A0, v21;
	[tilespmem:$0x1FDD0] =	vst v21  }
0x22: {  	v12 =	vor.u32 $0x4A1, v21;
	[tilespmem:$0x1FDE0] =	vst v11  }
0x23: {  	v32 =	vor.u32 $0x100, v21;
	[tilespmem:$0x1FDF0] =	vst v12  }
0x24: {  	v33 =	vor.u32 $0x101, v21;
	[tilespmem:$0x1FE00] =	vst v32  }
0x25: {  	v34 =	vor.u32 $0x180, v21;
	[tilespmem:$0x1FE10] =	vst v33  }
0x26: {  	v35 =	vor.u32 $0x181, v21;
	[tilespmem:$0x1FE20] =	vst v34  }
0x27: {  	v36 =	vor.u32 $0x120, v21;
	[tilespmem:$0x1FE30] =	vst v35  }
0x28: {  	v38 =	vor.u32 $0x121, v21;
	[tilespmem:$0x1FE40] =	vst v36  }
0x29: {  	v40 =	vor.u32 $0x1A0, v21;
	[tilespmem:$0x1FE50] =	vst v38  }
0x2a: {  	v41 =	vor.u32 $0x1A1, v21;
	[tilespmem:$0x1FE60] =	vst v40  }
0x2b: {  	v37 =	vor.u32 $0x21, v21;
	[tilespmem:$0x1FE70] =	vst v41  }
0x2c: {  	v39 =	vor.u32 $0xA0, v21;
	[tilespmem:$0x1FE80] =	vst v37  }
0x2d: {  	v42 =	vor.u32 $0xA1, v21;
	[tilespmem:$0x1FE90] =	vst v39  }
0x2e: {  	v43 =	vor.u32 $0x40, v21;
	[tilespmem:$0x1FEA0] =	vst v42  }
0x2f: {  	v44 =	vor.u32 $0x41, v21;
	[tilespmem:$0x1FEB0] =	vst v43  }
0x30: {  	v45 =	vor.u32 $0xC0, v21;
	[tilespmem:$0x1FEC0] =	vst v44  }
0x31: {  	v46 =	vor.u32 $0xC1, v21;
	[tilespmem:$0x1FED0] =	vst v45  }
0x32: {  	v47 =	vor.u32 $0x60, v21;
	[tilespmem:$0x1FEE0] =	vst v46  }
0x33: {  	v48 =	vor.u32 $0x61, v21;
	[tilespmem:$0x1FEF0] =	vst v47  }
0x34: {  	v16 =	vor.u32 $0xE0, v21;
	[tilespmem:$0x1FF00] =	vst v48  }
0x35: {  	v17 =	vor.u32 $0xE1, v21;
	[tilespmem:$0x1FF10] =	vst v16  }
0x36: {  	v10 =	vor.u32 $0x400, v21;
	[tilespmem:$0x1FF20] =	vst v17  }
0x37: {  	v13 =	vor.u32 $0x401, v21;
	[tilespmem:$0x1FF30] =	vst v10  }
0x38: {  	v9 =	vor.u32 $0x480, v21;
	[tilespmem:$0x1FF40] =	vst v13  }
0x39: {  	s0 =	srdreg.scid;
	v7 =	vor.u32 $0x481, v21;
	[tilespmem:$0x1FF50] =	vst v9  }
0x3a: {  	s0 =	sand.u32 $0x1, s0;
	v49 =	vor.u32 $0x140, v21;
	[tilespmem:$0x1FF60] =	vst v7  }
0x3b: {  	s2 =	stileid.u32;
	s4 =	sshll.u32 s0, $0x4;
	s0 =	ssub.s32 $0x2, s0;
	v55 =	vor.u32 $0x141, v21;
	[tilespmem:$0x1FF70] =	vst v49  }
0x3c: {  	v56 =	vor.u32 $0x1C0, v21;
	s4 =	sor.u32 s2, s4;
	s7 =	sshrl.u32 s0, $0x1;
	[tilespmem:$0x1FF80] =	vst v55  }
0x3d: {  	v6 =	vor.u32 $0x1C1, v21;
	s5 =	smul.u32 $0x12000, s4;
	s0 =	ssub.s32 s0, s7;
	[tilespmem:$0x1FF90] =	vst v56  }
0x3e: {  	v5 =	vor.u32 $0x160, v21;
	s0 =	smax.u32 s0, $0x1;
	[tilespmem:$0x1FFA0] =	vst v6  }
0x3f: {  	v52 =	vor.u32 $0x1, v21;
	[tilespmem:$0x1FFB0] =	vst v5;
	s1 =	sadd.s32 s1, s5;
	[dreg:$0xa] =	wrdreg s0  }
0x40: {  	s3 =	smov.u32 s9;
	v51 =	vor.u32 $0x80, v21;
	[tilespmem:$0x1FFC0] =	vst v52;
	s29 =	sadd.s32 s9, s5;
	[dreg:$0x6] =	wrdreg s1  }
0x41: {  	s6 =	smov.u32 s10;
	v53 =	vor.u32 $0x81, v21;
	[tilespmem:$0x1FFD0] =	vst v51;
	s30 =	sadd.s32 s10, s5;
	[dreg:$0x7] =	wrdreg s29  }
0x42: {  	v57 =	vor.u32 $0x20, v21;
	s2 =	smov.u32 s11;
	[tilespmem:$0x1FFE0] =	vst v53;
	s31 =	sadd.s32 s11, s5;
	[dreg:$0x8] =	wrdreg s30  }
0x43: {  	s8 =	smul.u32 $0x30, s4;
	[tilespmem:$0x1FFF0] =	vst v57;
	[dreg:$0x9] =	wrdreg s31;
	s1 =	simm.s32 $0x0  }
.LBB2_1:
0x44: {  	[dreg:$0xb] =	wrdreg s1;
	s0 =	simm.s32 $0x0;
	s4 =	simm.s32 $0x3000  }
0x45: {  	s26 =	simm.s32 $0x6000;
	s31 =	simm.s32 $0x9000;
	s30 =	simm.s32 $0x0  }
0x46: {  	s20 =	simm.s32 $0x0;
	s19 =	simm.s32 $0x0;
	_ =	strace $0x80000048  }
0x47: {  	s21 =	simm.s32 $0x0;
	s22 =	simm.s32 $0x0;
	s23 =	rddreg [dreg:$0x6]  }
0x48: {  	[tilespmem:s0], [sflag:$0x1] =	stream.linear.gather [hbm4b:s23+s0], $0x1800, $0x200038;
	[tilespmem:$0x18000] =	vst v63  }
0x49: {  	s12 =	simm.s32 $0x1;
	s13 =	simm.s32 $0x1;
	s24 =	rddreg [dreg:$0x7]  }
0x4a: {  	[tilespmem:s4], [sflag:$0x3] =	stream.linear.gather [hbm4b:s24+s0], $0x1800, $0x200038;
	[tilespmem:$0x18000] =	vst v63  }
0x4b: {  	s11 =	simm.s32 $0x1;
	s28 =	simm.s32 $0x0;
	s25 =	rddreg [dreg:$0x8]  }
0x4c: {  	[tilespmem:s26], [sflag:$0x5] =	stream.linear.gather [hbm4b:s25+s0], $0x1800, $0x200038;
	[tilespmem:$0x18000] =	vst v63  }
0x4d: {  	s29 =	rddreg [dreg:$0x9];
	s23 =	simm.s32 $0x1;
	s24 =	simm.s32 $0x0  }
0x4e: {  	[tilespmem:s31], [sflag:$0x7] =	stream.linear.gather [hbm4b:s29+s0], $0x1800, $0x200038;
	[tilespmem:$0x18000] =	vst v63  }
0x4f: {  	s25 =	simm.s32 $0x0;
	s26 =	simm.s32 $0x0;
	_ =	strace $0x90000048  }
.LBB2_2:
0x50: {  	s29 =	sadd.s32 $0x1, s30  }
0x51: {  	s0 =	simm.s32 $0x1;
	p0 =	seq.s32 s29, $0x2  }
0x52: {  	s0 =	simm.s32 @!p0 $0x0  }
0x53: {  	s9 =	smov.u32 s20;
	s20 =	sadd.s32 s0, s20  }
0x54: {  	p1 =	seq.s32 s20, $0x30  }
0x55: {  	s29 =	simm.s32 @p0 $0x0;
	s20 =	simm.s32 @p1 $0x0  }
0x56: {  	p6 =	sne.s32 s30, s29;
	p5 =	sne.s32 s9, s20  }
0x57: {  	p1 =	seq.s32 s28, $0x5F;
	p0 =	por p6, p5  }
0x58: {  	p2 =	por !p0, p1  }
0x59: {  	s0 =	sadd.s32 @!p2 s8, s20;
	s4 =	smul.u32 @!p2 $0x1800, s29  }
0x5a: {  	s0 =	smul.u32 @!p2 $0x3000, s0  }
0x5b: {  	s17 =	smov.u32 s11;
	s5 =	sand.u32 @!p2 $0x1, s11  }
0x5c: {  	_ =	strace @!p2 $0x80000049;
	s7 =	smul.u32 @!p2 $0x6000, s5;
	s0 =	sadd.s32 @!p2 s4, s0  }
0x5d: {  	s11 =	simm.s32 @!p2 $0x0;
	s1 =	rddreg [dreg:$0x0];
	s0 =	sshrl.u32 @!p2 s0, $0x3  }
0x5e: {  	s5 =	sadd.s32 @!p2 $0x1, s5;
	s4 =	sshrl.u32 @!p2 s7, $0x2;
	s7 =	sadd.s32 @!p2 s1, s0  }
0x5f: {  	[tilespmem:s4], [sflag:s5] =	stream.linear.gather @!p2 [hbm4b:s7+s11], $0x1800, $0x200038;
	[tilespmem:$0x18000] =	vst v63  }
0x60: {  	s4 =	sand.u32 @!p2 $0x1, s13  }
0x61: {  	s5 =	smul.u32 @!p2 $0x6000, s4;
	_ =	sdelay $0x1  }
0x62: {  	s7 =	sadd.s32 @!p2 s3, s0;
	_ =	strace @!p2 $0x90000049;
	s5 =	sshrl.u32 @!p2 s5, $0x2  }
0x63: {  	s4 =	sadd.s32 @!p2 $0x3, s4;
	_ =	strace @!p2 $0x8000004A;
	s5 =	sadd.s32 @!p2 $0x3000, s5  }
0x64: {  	[tilespmem:s5], [sflag:s4] =	stream.linear.gather @!p2 [hbm4b:s7+s11], $0x1800, $0x200038;
	[tilespmem:$0x18000] =	vst v63  }
0x65: {  	s4 =	sand.u32 @!p2 $0x1, s12  }
0x66: {  	s5 =	smul.u32 @!p2 $0x6000, s4;
	_ =	sdelay $0x1  }
0x67: {  	s7 =	sadd.s32 @!p2 s6, s0;
	_ =	strace @!p2 $0x9000004A;
	s5 =	sshrl.u32 @!p2 s5, $0x2  }
0x68: {  	s4 =	sadd.s32 @!p2 $0x5, s4;
	_ =	strace @!p2 $0x8000004B;
	s5 =	sor.u32 @!p2 $0x6000, s5  }
0x69: {  	[tilespmem:s5], [sflag:s4] =	stream.linear.gather @!p2 [hbm4b:s7+s11], $0x1800, $0x200038;
	[tilespmem:$0x18000] =	vst v63  }
0x6a: {  	s4 =	sand.u32 @!p2 $0x1, s23  }
0x6b: {  	s5 =	smul.u32 @!p2 $0x6000, s4;
	_ =	sdelay $0x1  }
0x6c: {  	s0 =	sadd.s32 @!p2 s2, s0;
	_ =	strace @!p2 $0x9000004B;
	s5 =	sshrl.u32 @!p2 s5, $0x2  }
0x6d: {  	s4 =	sadd.s32 @!p2 $0x7, s4;
	_ =	strace @!p2 $0x8000004C;
	s5 =	sadd.s32 @!p2 $0x9000, s5  }
0x6e: {  	[tilespmem:s5], [sflag:s4] =	stream.linear.gather @!p2 [hbm4b:s0+s11], $0x1800, $0x200038;
	[tilespmem:$0x18000] =	vst v63  }
0x6f: {  	s18 =	sand.u32 $0x1, s26;
	_ =	strace @!p2 $0x9000004C  }
0x70: {  	s7 =	sadd.s32 $0x1, s18;
	_ =	strace $0x8000004D  }
0x71: {  	_ =	swait.ge [sflag:s7], $0x1800  }
0x72: {  	[sflag:s7] =	ssyncset.done $0x0  }
0x73: {  	[sflag:s7] =	ssyncadd.s32 $0xFFFFE800  }
0x74: {  	s10 =	smov.u32 s13;
	s11 =	sand.u32 $0x1, s25;
	_ =	strace $0x9000004D  }
0x75: {  	s13 =	smov.u32 s12;
	s12 =	sadd.s32 $0x3, s11;
	_ =	strace $0x8000004E  }
0x76: {  	_ =	swait.ge [sflag:s12], $0x1800  }
0x77: {  	[sflag:s12] =	ssyncset.done $0x0  }
0x78: {  	[sflag:s12] =	ssyncadd.s32 $0xFFFFE800  }
0x79: {  	s14 =	sand.u32 $0x1, s24;
	_ =	strace $0x9000004E  }
0x7a: {  	s15 =	sadd.s32 $0x5, s14;
	_ =	strace $0x8000004F  }
0x7b: {  	_ =	swait.ge [sflag:s15], $0x1800  }
0x7c: {  	[sflag:s15] =	ssyncset.done $0x0  }
0x7d: {  	[sflag:s15] =	ssyncadd.s32 $0xFFFFE800  }
0x7e: {  	s16 =	sand.u32 $0x1, s22;
	_ =	strace $0x9000004F  }
0x7f: {  	s1 =	sadd.s32 $0x7, s16;
	_ =	strace $0x80000050  }
0x80: {  	_ =	swait.ge [sflag:s1], $0x1800  }
0x81: {  	[sflag:s1] =	ssyncset.done $0x0  }
0x82: {  	p3 =	seq.s32 s18, $0x1;
	s18 =	simm.s32 $0x1900;
	[sflag:s1] =	ssyncadd.s32 $0xFFFFE800  }
0x83: {  	s18 =	simm.s32 @!p3 $0x100;
	_ =	strace $0x90000050  }
0x84: {  	p3 =	seq.s32 s11, $0x1;
	s11 =	simm.s32 $0x4900;
	_ =	strace $0x80000051  }
0x85: {  	s11 =	simm.s32 @!p3 $0x3100;
	p3 =	seq.s32 s14, $0x1;
	s7 =	simm.s32 $0x7900;
	v0 =	vld [tilespmem:s18+$0x80]  }
0x86: {  	s7 =	simm.s32 @!p3 $0x6100;
	p3 =	seq.s32 s16, $0x1;
	s12 =	simm.s32 $0xA900;
	v1 =	vld [tilespmem:s11+$0x80]  }
0x87: {  	s12 =	simm.s32 @!p3 $0x9100;
	v2 =	vld [tilespmem:s7+$0x80]  }
0x88: {  	s4 =	simm.s32 $0x6;
	v3 =	vld [tilespmem:s12+$0x80]  }
0x89: {  	v4 =	vmov s4  }
0x8a: {  	v4 =	vshll.u32 v4, $0x8  }
0x8b: {  	v63 =	vor.u32 $0x300, v21;
	v58 =	vbroadcast v4, $0x0;
	v5 =	vld [tilespmem:s18+$0xFFFFFF00]  }
0x8c: {  	v62 =	vor.u32 $0x301, v21;
	v61 =	vor.u32 $0x380, v21;
	v60 =	vor.u32 $0x381, v21;
	v6 =	vld [tilespmem:s11+$0xFFFFFF00]  }
0x8d: {  	v17 =	vand.u32 $0x7800, v58;
	v7 =	vld [tilespmem:s7+$0xFFFFFF00];
	v8 =	vsub.f32 v0, v2;
	v9 =	vsub.f32 v1, v3  }
0x8e: {  	s31 =	sand.u32 $0x1, s21;
	v10 =	vld [tilespmem:s12+$0xFFFFFF00];
	v0 =	vadd.f32 v2, v0;
	v1 =	vadd.f32 v3, v1;
	v2 =	vor.u32 v63, v17  }
0x8f: {  	s5 =	smul.u32 $0x18000, s31;
	v11 =	vor.u32 v62, v17;
	v12 =	vld [tilespmem:s11+$0xFFFFFF80];
	v8 =	vmul.f32 $5.000000000e-01, v8;
	v9 =	vmul.f32 $5.000000000e-01, v9  }
0x90: {  	v13 =	vor.u32 v61, v17;
	v14 =	vld [tilespmem:s7+$0xFFFFFF80];
	v0 =	vmul.f32 $5.000000000e-01, v0;
	v1 =	vmul.f32 $5.000000000e-01, v1  }
0x91: {  	s0 =	sshrl.u32 s5, $0x2;
	v16 =	vor.u32 v60, v17;
	v18 =	vld [tilespmem:s12+$0xFFFFFF80];
	v15 =	vsub.f32 v8, v9  }
0x92: {  	s5 =	sadd.s32 $0xC000, s0;
	v20 =	vld [tilespmem:s18+$0x0];
	v19 =	vsub.f32 v0, v1  }
0x93: {  	v3 =	vld [tilespmem:s18+$0xFFFFFF80];
	[tilespmem:v2+s5+$0x0] =	vst.idx.msk $0xffff, v15;
	v2 =	vadd.f32 v9, v8  }
0x94: {  	v0 =	vadd.f32 v1, v0;
	v9 =	vld [tilespmem:s11+$0x0];
	[tilespmem:v11+s5+$0x0] =	vst.idx.msk $0xffff, v19  }
0x95: {  	v15 =	vld [tilespmem:s7+$0x0];
	[tilespmem:v13+s5+$0x0] =	vst.idx.msk $0xffff, v2  }
0x96: {  	[tilespmem:v16+s5+$0x0] =	vst.idx.msk $0xffff, v0  }
0x97: {  	v4 =	vld [tilespmem:$0x1FDD0];
	_ =	sdelay $0x2  }
0x98: {  	s14 =	simm.s32 $0x0;
	s16 =	simm.s32 $0x4;
	v54 =	vsub.f32 v12, v18  }
0x99: {  	v59 =	vadd.f32 v18, v12;
	v8 =	vmov s14;
	v11 =	vmov s16  }
0x9a: {  	s15 =	simm.s32 $0x2;
	v12 =	vshll.u32 v8, $0x8;
	v2 =	vshll.u32 v11, $0x8;
	v8 =	vor.u32 $0x320, v4;
	v4 =	vld [tilespmem:$0x1FDD0]  }
0x9b: {  	v1 =	vmov s15;
	v50 =	vbroadcast v2, $0x0  }
0x9c: {  	v1 =	vshll.u32 v1, $0x8;
	v11 =	vsub.f32 v5, v7;
	v13 =	vld [tilespmem:s12+$0x0]  }
0x9d: {  	v5 =	vadd.f32 v7, v5;
	v0 =	vand.u32 $0x7800, v1;
	v1 =	vsub.f32 v6, v10;
	v16 =	vld [tilespmem:s18+$0x90];
	[tilespmem:$0x1FA20] =	vst v50  }
0x9e: {  	v6 =	vadd.f32 v10, v6;
	v10 =	vld [tilespmem:s11+$0x90];
	v23 =	vsub.f32 v20, v15  }
0x9f: {  	v15 =	vadd.f32 v15, v20;
	v20 =	vmul.f32 $5.000000000e-01, v59;
	v59 =	vor.u32 $0x321, v4;
	v4 =	vld [tilespmem:$0x1FDD0]  }
0xa0: {  	v2 =	vmul.f32 $5.000000000e-01, v11;
	v19 =	vld [tilespmem:s7+$0x90]  }
0xa1: {  	v11 =	vmul.f32 $5.000000000e-01, v5;
	v5 =	vsub.f32 v3, v14;
	v3 =	vadd.f32 v14, v3;
	v14 =	vld [tilespmem:s12+$0x90];
	_ =	sdelay $0x2  }
0xa2: {  	v18 =	vmul.f32 $5.000000000e-01, v5;
	v5 =	vor.u32 $0x3A0, v4;
	v4 =	vld [tilespmem:$0x1FDD0]  }
0xa3: {  	v24 =	vsub.f32 v9, v13;
	v25 =	vsub.f32 v16, v19  }
0xa4: {  	v26 =	vsub.f32 v10, v14;
	v16 =	vadd.f32 v19, v16  }
0xa5: {  	v10 =	vadd.f32 v14, v10;
	v14 =	vor.u32 v8, v17;
	v7 =	vmul.f32 $5.000000000e-01, v25  }
0xa6: {  	v25 =	vmul.f32 $5.000000000e-01, v26;
	v16 =	vmul.f32 $5.000000000e-01, v16;
	v26 =	vor.u32 v59, v17  }
0xa7: {  	v10 =	vmul.f32 $5.000000000e-01, v10;
	v27 =	vor.u32 v5, v17;
	v4 =	vor.u32 $0x3A1, v4  }
0xa8: {  	v9 =	vadd.f32 v13, v9;
	v13 =	vsub.f32 v7, v25;
	[tilespmem:$0x1FA50] =	vst v5;
	v28 =	vor.u32 v4, v17  }
0xa9: {  	v30 =	vsub.f32 v16, v10;
	[tilespmem:$0x1FA60] =	vst v4  }
0xaa: {  	[tilespmem:v14+s5+$0x0] =	vst.idx.msk $0xffff, v13;
	v13 =	vadd.f32 v25, v7  }
0xab: {  	v10 =	vadd.f32 v10, v16;
	[tilespmem:v26+s5+$0x0] =	vst.idx.msk $0xffff, v30  }
0xac: {  	[tilespmem:v27+s5+$0x0] =	vst.idx.msk $0xffff, v13  }
0xad: {  	[tilespmem:v28+s5+$0x0] =	vst.idx.msk $0xffff, v10  }
0xae: {  	v4 =	vld [tilespmem:$0x1FCD0];
	_ =	sdelay $0x3  }
0xaf: {  	v22 =	vmul.f32 $5.000000000e-01, v54;
	v54 =	vbroadcast v0, $0x0;
	v0 =	vand.u32 $0x7800, v50  }
0xb0: {  	v25 =	vor.u32 v4, v0;
	v4 =	vld [tilespmem:$0x1FCE0];
	_ =	sdelay $0x4  }
0xb1: {  	v27 =	vor.u32 v4, v0;
	v4 =	vld [tilespmem:$0x1FCF0];
	_ =	sdelay $0x4  }
0xb2: {  	v1 =	vmul.f32 $5.000000000e-01, v1;
	v21 =	vmul.f32 $5.000000000e-01, v6;
	v28 =	vor.u32 v4, v0;
	v4 =	vld [tilespmem:$0x1FD00]  }
0xb3: {  	v6 =	vbroadcast v12, $0x0;
	v12 =	vor.u32 v32, v54  }
0xb4: {  	v3 =	vmul.f32 $5.000000000e-01, v3;
	v29 =	vsub.f32 v2, v1;
	v31 =	vsub.f32 v11, v21  }
0xb5: {  	v1 =	vadd.f32 v1, v2;
	v2 =	vadd.f32 v21, v11;
	v19 =	vor.u32 v33, v54  }
0xb6: {  	v11 =	vsub.f32 v18, v22;
	v13 =	vadd.f32 v22, v18;
	v22 =	vor.u32 v34, v54  }
0xb7: {  	v30 =	vor.u32 v4, v0;
	v4 =	vld [tilespmem:$0x1FDD0]  }
0xb8: {  	v10 =	vsub.f32 v3, v20;
	[tilespmem:v12+s5+$0x0] =	vst.idx.msk $0xffff, v11  }
0xb9: {  	v12 =	vld [tilespmem:$0x1FDF0]  }
0xba: {  	v11 =	vld [tilespmem:$0x1FDE0];
	[tilespmem:v19+s5+$0x0] =	vst.idx.msk $0xffff, v10  }
0xbb: {  	[tilespmem:v22+s5+$0x0] =	vst.idx.msk $0xffff, v13  }
0xbc: {  	v50 =	vor.u32 v4, v6;
	v4 =	vld [tilespmem:$0x1FDD0];
	_ =	sdelay $0x1  }
0xbd: {  	v15 =	vmul.f32 $5.000000000e-01, v15;
	v9 =	vmul.f32 $5.000000000e-01, v9;
	_ =	sdelay $0x1  }
0xbe: {  	v21 =	vsub.f32 v15, v9  }
0xbf: {  	v14 =	vmul.f32 $5.000000000e-01, v24;
	v24 =	vadd.f32 v9, v15;
	v9 =	vor.u32 $0x340, v4;
	v4 =	vld [tilespmem:$0x1FDD0];
	_ =	sdelay $0x4  }
0xc0: {  	v34 =	vor.u32 v51, v6;
	v51 =	vor.u32 $0x341, v4;
	v4 =	vld [tilespmem:$0x1FDD0]  }
0xc1: {  	v23 =	vmul.f32 $5.000000000e-01, v23;
	v16 =	vld [tilespmem:s18+$0xA0]  }
0xc2: {  	v15 =	vor.u32 v35, v54;
	v3 =	vadd.f32 v20, v3;
	v20 =	vld [tilespmem:s11+$0xA0]  }
0xc3: {  	v18 =	vsub.f32 v23, v14;
	v14 =	vadd.f32 v14, v23;
	v23 =	vld [tilespmem:s7+$0xA0]  }
0xc4: {  	v26 =	vld [tilespmem:s12+$0xA0];
	[tilespmem:$0x1FA70] =	vst v9  }
0xc5: {  	[tilespmem:$0x1FA80] =	vst v51;
	v5 =	vor.u32 $0x3C0, v4  }
0xc6: {  	[tilespmem:$0x1FA90] =	vst v5  }
0xc7: {  	[tilespmem:v15+s5+$0x0] =	vst.idx.msk $0xffff, v3  }
0xc8: {  	v4 =	vld [tilespmem:$0x1FDD0];
	_ =	sdelay $0x2  }
0xc9: {  	v33 =	vor.u32 v52, v6  }
0xca: {  	v35 =	vor.u32 v53, v6  }
0xcb: {  	v13 =	vsub.f32 v20, v26;
	v3 =	vsub.f32 v16, v23;
	v4 =	vor.u32 $0x3C1, v4  }
0xcc: {  	v52 =	vadd.f32 v26, v20;
	v53 =	vor.u32 v9, v17;
	v15 =	vadd.f32 v23, v16;
	[tilespmem:$0x1FAA0] =	vst v4  }
0xcd: {  	v13 =	vmul.f32 $5.000000000e-01, v13;
	v3 =	vmul.f32 $5.000000000e-01, v3;
	[tilespmem:v50+s5+$0x0] =	vst.idx.msk $0xffff, v29;
	v50 =	vor.u32 v51, v17  }
0xce: {  	v16 =	vmul.f32 $5.000000000e-01, v52;
	v15 =	vmul.f32 $5.000000000e-01, v15;
	[tilespmem:v33+s5+$0x0] =	vst.idx.msk $0xffff, v31  }
0xcf: {  	[tilespmem:v34+s5+$0x0] =	vst.idx.msk $0xffff, v1;
	v1 =	vsub.f32 v3, v13  }
0xd0: {  	[tilespmem:v35+s5+$0x0] =	vst.idx.msk $0xffff, v2;
	v2 =	vsub.f32 v15, v16  }
0xd1: {  	v26 =	vor.u32 v5, v17;
	[tilespmem:v53+s5+$0x0] =	vst.idx.msk $0xffff, v1  }
0xd2: {  	v31 =	vor.u32 v4, v17;
	[tilespmem:v50+s5+$0x0] =	vst.idx.msk $0xffff, v2  }
0xd3: {  	v4 =	vld [tilespmem:$0x1FD10]  }
0xd4: {  	v1 =	vadd.f32 v13, v3  }
0xd5: {  	v2 =	vadd.f32 v16, v15  }
0xd6: {  	[tilespmem:v26+s5+$0x0] =	vst.idx.msk $0xffff, v1  }
0xd7: {  	v1 =	vld [tilespmem:$0x1FD20];
	[tilespmem:v31+s5+$0x0] =	vst.idx.msk $0xffff, v2  }
0xd8: {  	v22 =	vor.u32 v4, v0;
	v4 =	vld [tilespmem:$0x1FD40];
	_ =	sdelay $0x1  }
0xd9: {  	v2 =	vld [tilespmem:$0x1FD30];
	[tilespmem:v25+s5+$0x0] =	vst.idx.msk $0xffff, v18  }
0xda: {  	[tilespmem:v27+s5+$0x0] =	vst.idx.msk $0xffff, v21  }
0xdb: {  	[tilespmem:v28+s5+$0x0] =	vst.idx.msk $0xffff, v14  }
0xdc: {  	v32 =	vor.u32 v36, v54;
	v36 =	vor.u32 v4, v0;
	v4 =	vld [tilespmem:$0x1FDD0]  }
0xdd: {  	v20 =	vld [tilespmem:s18+$0xFFFFFF90]  }
0xde: {  	v51 =	vld [tilespmem:s11+$0xFFFFFF90]  }
0xdf: {  	v29 =	vld [tilespmem:s7+$0xFFFFFF90]  }
0xe0: {  	v52 =	vld [tilespmem:s12+$0xFFFFFF90]  }
0xe1: {  	v9 =	vor.u32 $0x360, v4;
	v4 =	vld [tilespmem:$0x1FDD0]  }
0xe2: {  	v35 =	vld [tilespmem:s18+$0xFFFFFF10]  }
0xe3: {  	v13 =	vld [tilespmem:s11+$0xFFFFFF10]  }
0xe4: {  	v15 =	vld [tilespmem:s7+$0xFFFFFF10]  }
0xe5: {  	v26 =	vld [tilespmem:s12+$0xFFFFFF10]  }
0xe6: {  	v18 =	vor.u32 v57, v6;
	v57 =	vor.u32 $0x361, v4;
	v4 =	vld [tilespmem:$0x1FDD0]  }
0xe7: {  	v53 =	vsub.f32 v20, v29;
	v20 =	vadd.f32 v29, v20;
	v29 =	vld [tilespmem:s18+$0xB0]  }
0xe8: {  	v31 =	vsub.f32 v51, v52;
	v33 =	vld [tilespmem:s11+$0xB0]  }
0xe9: {  	v50 =	vld [tilespmem:s12+$0xB0]  }
0xea: {  	v25 =	vmul.f32 $5.000000000e-01, v31;
	v31 =	vld [tilespmem:s7+$0xB0];
	[tilespmem:$0x1FAB0] =	vst v9  }
0xeb: {  	v23 =	vadd.f32 v52, v51;
	[tilespmem:$0x1FAC0] =	vst v57;
	v5 =	vor.u32 $0x3E0, v4  }
0xec: {  	[tilespmem:$0x1FAD0] =	vst v5  }
0xed: {  	v20 =	vmul.f32 $5.000000000e-01, v20;
	v7 =	vmul.f32 $5.000000000e-01, v23;
	[tilespmem:v30+s5+$0x0] =	vst.idx.msk $0xffff, v24  }
0xee: {  	v37 =	vor.u32 v37, v6;
	v39 =	vor.u32 v39, v6;
	v19 =	vor.u32 v41, v54;
	v4 =	vld [tilespmem:$0x1FDD0]  }
0xef: {  	v16 =	vmul.f32 $5.000000000e-01, v53;
	v53 =	vsub.f32 v20, v7;
	v20 =	vadd.f32 v7, v20  }
0xf0: {  	v34 =	vor.u32 v38, v54;
	v23 =	vsub.f32 v35, v15;
	v51 =	vsub.f32 v13, v26  }
0xf1: {  	v3 =	vor.u32 v40, v54;
	v26 =	vadd.f32 v26, v13;
	v27 =	vadd.f32 v15, v35  }
0xf2: {  	v23 =	vmul.f32 $5.000000000e-01, v23;
	v52 =	vsub.f32 v16, v25;
	v25 =	vadd.f32 v25, v16  }
0xf3: {  	v16 =	vsub.f32 v29, v31;
	v24 =	vsub.f32 v33, v50;
	v4 =	vor.u32 $0x3E1, v4  }
0xf4: {  	v38 =	vmul.f32 $5.000000000e-01, v51;
	v29 =	vadd.f32 v31, v29;
	v31 =	vor.u32 v9, v17;
	[tilespmem:$0x1FAE0] =	vst v4  }
0xf5: {  	v21 =	vmul.f32 $5.000000000e-01, v16;
	v30 =	vadd.f32 v50, v33;
	v24 =	vmul.f32 $5.000000000e-01, v24;
	[tilespmem:v32+s5+$0x0] =	vst.idx.msk $0xffff, v52  }
0xf6: {  	v26 =	vmul.f32 $5.000000000e-01, v26;
	v29 =	vmul.f32 $5.000000000e-01, v29;
	v40 =	vor.u32 v57, v17;
	[tilespmem:v34+s5+$0x0] =	vst.idx.msk $0xffff, v53  }
0xf7: {  	v50 =	vor.u32 v5, v17;
	v30 =	vmul.f32 $5.000000000e-01, v30;
	[tilespmem:v3+s5+$0x0] =	vst.idx.msk $0xffff, v25;
	v25 =	vsub.f32 v21, v24  }
0xf8: {  	v52 =	vmul.f32 $5.000000000e-01, v27;
	v21 =	vadd.f32 v24, v21;
	v24 =	vsub.f32 v23, v38;
	[tilespmem:v19+s5+$0x0] =	vst.idx.msk $0xffff, v20  }
0xf9: {  	v51 =	vsub.f32 v29, v30;
	v17 =	vor.u32 v4, v17;
	[tilespmem:v31+s5+$0x0] =	vst.idx.msk $0xffff, v25  }
0xfa: {  	v53 =	vadd.f32 v30, v29;
	v29 =	vsub.f32 v52, v26;
	[tilespmem:v18+s5+$0x0] =	vst.idx.msk $0xffff, v24  }
0xfb: {  	v42 =	vor.u32 v42, v6;
	[tilespmem:v40+s5+$0x0] =	vst.idx.msk $0xffff, v51  }
0xfc: {  	v38 =	vadd.f32 v38, v23;
	[tilespmem:v37+s5+$0x0] =	vst.idx.msk $0xffff, v29  }
0xfd: {  	[tilespmem:v50+s5+$0x0] =	vst.idx.msk $0xffff, v21  }
0xfe: {  	v20 =	vadd.f32 v26, v52;
	[tilespmem:v39+s5+$0x0] =	vst.idx.msk $0xffff, v38  }
0xff: {  	[tilespmem:v17+s5+$0x0] =	vst.idx.msk $0xffff, v53  }
0x100: {  	[tilespmem:v42+s5+$0x0] =	vst.idx.msk $0xffff, v20  }
0x101: {  	v4 =	vld [tilespmem:$0x1FDD0]  }
0x102: {  	v28 =	vld [tilespmem:s18+$0x10]  }
0x103: {  	v32 =	vld [tilespmem:s11+$0x10]  }
0x104: {  	v41 =	vld [tilespmem:s7+$0x10]  }
0x105: {  	v3 =	vld [tilespmem:s12+$0x10]  }
0x106: {  	v19 =	vor.u32 $0x700, v4;
	v4 =	vld [tilespmem:$0x1FDD0]  }
0x107: {  	v27 =	vld [tilespmem:s18+$0xFFFFFFA0]  }
0x108: {  	v25 =	vld [tilespmem:s11+$0xFFFFFFA0]  }
0x109: {  	v31 =	vld [tilespmem:s7+$0xFFFFFFA0]  }
0x10a: {  	v7 =	vld [tilespmem:s12+$0xFFFFFFA0]  }
0x10b: {  	v51 =	vor.u32 $0x701, v4;
	v4 =	vld [tilespmem:$0x1FDD0]  }
0x10c: {  	v30 =	vsub.f32 v28, v41;
	v28 =	vadd.f32 v41, v28;
	v23 =	vld [tilespmem:s18+$0xC0]  }
0x10d: {  	v21 =	vld [tilespmem:s11+$0xC0]  }
0x10e: {  	v26 =	vmul.f32 $5.000000000e-01, v28;
	v28 =	vld [tilespmem:s7+$0xC0]  }
0x10f: {  	v57 =	vsub.f32 v32, v3;
	v3 =	vadd.f32 v3, v32;
	v32 =	vld [tilespmem:s12+$0xC0]  }
0x110: {  	v5 =	vor.u32 $0x780, v4;
	v4 =	vld [tilespmem:$0x1FDD0]  }
0x111: {  	v16 =	vmov v49;
	v24 =	vor.u32 v49, v54;
	v49 =	vld [tilespmem:s11+$0xFFFFFF20]  }
0x112: {  	v1 =	vor.u32 v1, v0;
	v40 =	vmul.f32 $5.000000000e-01, v30;
	v50 =	vld [tilespmem:s12+$0xFFFFFF20];
	v3 =	vmul.f32 $5.000000000e-01, v3  }
0x113: {  	v41 =	vmul.f32 $5.000000000e-01, v57;
	v38 =	vsub.f32 v27, v31;
	v27 =	vadd.f32 v31, v27;
	v31 =	vld [tilespmem:s7+$0xFFFFFF20]  }
0x114: {  	v2 =	vor.u32 v2, v0;
	v35 =	vsub.f32 v26, v3;
	v3 =	vadd.f32 v3, v26;
	v26 =	vld [tilespmem:s18+$0xFFFFFF20];
	[tilespmem:$0x1FB00] =	vst v51  }
0x115: {  	v34 =	vor.u32 v55, v54;
	v29 =	vsub.f32 v40, v41;
	[tilespmem:$0x1FB10] =	vst v5;
	v4 =	vor.u32 $0x781, v4  }
0x116: {  	v37 =	vor.u32 v56, v54;
	v39 =	vsub.f32 v25, v7;
	v30 =	vadd.f32 v41, v40;
	[tilespmem:$0x1FB20] =	vst v4  }
0x117: {  	v20 =	vmov v55;
	v52 =	vsub.f32 v23, v28;
	v53 =	vsub.f32 v21, v32;
	[tilespmem:v22+s5+$0x0] =	vst.idx.msk $0xffff, v29  }
0x118: {  	v23 =	vadd.f32 v28, v23;
	v21 =	vadd.f32 v32, v21;
	v55 =	vor.u32 v19, v58;
	[tilespmem:$0x1FB30] =	vst v58  }
0x119: {  	v28 =	vmul.f32 $5.000000000e-01, v52;
	v29 =	vor.u32 v51, v58;
	[tilespmem:v1+s5+$0x0] =	vst.idx.msk $0xffff, v35;
	v1 =	vmul.f32 $5.000000000e-01, v53  }
0x11a: {  	v57 =	vmovc v56;
	v23 =	vmul.f32 $5.000000000e-01, v23;
	v56 =	vor.u32 v5, v58;
	[tilespmem:v2+s5+$0x0] =	vst.idx.msk $0xffff, v30;
	v2 =	vmul.f32 $5.000000000e-01, v21  }
0x11b: {  	v25 =	vadd.f32 v7, v25;
	v17 =	vor.u32 v4, v58;
	v7 =	vsub.f32 v28, v1  }
0x11c: {  	v18 =	vsub.f32 v49, v50;
	[tilespmem:v36+s5+$0x0] =	vst.idx.msk $0xffff, v3;
	v3 =	vsub.f32 v23, v2  }
0x11d: {  	v30 =	vsub.f32 v26, v31;
	v1 =	vadd.f32 v1, v28;
	[tilespmem:v55+s5+$0x0] =	vst.idx.msk $0xffff, v7  }
0x11e: {  	v26 =	vadd.f32 v31, v26;
	v2 =	vadd.f32 v2, v23;
	[tilespmem:v29+s5+$0x0] =	vst.idx.msk $0xffff, v3  }
0x11f: {  	v28 =	vadd.f32 v50, v49;
	v49 =	vor.u32 v43, v6;
	[tilespmem:v56+s5+$0x0] =	vst.idx.msk $0xffff, v1  }
0x120: {  	v51 =	vor.u32 v44, v6;
	v50 =	vmul.f32 $5.000000000e-01, v18;
	v30 =	vmul.f32 $5.000000000e-01, v30;
	v58 =	vld [tilespmem:$0x1FFA0];
	[tilespmem:v17+s5+$0x0] =	vst.idx.msk $0xffff, v2  }
0x121: {  	v3 =	vmul.f32 $5.000000000e-01, v26;
	v26 =	vmul.f32 $5.000000000e-01, v28;
	v4 =	vld [tilespmem:$0x1FD50]  }
0x122: {  	v1 =	vsub.f32 v30, v50  }
0x123: {  	v28 =	vor.u32 v45, v6;
	v2 =	vsub.f32 v3, v26  }
0x124: {  	v55 =	vor.u32 v46, v6;
	[tilespmem:v49+s5+$0x0] =	vst.idx.msk $0xffff, v1  }
0x125: {  	v39 =	vmul.f32 $5.000000000e-01, v39;
	v31 =	vld [tilespmem:s18+$0x20];
	[tilespmem:v51+s5+$0x0] =	vst.idx.msk $0xffff, v2  }
0x126: {  	v29 =	vmul.f32 $5.000000000e-01, v38;
	v22 =	vadd.f32 v50, v30;
	v17 =	vor.u32 v4, v0;
	v4 =	vld [tilespmem:$0x1FD60]  }
0x127: {  	v36 =	vld [tilespmem:s11+$0x20];
	v3 =	vadd.f32 v26, v3  }
0x128: {  	v52 =	vld [tilespmem:s7+$0x20];
	v1 =	vsub.f32 v29, v39;
	[tilespmem:v28+s5+$0x0] =	vst.idx.msk $0xffff, v22  }
0x129: {  	v53 =	vld [tilespmem:s12+$0x20];
	v18 =	vadd.f32 v39, v29;
	v39 =	vmul.f32 $5.000000000e-01, v25;
	v2 =	vmul.f32 $5.000000000e-01, v27;
	[tilespmem:v55+s5+$0x0] =	vst.idx.msk $0xffff, v3  }
0x12a: {  	v56 =	vor.u32 v58, v54;
	v3 =	vld [tilespmem:$0x1FD70];
	[tilespmem:v24+s5+$0x0] =	vst.idx.msk $0xffff, v1  }
0x12b: {  	v42 =	vsub.f32 v2, v39;
	v26 =	vor.u32 v4, v0;
	v4 =	vld [tilespmem:$0x1FD80];
	_ =	sdelay $0x1  }
0x12c: {  	v2 =	vadd.f32 v39, v2;
	[tilespmem:v34+s5+$0x0] =	vst.idx.msk $0xffff, v42  }
0x12d: {  	v25 =	vsub.f32 v31, v52;
	v28 =	vsub.f32 v36, v53;
	[tilespmem:v37+s5+$0x0] =	vst.idx.msk $0xffff, v18  }
0x12e: {  	v10 =	vld [tilespmem:$0x1FFB0];
	[tilespmem:v56+s5+$0x0] =	vst.idx.msk $0xffff, v2  }
0x12f: {  	v25 =	vmul.f32 $5.000000000e-01, v25;
	v28 =	vmul.f32 $5.000000000e-01, v28;
	v24 =	vor.u32 v4, v0;
	v4 =	vld [tilespmem:$0x1FC20]  }
0x130: {  	v41 =	vadd.f32 v52, v31;
	v30 =	vadd.f32 v53, v36  }
0x131: {  	v49 =	vsub.f32 v25, v28  }
0x132: {  	v43 =	vmul.f32 $5.000000000e-01, v30;
	v1 =	vmul.f32 $5.000000000e-01, v41;
	v3 =	vor.u32 v3, v0  }
0x133: {  	[tilespmem:v17+s5+$0x0] =	vst.idx.msk $0xffff, v49  }
0x134: {  	v51 =	vsub.f32 v1, v43;
	v23 =	vor.u32 v4, v54;
	v4 =	vld [tilespmem:$0x1FC30]  }
0x135: {  	v25 =	vadd.f32 v28, v25  }
0x136: {  	v1 =	vadd.f32 v43, v1;
	[tilespmem:v26+s5+$0x0] =	vst.idx.msk $0xffff, v51  }
0x137: {  	v31 =	vld [tilespmem:s18+$0xFFFFFF30];
	[tilespmem:v3+s5+$0x0] =	vst.idx.msk $0xffff, v25  }
0x138: {  	v33 =	vld [tilespmem:s11+$0xFFFFFF30];
	[tilespmem:v24+s5+$0x0] =	vst.idx.msk $0xffff, v1  }
0x139: {  	v22 =	vor.u32 v4, v54;
	v4 =	vld [tilespmem:$0x1FF10]  }
0x13a: {  	v30 =	vld [tilespmem:s7+$0xFFFFFF30]  }
0x13b: {  	v50 =	vld [tilespmem:s12+$0xFFFFFF30];
	_ =	sdelay $0x2  }
0x13c: {  	v55 =	vor.u32 v4, v6;
	v4 =	vld [tilespmem:$0x1FF20];
	_ =	sdelay $0x1  }
0x13d: {  	v53 =	vsub.f32 v31, v30;
	v3 =	vsub.f32 v33, v50  }
0x13e: {  	v35 =	vor.u32 v47, v6;
	v25 =	vadd.f32 v30, v31;
	v31 =	vadd.f32 v50, v33  }
0x13f: {  	v1 =	vor.u32 v48, v6;
	v24 =	vmul.f32 $5.000000000e-01, v53;
	v3 =	vmul.f32 $5.000000000e-01, v3  }
0x140: {  	v25 =	vmul.f32 $5.000000000e-01, v25;
	v31 =	vmul.f32 $5.000000000e-01, v31;
	v56 =	vor.u32 v4, v6;
	v4 =	vld [tilespmem:$0x1FC40]  }
0x141: {  	v28 =	vld [tilespmem:s18+$0xFFFFFFB0];
	v49 =	vsub.f32 v24, v3  }
0x142: {  	v52 =	vld [tilespmem:s7+$0xFFFFFFB0];
	v51 =	vsub.f32 v25, v31  }
0x143: {  	v26 =	vld [tilespmem:s11+$0xFFFFFFB0];
	[tilespmem:v35+s5+$0x0] =	vst.idx.msk $0xffff, v49  }
0x144: {  	v30 =	vld [tilespmem:s12+$0xFFFFFFB0];
	[tilespmem:v1+s5+$0x0] =	vst.idx.msk $0xffff, v51  }
0x145: {  	v41 =	vor.u32 v4, v54;
	v4 =	vld [tilespmem:$0x1FD90]  }
0x146: {  	v3 =	vadd.f32 v3, v24  }
0x147: {  	v25 =	vadd.f32 v31, v25  }
0x148: {  	[tilespmem:v55+s5+$0x0] =	vst.idx.msk $0xffff, v3  }
0x149: {  	v17 =	vsub.f32 v28, v52;
	v28 =	vadd.f32 v52, v28;
	[tilespmem:v56+s5+$0x0] =	vst.idx.msk $0xffff, v25  }
0x14a: {  	v52 =	vsub.f32 v26, v30;
	v24 =	vadd.f32 v30, v26;
	v30 =	vor.u32 v4, v0;
	v4 =	vld [tilespmem:$0x1FDA0]  }
0x14b: {  	v32 =	vld [tilespmem:s18+$0x30]  }
0x14c: {  	v34 =	vld [tilespmem:s11+$0x30]  }
0x14d: {  	v21 =	vor.u32 v10, v54;
	v18 =	vld [tilespmem:s7+$0x30]  }
0x14e: {  	v50 =	vld [tilespmem:s12+$0x30];
	v26 =	vmul.f32 $5.000000000e-01, v17;
	v31 =	vmul.f32 $5.000000000e-01, v52  }
0x14f: {  	v28 =	vmul.f32 $5.000000000e-01, v28;
	v24 =	vmul.f32 $5.000000000e-01, v24;
	v25 =	vor.u32 v4, v0;
	v4 =	vld [tilespmem:$0x1FDB0]  }
0x150: {  	v56 =	vsub.f32 v26, v31  }
0x151: {  	v49 =	vsub.f32 v28, v24  }
0x152: {  	[tilespmem:v21+s5+$0x0] =	vst.idx.msk $0xffff, v56  }
0x153: {  	v29 =	vld [tilespmem:s7+$0xD0];
	v53 =	vsub.f32 v32, v18;
	[tilespmem:v23+s5+$0x0] =	vst.idx.msk $0xffff, v49  }
0x154: {  	v32 =	vadd.f32 v18, v32;
	v55 =	vsub.f32 v34, v50;
	v18 =	vor.u32 v4, v0;
	v4 =	vld [tilespmem:$0x1FDC0]  }
0x155: {  	v27 =	vld [tilespmem:s18+$0xD0]  }
0x156: {  	v33 =	vmul.f32 $5.000000000e-01, v53;
	v34 =	vadd.f32 v50, v34;
	v35 =	vmul.f32 $5.000000000e-01, v55  }
0x157: {  	v24 =	vadd.f32 v24, v28;
	v1 =	vld [tilespmem:s11+$0xD0];
	v50 =	vadd.f32 v31, v26  }
0x158: {  	v3 =	vld [tilespmem:s12+$0xD0];
	v31 =	vmul.f32 $5.000000000e-01, v32;
	v51 =	vmul.f32 $5.000000000e-01, v34;
	v28 =	vsub.f32 v33, v35  }
0x159: {  	v17 =	vld [tilespmem:s18+$0xFFFFFF40];
	[tilespmem:v22+s5+$0x0] =	vst.idx.msk $0xffff, v50;
	v0 =	vor.u32 v4, v0  }
0x15a: {  	v2 =	vsub.f32 v27, v29;
	v40 =	vld [tilespmem:s11+$0xFFFFFF40];
	v55 =	vsub.f32 v31, v51;
	[tilespmem:v30+s5+$0x0] =	vst.idx.msk $0xffff, v28  }
0x15b: {  	v26 =	vld [tilespmem:s7+$0xFFFFFF40];
	[tilespmem:v41+s5+$0x0] =	vst.idx.msk $0xffff, v24;
	v24 =	vadd.f32 v29, v27;
	v27 =	vadd.f32 v35, v33  }
0x15c: {  	v28 =	vadd.f32 v51, v31;
	v9 =	vld [tilespmem:$0x1FF30];
	[tilespmem:v25+s5+$0x0] =	vst.idx.msk $0xffff, v55  }
0x15d: {  	s4 =	sadd.s32 $0x200, s11;
	v52 =	vld [tilespmem:s12+$0xFFFFFF40];
	[tilespmem:v18+s5+$0x0] =	vst.idx.msk $0xffff, v27  }
0x15e: {  	v50 =	vld [tilespmem:s4+$0x80];
	[tilespmem:v0+s5+$0x0] =	vst.idx.msk $0xffff, v28  }
0x15f: {  	s14 =	sadd.s32 $0x200, s7;
	v14 =	vld [tilespmem:$0x1FF40]  }
0x160: {  	v51 =	vld [tilespmem:s14+$0x80]  }
0x161: {  	v53 =	vsub.f32 v1, v3;
	v1 =	vadd.f32 v3, v1;
	v34 =	vld [tilespmem:s18+$0xFFFFFFC0]  }
0x162: {  	v2 =	vmul.f32 $5.000000000e-01, v2;
	v7 =	vsub.f32 v17, v26;
	v27 =	vsub.f32 v40, v52;
	v4 =	vld [tilespmem:$0x1FF50]  }
0x163: {  	v26 =	vadd.f32 v26, v17;
	v23 =	vadd.f32 v52, v40;
	v29 =	vor.u32 v9, v6;
	v3 =	vld [tilespmem:$0x1FF60]  }
0x164: {  	v22 =	vmul.f32 $5.000000000e-01, v7;
	v56 =	vld [tilespmem:s11+$0xFFFFFFC0];
	v27 =	vmul.f32 $5.000000000e-01, v27;
	v0 =	vor.u32 v14, v6  }
0x165: {  	v26 =	vmul.f32 $5.000000000e-01, v26;
	v23 =	vmul.f32 $5.000000000e-01, v23;
	v25 =	vld [tilespmem:s7+$0xFFFFFFC0]  }
0x166: {  	s0 =	sadd.s32 $0x200, s18;
	v1 =	vmul.f32 $5.000000000e-01, v1;
	v17 =	vld [tilespmem:s12+$0xFFFFFFC0];
	v24 =	vmul.f32 $5.000000000e-01, v24;
	v31 =	vsub.f32 v22, v27  }
0x167: {  	s15 =	sadd.s32 $0x200, s12;
	v21 =	vmul.f32 $5.000000000e-01, v53;
	v49 =	vsub.f32 v26, v23;
	v18 =	vld [tilespmem:s0+$0x80];
	v30 =	vor.u32 v4, v6  }
0x168: {  	v52 =	vld [tilespmem:s15+$0x80];
	[tilespmem:v29+s5+$0x0] =	vst.idx.msk $0xffff, v31;
	v3 =	vor.u32 v3, v6;
	v4 =	vsub.f32 v24, v1  }
0x169: {  	v33 =	vsub.f32 v2, v21;
	v2 =	vadd.f32 v21, v2;
	v28 =	vld [tilespmem:s18+$0x40];
	[tilespmem:v0+s5+$0x0] =	vst.idx.msk $0xffff, v49  }
0x16a: {  	v22 =	vadd.f32 v27, v22;
	v36 =	vld [tilespmem:s11+$0x40];
	[tilespmem:$0x1FB40] =	vst v4  }
0x16b: {  	s16 =	simm.s32 $0xE;
	v0 =	vadd.f32 v23, v26;
	[tilespmem:$0x1FB50] =	vst v2  }
0x16c: {  	v53 =	vmov s16;
	v1 =	vadd.f32 v1, v24;
	[tilespmem:v30+s5+$0x0] =	vst.idx.msk $0xffff, v22  }
0x16d: {  	v55 =	vsub.f32 v34, v25;
	v25 =	vadd.f32 v25, v34;
	v2 =	vld [tilespmem:s7+$0x40];
	[tilespmem:v3+s5+$0x0] =	vst.idx.msk $0xffff, v0;
	v0 =	vshll.u32 v53, $0x8  }
0x16e: {  	v26 =	vld [tilespmem:s12+$0x40];
	[tilespmem:$0x1FB60] =	vst v1;
	v30 =	vbroadcast v0, $0x0  }
0x16f: {  	v21 =	vadd.f32 v17, v56;
	v7 =	vsub.f32 v50, v52;
	v24 =	vmul.f32 $5.000000000e-01, v25;
	v3 =	vld [tilespmem:s18+$0xFFFFFF50]  }
0x170: {  	v1 =	vsub.f32 v56, v17;
	v56 =	vsub.f32 v18, v51;
	v25 =	vld [tilespmem:s11+$0xFFFFFF50];
	v27 =	vand.u32 $0x7800, v30  }
0x171: {  	v37 =	vadd.f32 v51, v18;
	v23 =	vadd.f32 v52, v50;
	v32 =	vld [tilespmem:s7+$0xFFFFFF50];
	v17 =	vor.u32 v63, v27  }
0x172: {  	v35 =	vmul.f32 $5.000000000e-01, v7;
	v41 =	vld [tilespmem:s12+$0xFFFFFF50];
	[tilespmem:$0x1F9E0] =	vst v63;
	v34 =	vmul.f32 $5.000000000e-01, v56;
	v18 =	vor.u32 v62, v27  }
0x173: {  	v37 =	vmul.f32 $5.000000000e-01, v37;
	v23 =	vmul.f32 $5.000000000e-01, v23;
	v39 =	vld [tilespmem:s0+$0xFFFFFF00];
	[tilespmem:$0x1F9F0] =	vst v62;
	v52 =	vor.u32 v61, v27  }
0x174: {  	v22 =	vmul.f32 $5.000000000e-01, v55;
	v42 =	vld [tilespmem:s4+$0xFFFFFF00];
	[tilespmem:$0x1FA00] =	vst v61;
	v56 =	vor.u32 v60, v27;
	v55 =	vsub.f32 v34, v35  }
0x175: {  	v29 =	vmov v45;
	v53 =	vsub.f32 v28, v2;
	v45 =	vld [tilespmem:s14+$0xFFFFFF00];
	[tilespmem:$0x1FA10] =	vst v60;
	v60 =	vsub.f32 v37, v23  }
0x176: {  	v62 =	vsub.f32 v36, v26;
	v34 =	vadd.f32 v35, v34;
	[tilespmem:v17+s5+$0x0] =	vst.idx.msk $0xffff, v55  }
0x177: {  	v2 =	vadd.f32 v2, v28;
	v23 =	vadd.f32 v23, v37;
	v28 =	vld [tilespmem:s15+$0xFFFFFF00];
	[tilespmem:v18+s5+$0x0] =	vst.idx.msk $0xffff, v60  }
0x178: {  	v50 =	vld [tilespmem:s0+$0xFFFFFF80];
	v17 =	vmul.f32 $5.000000000e-01, v53;
	v18 =	vmul.f32 $5.000000000e-01, v62;
	[tilespmem:v52+s5+$0x0] =	vst.idx.msk $0xffff, v34  }
0x179: {  	v7 =	vmov v44;
	v44 =	vld [tilespmem:s4+$0xFFFFFF80];
	[tilespmem:v56+s5+$0x0] =	vst.idx.msk $0xffff, v23  }
0x17a: {  	v63 =	vmov v47;
	v47 =	vsub.f32 v17, v18;
	v38 =	vadd.f32 v18, v17;
	v17 =	vld [tilespmem:$0x1FC50]  }
0x17b: {  	v1 =	vmul.f32 $5.000000000e-01, v1;
	v40 =	vld [tilespmem:s14+$0xFFFFFF80]  }
0x17c: {  	v61 =	vmov v46;
	v46 =	vld [tilespmem:s15+$0xFFFFFF80]  }
0x17d: {  	v37 =	vsub.f32 v22, v1;
	v1 =	vadd.f32 v1, v22;
	v22 =	vmov v14;
	v14 =	vld [tilespmem:$0x1FC60]  }
0x17e: {  	v26 =	vadd.f32 v26, v36;
	v15 =	vld [tilespmem:$0x1FC70]  }
0x17f: {  	v21 =	vmul.f32 $5.000000000e-01, v21;
	v4 =	vld [tilespmem:$0x1FDD0];
	v52 =	vor.u32 v17, v54  }
0x180: {  	v31 =	vmov v48;
	v2 =	vmul.f32 $5.000000000e-01, v2;
	v26 =	vmul.f32 $5.000000000e-01, v26;
	v48 =	vld [tilespmem:s0+$0x90]  }
0x181: {  	v43 =	vsub.f32 v24, v21;
	v24 =	vadd.f32 v21, v24;
	v51 =	vld [tilespmem:s4+$0x90]  }
0x182: {  	v49 =	vsub.f32 v2, v26;
	v26 =	vadd.f32 v26, v2;
	v2 =	vld [tilespmem:s14+$0x90];
	v53 =	vor.u32 v14, v54  }
0x183: {  	v21 =	vmovc v9;
	v9 =	vmov v54;
	v36 =	vsub.f32 v3, v32;
	v13 =	vld [tilespmem:$0x1FC80];
	v54 =	vor.u32 v15, v54  }
0x184: {  	v35 =	vadd.f32 v32, v3;
	v32 =	vadd.f32 v41, v25;
	v5 =	vld [tilespmem:$0x1FA20];
	[tilespmem:v52+s5+$0x0] =	vst.idx.msk $0xffff, v37  }
0x185: {  	v34 =	vsub.f32 v25, v41;
	v25 =	vsub.f32 v39, v45;
	v3 =	vld [tilespmem:s15+$0x90];
	[tilespmem:$0x1FA30] =	vst v8  }
0x186: {  	v55 =	vsub.f32 v42, v28;
	v39 =	vadd.f32 v45, v39;
	v52 =	vld [tilespmem:s0+$0x0];
	[tilespmem:$0x1FA40] =	vst v59  }
0x187: {  	v28 =	vadd.f32 v28, v42;
	v45 =	vsub.f32 v50, v40;
	[tilespmem:v53+s5+$0x0] =	vst.idx.msk $0xffff, v43  }
0x188: {  	v40 =	vadd.f32 v40, v50;
	v42 =	vsub.f32 v48, v2;
	v53 =	vld [tilespmem:$0x1FA50];
	[tilespmem:v54+s5+$0x0] =	vst.idx.msk $0xffff, v1  }
0x189: {  	v2 =	vadd.f32 v2, v48;
	v48 =	vor.u32 v8, v27;
	v8 =	vmovc v58;
	v58 =	vor.u32 v59, v27;
	v59 =	vld [tilespmem:$0x1FA60]  }
0x18a: {  	v56 =	vsub.f32 v44, v46;
	v41 =	vor.u32 v13, v9;
	v50 =	vsub.f32 v51, v3  }
0x18b: {  	s1 =	simm.s32 $0xA;
	v44 =	vadd.f32 v46, v44;
	v3 =	vadd.f32 v3, v51  }
0x18c: {  	v23 =	vmov s1;
	v42 =	vmul.f32 $5.000000000e-01, v42;
	v50 =	vmul.f32 $5.000000000e-01, v50  }
0x18d: {  	v2 =	vmul.f32 $5.000000000e-01, v2;
	v3 =	vmul.f32 $5.000000000e-01, v3;
	v53 =	vor.u32 v53, v27  }
0x18e: {  	v60 =	vmovc v16;
	v16 =	vor.u32 $0x600, v4;
	v51 =	vsub.f32 v42, v50;
	v59 =	vor.u32 v59, v27  }
0x18f: {  	v46 =	vor.u32 v16, v5;
	v37 =	vshll.u32 v23, $0x8;
	v23 =	vsub.f32 v2, v3;
	[tilespmem:v41+s5+$0x0] =	vst.idx.msk $0xffff, v24  }
0x190: {  	v50 =	vadd.f32 v50, v42;
	[tilespmem:v48+s5+$0x0] =	vst.idx.msk $0xffff, v51  }
0x191: {  	v2 =	vadd.f32 v3, v2;
	v43 =	vld [tilespmem:s14+$0x0];
	[tilespmem:v58+s5+$0x0] =	vst.idx.msk $0xffff, v23  }
0x192: {  	v54 =	vld [tilespmem:s4+$0x0];
	[tilespmem:v53+s5+$0x0] =	vst.idx.msk $0xffff, v50  }
0x193: {  	v23 =	vld [tilespmem:$0x1FE00];
	[tilespmem:v59+s5+$0x0] =	vst.idx.msk $0xffff, v2  }
0x194: {  	v24 =	vmul.f32 $5.000000000e-01, v25;
	v25 =	vld [tilespmem:s15+$0x0];
	[tilespmem:v46+s5+$0x0] =	vst.idx.msk $0xffff, v47  }
0x195: {  	v18 =	vor.u32 $0x601, v4;
	v37 =	vand.u32 $0x7800, v37;
	v59 =	vld [tilespmem:$0x1FE10]  }
0x196: {  	s16 =	simm.s32 $0x8;
	v0 =	vmov v57;
	v57 =	vor.u32 v18, v5;
	v42 =	vbroadcast v37, $0x0  }
0x197: {  	v40 =	vmul.f32 $5.000000000e-01, v40;
	v3 =	vmul.f32 $5.000000000e-01, v45;
	v1 =	vmov s16  }
0x198: {  	v45 =	vsub.f32 v52, v43;
	v48 =	vadd.f32 v43, v52;
	v43 =	vor.u32 v23, v42  }
0x199: {  	v37 =	vmul.f32 $5.000000000e-01, v56;
	v41 =	vmul.f32 $5.000000000e-01, v55;
	v1 =	vshll.u32 v1, $0x8  }
0x19a: {  	v2 =	vmul.f32 $5.000000000e-01, v44;
	v44 =	vsub.f32 v54, v25;
	v52 =	vor.u32 v59, v42  }
0x19b: {  	v46 =	vadd.f32 v25, v54;
	v25 =	vbroadcast v1, $0x0;
	v1 =	vsub.f32 v3, v37;
	[tilespmem:v57+s5+$0x0] =	vst.idx.msk $0xffff, v49  }
0x19c: {  	v50 =	vsub.f32 v24, v41;
	v49 =	vld [tilespmem:$0x1FE20]  }
0x19d: {  	v41 =	vadd.f32 v41, v24;
	v24 =	vld [tilespmem:$0x1FE30];
	[tilespmem:v43+s5+$0x0] =	vst.idx.msk $0xffff, v1;
	v1 =	vsub.f32 v40, v2;
	_ =	sdelay $0x1  }
0x19e: {  	v23 =	vld [tilespmem:$0x1FFC0];
	[tilespmem:v52+s5+$0x0] =	vst.idx.msk $0xffff, v1  }
0x19f: {  	v43 =	vld [tilespmem:$0x1FFD0]  }
0x1a0: {  	v49 =	vor.u32 v49, v42  }
0x1a1: {  	v53 =	vld [tilespmem:s4+$0xA0];
	v55 =	vor.u32 v24, v42  }
0x1a2: {  	v3 =	vadd.f32 v37, v3;
	v56 =	vld [tilespmem:s15+$0xA0];
	v37 =	vor.u32 v4, v25  }
0x1a3: {  	v2 =	vadd.f32 v2, v40;
	v40 =	vor.u32 v23, v25  }
0x1a4: {  	v39 =	vmul.f32 $5.000000000e-01, v39;
	v28 =	vmul.f32 $5.000000000e-01, v28;
	v47 =	vld [tilespmem:s0+$0xA0];
	v52 =	vor.u32 v43, v25  }
0x1a5: {  	v54 =	vld [tilespmem:s14+$0xA0];
	[tilespmem:v49+s5+$0x0] =	vst.idx.msk $0xffff, v3  }
0x1a6: {  	v51 =	vsub.f32 v39, v28;
	v3 =	vld [tilespmem:$0x1FFE0];
	[tilespmem:v55+s5+$0x0] =	vst.idx.msk $0xffff, v2  }
0x1a7: {  	v58 =	vsub.f32 v53, v56;
	v23 =	vld [tilespmem:$0x1FA70];
	[tilespmem:v37+s5+$0x0] =	vst.idx.msk $0xffff, v50  }
0x1a8: {  	v59 =	vadd.f32 v56, v53;
	v56 =	vld [tilespmem:$0x1FA80];
	[tilespmem:v40+s5+$0x0] =	vst.idx.msk $0xffff, v51  }
0x1a9: {  	v37 =	vmul.f32 $5.000000000e-01, v58;
	v58 =	vld [tilespmem:$0x1FA90];
	[tilespmem:v52+s5+$0x0] =	vst.idx.msk $0xffff, v41  }
0x1aa: {  	v55 =	vld [tilespmem:$0x1FAA0]  }
0x1ab: {  	v2 =	vsub.f32 v47, v54;
	v3 =	vor.u32 v3, v25  }
0x1ac: {  	s1 =	simm.s32 $0xC;
	v39 =	vadd.f32 v28, v39;
	v47 =	vadd.f32 v54, v47;
	v53 =	vor.u32 v23, v27  }
0x1ad: {  	v1 =	vmov s1;
	v2 =	vmul.f32 $5.000000000e-01, v2;
	v50 =	vor.u32 v56, v27  }
0x1ae: {  	v40 =	vmul.f32 $5.000000000e-01, v47;
	v47 =	vmul.f32 $5.000000000e-01, v59;
	v49 =	vor.u32 v58, v27  }
0x1af: {  	v1 =	vshll.u32 v1, $0x8;
	v59 =	vsub.f32 v2, v37;
	v51 =	vor.u32 v55, v27  }
0x1b0: {  	v23 =	vbroadcast v1, $0x0;
	v1 =	vld [tilespmem:s0+$0xFFFFFF90];
	[tilespmem:v3+s5+$0x0] =	vst.idx.msk $0xffff, v39;
	v3 =	vsub.f32 v40, v47  }
0x1b1: {  	v2 =	vadd.f32 v37, v2;
	v52 =	vld [tilespmem:s4+$0xFFFFFF90];
	[tilespmem:v53+s5+$0x0] =	vst.idx.msk $0xffff, v59  }
0x1b2: {  	v59 =	vld [tilespmem:s15+$0xFFFFFF90];
	[tilespmem:v50+s5+$0x0] =	vst.idx.msk $0xffff, v3;
	v3 =	vadd.f32 v47, v40  }
0x1b3: {  	v62 =	vmov v20;
	v20 =	vor.u32 $0x680, v4;
	v58 =	vld [tilespmem:s14+$0xFFFFFF90];
	[tilespmem:v49+s5+$0x0] =	vst.idx.msk $0xffff, v2  }
0x1b4: {  	v57 =	vor.u32 v20, v5;
	v50 =	vld [tilespmem:$0x1FCD0];
	[tilespmem:v51+s5+$0x0] =	vst.idx.msk $0xffff, v3  }
0x1b5: {  	v54 =	vld [tilespmem:$0x1FD00]  }
0x1b6: {  	v3 =	vld [tilespmem:$0x1FCE0]  }
0x1b7: {  	v46 =	vmul.f32 $5.000000000e-01, v46;
	v56 =	vmul.f32 $5.000000000e-01, v48;
	v51 =	vld [tilespmem:$0x1FCF0]  }
0x1b8: {  	v45 =	vmul.f32 $5.000000000e-01, v45;
	v44 =	vmul.f32 $5.000000000e-01, v44;
	v55 =	vld [tilespmem:$0x1FE40]  }
0x1b9: {  	v37 =	vand.u32 $0x7800, v23;
	v40 =	vsub.f32 v56, v46;
	v2 =	vadd.f32 v46, v56;
	v56 =	vld [tilespmem:$0x1FE50];
	[tilespmem:v57+s5+$0x0] =	vst.idx.msk $0xffff, v38  }
0x1ba: {  	v49 =	vor.u32 v54, v37;
	v54 =	vsub.f32 v1, v58;
	v1 =	vadd.f32 v58, v1;
	v58 =	vld [tilespmem:$0x1FE70]  }
0x1bb: {  	v41 =	vsub.f32 v45, v44;
	v44 =	vadd.f32 v44, v45;
	v45 =	vld [tilespmem:s0+$0xFFFFFF10];
	v39 =	vor.u32 v50, v37  }
0x1bc: {  	v48 =	vld [tilespmem:s4+$0xB0];
	v3 =	vor.u32 v3, v37  }
0x1bd: {  	v50 =	vld [tilespmem:s0+$0xB0];
	v47 =	vor.u32 v51, v37  }
0x1be: {  	v51 =	vor.u32 v55, v42;
	v55 =	vsub.f32 v52, v59;
	v53 =	vor.u32 v56, v42;
	v56 =	vld [tilespmem:s14+$0xB0]  }
0x1bf: {  	v52 =	vadd.f32 v59, v52;
	v57 =	vor.u32 v58, v42;
	v58 =	vld [tilespmem:s15+$0xB0]  }
0x1c0: {  	v38 =	vld [tilespmem:$0x1FE60];
	v54 =	vmul.f32 $5.000000000e-01, v54;
	v59 =	vmul.f32 $5.000000000e-01, v55;
	[tilespmem:v39+s5+$0x0] =	vst.idx.msk $0xffff, v41  }
0x1c1: {  	v1 =	vmul.f32 $5.000000000e-01, v1;
	v41 =	vld [tilespmem:$0x1FD10];
	[tilespmem:v3+s5+$0x0] =	vst.idx.msk $0xffff, v40;
	v3 =	vmul.f32 $5.000000000e-01, v52  }
0x1c2: {  	v46 =	vld [tilespmem:s14+$0xFFFFFF10];
	v39 =	vadd.f32 v59, v54;
	[tilespmem:v47+s5+$0x0] =	vst.idx.msk $0xffff, v44;
	v44 =	vsub.f32 v54, v59  }
0x1c3: {  	v55 =	vld [tilespmem:$0x1FFF0];
	v52 =	vsub.f32 v1, v3;
	[tilespmem:v49+s5+$0x0] =	vst.idx.msk $0xffff, v2;
	v2 =	vsub.f32 v50, v56  }
0x1c4: {  	v50 =	vadd.f32 v56, v50;
	v56 =	vld [tilespmem:$0x1FAB0];
	[tilespmem:v51+s5+$0x0] =	vst.idx.msk $0xffff, v44;
	v59 =	vsub.f32 v48, v58  }
0x1c5: {  	v38 =	vor.u32 v38, v42;
	v48 =	vadd.f32 v58, v48;
	v58 =	vld [tilespmem:$0x1FAC0];
	[tilespmem:v53+s5+$0x0] =	vst.idx.msk $0xffff, v52  }
0x1c6: {  	v44 =	vmul.f32 $5.000000000e-01, v59;
	v59 =	vld [tilespmem:$0x1FAD0];
	_ =	sdelay $0x2  }
0x1c7: {  	v40 =	vsub.f32 v45, v46;
	v45 =	vadd.f32 v46, v45;
	v54 =	vor.u32 v56, v27  }
0x1c8: {  	v46 =	vld [tilespmem:s4+$0xFFFFFF10];
	v1 =	vadd.f32 v3, v1;
	v2 =	vmul.f32 $5.000000000e-01, v2;
	[tilespmem:v38+s5+$0x0] =	vst.idx.msk $0xffff, v39;
	v49 =	vor.u32 v58, v27  }
0x1c9: {  	v50 =	vmul.f32 $5.000000000e-01, v50;
	v48 =	vmul.f32 $5.000000000e-01, v48;
	v39 =	vld [tilespmem:$0x1FAE0];
	v52 =	vor.u32 v59, v27  }
0x1ca: {  	v3 =	vld [tilespmem:s15+$0xFFFFFF10];
	v38 =	vsub.f32 v2, v44  }
0x1cb: {  	v51 =	vld [tilespmem:s4+$0x10];
	[tilespmem:v57+s5+$0x0] =	vst.idx.msk $0xffff, v1;
	v43 =	vsub.f32 v50, v48  }
0x1cc: {  	v53 =	vld [tilespmem:s14+$0x10];
	v2 =	vadd.f32 v44, v2;
	[tilespmem:v54+s5+$0x0] =	vst.idx.msk $0xffff, v38  }
0x1cd: {  	v47 =	vor.u32 v55, v25;
	v55 =	vld [tilespmem:s0+$0x10];
	[tilespmem:v49+s5+$0x0] =	vst.idx.msk $0xffff, v43  }
0x1ce: {  	v27 =	vor.u32 v39, v27;
	v57 =	vld [tilespmem:$0x1FE80];
	[tilespmem:v52+s5+$0x0] =	vst.idx.msk $0xffff, v2  }
0x1cf: {  	v2 =	vld [tilespmem:$0x1FE90]  }
0x1d0: {  	v1 =	vld [tilespmem:s15+$0x10];
	v39 =	vsub.f32 v46, v3  }
0x1d1: {  	v56 =	vadd.f32 v48, v50;
	v48 =	vld [tilespmem:s14+$0xFFFFFFA0]  }
0x1d2: {  	v50 =	vld [tilespmem:s15+$0xFFFFFFA0];
	v3 =	vadd.f32 v3, v46;
	v38 =	vmul.f32 $5.000000000e-01, v40;
	v39 =	vmul.f32 $5.000000000e-01, v39  }
0x1d3: {  	v45 =	vmul.f32 $5.000000000e-01, v45;
	v46 =	vld [tilespmem:s0+$0xFFFFFFA0];
	[tilespmem:v27+s5+$0x0] =	vst.idx.msk $0xffff, v56;
	v44 =	vor.u32 v57, v25  }
0x1d4: {  	v3 =	vmul.f32 $5.000000000e-01, v3;
	v49 =	vsub.f32 v38, v39;
	v27 =	vld [tilespmem:$0x1FEA0];
	v2 =	vor.u32 v2, v25  }
0x1d5: {  	v54 =	vld [tilespmem:s4+$0xFFFFFFA0]  }
0x1d6: {  	v40 =	vsub.f32 v45, v3;
	v56 =	vld [tilespmem:s0+$0xC0];
	[tilespmem:v47+s5+$0x0] =	vst.idx.msk $0xffff, v49  }
0x1d7: {  	v58 =	vsub.f32 v51, v1;
	v38 =	vadd.f32 v39, v38;
	v59 =	vld [tilespmem:$0x1FD20]  }
0x1d8: {  	v1 =	vadd.f32 v1, v51;
	v52 =	vsub.f32 v55, v53;
	v51 =	vld [tilespmem:$0x1FD30];
	[tilespmem:v44+s5+$0x0] =	vst.idx.msk $0xffff, v40  }
0x1d9: {  	v49 =	vadd.f32 v53, v55;
	v53 =	vld [tilespmem:s4+$0xC0];
	v27 =	vor.u32 v27, v25;
	[tilespmem:v2+s5+$0x0] =	vst.idx.msk $0xffff, v38  }
0x1da: {  	v24 =	vor.u32 $0x681, v4;
	v38 =	vld [tilespmem:$0x1FD40]  }
0x1db: {  	v28 =	vor.u32 v24, v5;
	v41 =	vor.u32 v41, v37;
	v39 =	vld [tilespmem:s14+$0xC0]  }
0x1dc: {  	v58 =	vmul.f32 $5.000000000e-01, v58;
	v3 =	vadd.f32 v3, v45;
	v47 =	vld [tilespmem:s15+$0xC0];
	v57 =	vmul.f32 $5.000000000e-01, v52  }
0x1dd: {  	v1 =	vmul.f32 $5.000000000e-01, v1;
	v43 =	vsub.f32 v54, v50;
	v55 =	vor.u32 v59, v37  }
0x1de: {  	v52 =	vld [tilespmem:s18+$0xFFFFFFD0];
	v51 =	vor.u32 v51, v37;
	v59 =	vmul.f32 $5.000000000e-01, v49;
	v40 =	vadd.f32 v58, v57;
	[tilespmem:v27+s5+$0x0] =	vst.idx.msk $0xffff, v3  }
0x1df: {  	v2 =	vld [tilespmem:s7+$0xFFFFFFD0];
	v27 =	vsub.f32 v46, v48;
	v49 =	vor.u32 v38, v37;
	v38 =	vsub.f32 v57, v58  }
0x1e0: {  	v44 =	vor.u32 v60, v42;
	v3 =	vsub.f32 v59, v1;
	[tilespmem:v28+s5+$0x0] =	vst.idx.msk $0xffff, v26;
	v45 =	vld [tilespmem:s14+$0xFFFFFF20]  }
0x1e1: {  	v28 =	vsub.f32 v56, v39;
	v26 =	vmul.f32 $5.000000000e-01, v27;
	v27 =	vld [tilespmem:s4+$0xFFFFFF20];
	v58 =	vsub.f32 v53, v47;
	[tilespmem:v41+s5+$0x0] =	vst.idx.msk $0xffff, v38  }
0x1e2: {  	v60 =	vor.u32 v19, v30;
	v1 =	vadd.f32 v1, v59;
	v59 =	vmul.f32 $5.000000000e-01, v43;
	v57 =	vld [tilespmem:s0+$0xFFFFFF20];
	[tilespmem:$0x1FAF0] =	vst v19  }
0x1e3: {  	[tilespmem:v55+s5+$0x0] =	vst.idx.msk $0xffff, v3;
	v3 =	vmul.f32 $5.000000000e-01, v28;
	v28 =	vmul.f32 $5.000000000e-01, v58  }
0x1e4: {  	v19 =	vsub.f32 v26, v59;
	[tilespmem:v51+s5+$0x0] =	vst.idx.msk $0xffff, v40  }
0x1e5: {  	v47 =	vadd.f32 v47, v53;
	[tilespmem:v49+s5+$0x0] =	vst.idx.msk $0xffff, v1;
	v53 =	vsub.f32 v3, v28  }
0x1e6: {  	v1 =	vld [tilespmem:$0x1FB00];
	[tilespmem:v44+s5+$0x0] =	vst.idx.msk $0xffff, v19  }
0x1e7: {  	v58 =	vld [tilespmem:$0x1FB10];
	[tilespmem:v60+s5+$0x0] =	vst.idx.msk $0xffff, v53  }
0x1e8: {  	v60 =	vld [tilespmem:$0x1FB20]  }
0x1e9: {  	v41 =	vadd.f32 v39, v56;
	v55 =	vld [tilespmem:s15+$0xFFFFFF20]  }
0x1ea: {  	v38 =	vsub.f32 v52, v2;
	v39 =	vadd.f32 v2, v52;
	v2 =	vld [tilespmem:s12+$0xFFFFFFD0]  }
0x1eb: {  	v51 =	vld [tilespmem:s11+$0xFFFFFFD0]  }
0x1ec: {  	v40 =	vmul.f32 $5.000000000e-01, v41;
	v49 =	vld [tilespmem:s18+$0x50]  }
0x1ed: {  	v41 =	vmul.f32 $5.000000000e-01, v47;
	v1 =	vor.u32 v1, v30;
	v52 =	vor.u32 v60, v30;
	v60 =	vld [tilespmem:$0x1FEB0]  }
0x1ee: {  	v47 =	vsub.f32 v57, v45;
	v3 =	vadd.f32 v28, v3;
	v28 =	vld [tilespmem:s7+$0x50];
	v44 =	vor.u32 v58, v30  }
0x1ef: {  	v57 =	vadd.f32 v45, v57;
	v43 =	vsub.f32 v40, v41  }
0x1f0: {  	v40 =	vadd.f32 v41, v40;
	v53 =	vsub.f32 v27, v55  }
0x1f1: {  	v27 =	vadd.f32 v55, v27;
	v55 =	vor.u32 v7, v25;
	v45 =	vsub.f32 v51, v2  }
0x1f2: {  	v19 =	vmul.f32 $5.000000000e-01, v53;
	[tilespmem:v1+s5+$0x0] =	vst.idx.msk $0xffff, v43;
	v1 =	vmul.f32 $5.000000000e-01, v47;
	v58 =	vor.u32 v60, v25  }
0x1f3: {  	v56 =	vmul.f32 $5.000000000e-01, v57;
	v41 =	vsub.f32 v49, v28;
	[tilespmem:v44+s5+$0x0] =	vst.idx.msk $0xffff, v3;
	v44 =	vadd.f32 v2, v51  }
0x1f4: {  	v27 =	vmul.f32 $5.000000000e-01, v27;
	v51 =	vor.u32 v29, v25;
	v60 =	vsub.f32 v1, v19;
	[tilespmem:v52+s5+$0x0] =	vst.idx.msk $0xffff, v40  }
0x1f5: {  	v40 =	vadd.f32 v28, v49;
	v28 =	vadd.f32 v48, v46;
	v48 =	vor.u32 v61, v25  }
0x1f6: {  	v57 =	vsub.f32 v56, v27  }
0x1f7: {  	v1 =	vadd.f32 v19, v1;
	[tilespmem:v58+s5+$0x0] =	vst.idx.msk $0xffff, v60  }
0x1f8: {  	v27 =	vadd.f32 v27, v56;
	[tilespmem:v55+s5+$0x0] =	vst.idx.msk $0xffff, v57  }
0x1f9: {  	v7 =	vadd.f32 v50, v54;
	[tilespmem:v51+s5+$0x0] =	vst.idx.msk $0xffff, v1  }
0x1fa: {  	v43 =	vor.u32 v62, v42;
	[tilespmem:v48+s5+$0x0] =	vst.idx.msk $0xffff, v27  }
0x1fb: {  	v49 =	vmul.f32 $5.000000000e-01, v7;
	v28 =	vmul.f32 $5.000000000e-01, v28;
	v60 =	vor.u32 v0, v42;
	v0 =	vld [tilespmem:$0x1FD50];
	_ =	sdelay $0x1  }
0x1fc: {  	v27 =	vsub.f32 v28, v49  }
0x1fd: {  	v53 =	vld [tilespmem:s0+$0x20]  }
0x1fe: {  	v3 =	vld [tilespmem:s4+$0x20];
	[tilespmem:v43+s5+$0x0] =	vst.idx.msk $0xffff, v27  }
0x1ff: {  	v28 =	vadd.f32 v49, v28;
	v49 =	vor.u32 v0, v37;
	v0 =	vld [tilespmem:$0x1FD60]  }
0x200: {  	v2 =	vld [tilespmem:s14+$0x20]  }
0x201: {  	v26 =	vadd.f32 v59, v26;
	v52 =	vld [tilespmem:s15+$0x20];
	_ =	sdelay $0x1  }
0x202: {  	[tilespmem:v60+s5+$0x0] =	vst.idx.msk $0xffff, v26  }
0x203: {  	v27 =	vor.u32 v0, v37;
	v0 =	vld [tilespmem:$0x1FD70]  }
0x204: {  	v1 =	vor.u32 v8, v42  }
0x205: {  	v61 =	vsub.f32 v53, v2;
	v62 =	vsub.f32 v3, v52  }
0x206: {  	v2 =	vadd.f32 v2, v53;
	v3 =	vadd.f32 v52, v3  }
0x207: {  	v51 =	vmul.f32 $5.000000000e-01, v61;
	v7 =	vmul.f32 $5.000000000e-01, v62  }
0x208: {  	v2 =	vmul.f32 $5.000000000e-01, v2;
	v3 =	vmul.f32 $5.000000000e-01, v3;
	v54 =	vor.u32 v0, v37  }
0x209: {  	v46 =	vld [tilespmem:s11+$0x50];
	[tilespmem:v1+s5+$0x0] =	vst.idx.msk $0xffff, v28;
	v1 =	vsub.f32 v51, v7  }
0x20a: {  	v19 =	vld [tilespmem:s12+$0x50];
	v26 =	vsub.f32 v2, v3  }
0x20b: {  	v0 =	vld [tilespmem:$0x1FD80];
	[tilespmem:v49+s5+$0x0] =	vst.idx.msk $0xffff, v1;
	v1 =	vadd.f32 v7, v51  }
0x20c: {  	v56 =	vld [tilespmem:s4+$0xD0];
	[tilespmem:v27+s5+$0x0] =	vst.idx.msk $0xffff, v26  }
0x20d: {  	v58 =	vld [tilespmem:s14+$0xD0];
	[tilespmem:v54+s5+$0x0] =	vst.idx.msk $0xffff, v1  }
0x20e: {  	v26 =	vld [tilespmem:$0x1FB30]  }
0x20f: {  	v55 =	vld [tilespmem:s0+$0xD0]  }
0x210: {  	v48 =	vld [tilespmem:s15+$0xD0]  }
0x211: {  	v52 =	vld [tilespmem:s0+$0xFFFFFF30]  }
0x212: {  	v59 =	vld [tilespmem:s14+$0xFFFFFF30];
	v7 =	vor.u32 $0x720, v4;
	v43 =	vor.u32 v0, v37  }
0x213: {  	v57 =	vld [tilespmem:s4+$0xFFFFFF30];
	v54 =	vor.u32 v7, v26  }
0x214: {  	v47 =	vsub.f32 v46, v19;
	v28 =	vld [tilespmem:s15+$0xFFFFFF30]  }
0x215: {  	v46 =	vadd.f32 v19, v46;
	v2 =	vadd.f32 v3, v2;
	v19 =	vld [tilespmem:s0+$0xFFFFFFB0]  }
0x216: {  	v3 =	vld [tilespmem:s14+$0xFFFFFFB0];
	v49 =	vsub.f32 v55, v58  }
0x217: {  	v51 =	vadd.f32 v58, v55;
	v55 =	vld [tilespmem:s15+$0xFFFFFFB0];
	v27 =	vsub.f32 v52, v59;
	[tilespmem:v43+s5+$0x0] =	vst.idx.msk $0xffff, v2  }
0x218: {  	v8 =	vor.u32 $0x721, v4;
	v1 =	vld [tilespmem:s4+$0xFFFFFFB0];
	[tilespmem:v54+s5+$0x0] =	vst.idx.msk $0xffff, v33  }
0x219: {  	v58 =	vmul.f32 $5.000000000e-01, v27;
	v60 =	vor.u32 v8, v26;
	v27 =	vld [tilespmem:$0x1FB40]  }
0x21a: {  	v53 =	vsub.f32 v56, v48  }
0x21b: {  	v48 =	vadd.f32 v48, v56;
	v52 =	vadd.f32 v59, v52  }
0x21c: {  	v2 =	vsub.f32 v57, v28;
	v43 =	vadd.f32 v28, v57;
	v57 =	vld [tilespmem:s0+$0x30]  }
0x21d: {  	v56 =	vsub.f32 v19, v3;
	v29 =	vadd.f32 v3, v19;
	v59 =	vld [tilespmem:s14+$0x30]  }
0x21e: {  	v3 =	vadd.f32 v55, v1;
	v33 =	vmul.f32 $5.000000000e-01, v43;
	v43 =	vsub.f32 v1, v55;
	v1 =	vld [tilespmem:$0x1FF10];
	[tilespmem:v60+s5+$0x0] =	vst.idx.msk $0xffff, v27  }
0x21f: {  	v2 =	vmul.f32 $5.000000000e-01, v2;
	v27 =	vld [tilespmem:$0x1FF20]  }
0x220: {  	v19 =	vor.u32 $0x7A0, v4  }
0x221: {  	v52 =	vmul.f32 $5.000000000e-01, v52;
	v55 =	vor.u32 v63, v25;
	v63 =	vsub.f32 v58, v2  }
0x222: {  	v2 =	vadd.f32 v2, v58;
	v58 =	vor.u32 v31, v25;
	v31 =	vadd.f32 v59, v57  }
0x223: {  	v50 =	vor.u32 v19, v26;
	v0 =	vsub.f32 v52, v33;
	v33 =	vadd.f32 v33, v52  }
0x224: {  	v52 =	vor.u32 v1, v25;
	v1 =	vsub.f32 v57, v59;
	v57 =	vor.u32 v27, v25;
	v27 =	vld [tilespmem:$0x1FB50];
	_ =	sdelay $0x3  }
0x225: {  	[tilespmem:v55+s5+$0x0] =	vst.idx.msk $0xffff, v63  }
0x226: {  	[tilespmem:v50+s5+$0x0] =	vst.idx.msk $0xffff, v27  }
0x227: {  	v54 =	vor.u32 v10, v42;
	v10 =	vld [tilespmem:$0x1FC20];
	_ =	sdelay $0x1  }
0x228: {  	v61 =	vld [tilespmem:s4+$0x30]  }
0x229: {  	v62 =	vld [tilespmem:s15+$0x30];
	[tilespmem:v58+s5+$0x0] =	vst.idx.msk $0xffff, v0  }
0x22a: {  	v0 =	vmul.f32 $5.000000000e-01, v3;
	v3 =	vld [tilespmem:$0x1FC30];
	[tilespmem:v52+s5+$0x0] =	vst.idx.msk $0xffff, v2  }
0x22b: {  	v60 =	vor.u32 v10, v42;
	v10 =	vld [tilespmem:$0x1FC40];
	_ =	sdelay $0x3  }
0x22c: {  	v56 =	vmul.f32 $5.000000000e-01, v56;
	v55 =	vadd.f32 v62, v61;
	[tilespmem:v57+s5+$0x0] =	vst.idx.msk $0xffff, v33  }
0x22d: {  	v50 =	vmul.f32 $5.000000000e-01, v43;
	v43 =	vsub.f32 v61, v62;
	v62 =	vor.u32 v10, v42;
	v10 =	vld [tilespmem:$0x1FD90];
	_ =	sdelay $0x1  }
0x22e: {  	v61 =	vsub.f32 v56, v50;
	_ =	sdelay $0x1  }
0x22f: {  	[tilespmem:v54+s5+$0x0] =	vst.idx.msk $0xffff, v61  }
0x230: {  	v29 =	vmul.f32 $5.000000000e-01, v29;
	v3 =	vor.u32 v3, v42;
	v52 =	vor.u32 v10, v37;
	v10 =	vld [tilespmem:$0x1FDA0];
	_ =	sdelay $0x1  }
0x231: {  	v63 =	vmul.f32 $5.000000000e-01, v43;
	v43 =	vsub.f32 v29, v0  }
0x232: {  	v2 =	vadd.f32 v50, v56  }
0x233: {  	[tilespmem:v60+s5+$0x0] =	vst.idx.msk $0xffff, v43  }
0x234: {  	v54 =	vor.u32 v10, v37;
	v10 =	vld [tilespmem:$0x1FDB0];
	[tilespmem:v3+s5+$0x0] =	vst.idx.msk $0xffff, v2  }
0x235: {  	v2 =	vld [tilespmem:$0x1FDC0];
	_ =	sdelay $0x2  }
0x236: {  	v31 =	vmul.f32 $5.000000000e-01, v31;
	v1 =	vmul.f32 $5.000000000e-01, v1  }
0x237: {  	v55 =	vmul.f32 $5.000000000e-01, v55;
	v0 =	vadd.f32 v0, v29;
	v56 =	vor.u32 v10, v37  }
0x238: {  	v59 =	vsub.f32 v1, v63;
	v2 =	vor.u32 v2, v37  }
0x239: {  	v57 =	vld [tilespmem:s0+$0xFFFFFF40];
	[tilespmem:v62+s5+$0x0] =	vst.idx.msk $0xffff, v0;
	v62 =	vsub.f32 v31, v55  }
0x23a: {  	v1 =	vadd.f32 v63, v1;
	v58 =	vld [tilespmem:s4+$0xFFFFFF40];
	[tilespmem:v52+s5+$0x0] =	vst.idx.msk $0xffff, v59  }
0x23b: {  	v63 =	vld [tilespmem:s15+$0xFFFFFF40];
	v31 =	vadd.f32 v55, v31;
	v10 =	vor.u32 $0x7A1, v4;
	[tilespmem:v54+s5+$0x0] =	vst.idx.msk $0xffff, v62  }
0x23c: {  	v43 =	vor.u32 v10, v26;
	v26 =	vld [tilespmem:$0x1FC00];
	[tilespmem:v56+s5+$0x0] =	vst.idx.msk $0xffff, v1  }
0x23d: {  	v3 =	vld [tilespmem:s14+$0xFFFFFF40];
	[tilespmem:v2+s5+$0x0] =	vst.idx.msk $0xffff, v31  }
0x23e: {  	v27 =	vld [tilespmem:$0x1FC10]  }
0x23f: {  	v28 =	vld [tilespmem:$0x1FB60]  }
0x240: {  	v61 =	vmul.f32 $5.000000000e-01, v53;
	v0 =	vmul.f32 $5.000000000e-01, v49;
	v52 =	vld [tilespmem:s0+$0xFFFFFFC0]  }
0x241: {  	v59 =	vmul.f32 $5.000000000e-01, v48;
	v53 =	vld [tilespmem:s4+$0xFFFFFFC0]  }
0x242: {  	v48 =	vsub.f32 v0, v61;
	v0 =	vadd.f32 v61, v0;
	v61 =	vld [tilespmem:s15+$0xFFFFFFC0];
	v60 =	vor.u32 v26, v6  }
0x243: {  	v36 =	vmul.f32 $5.000000000e-01, v36;
	v34 =	vmul.f32 $5.000000000e-01, v34;
	v1 =	vld [tilespmem:s14+$0xFFFFFFC0];
	v2 =	vor.u32 v27, v6  }
0x244: {  	v35 =	vmul.f32 $5.000000000e-01, v35;
	v32 =	vmul.f32 $5.000000000e-01, v32;
	v49 =	vadd.f32 v63, v58;
	v55 =	vld [tilespmem:s0+$0x40];
	[tilespmem:v43+s5+$0x0] =	vst.idx.msk $0xffff, v28  }
0x245: {  	v62 =	vsub.f32 v58, v63;
	v63 =	vsub.f32 v36, v34;
	v56 =	vld [tilespmem:s4+$0x40];
	[tilespmem:$0x1FB70] =	vst v7  }
0x246: {  	v34 =	vadd.f32 v34, v36;
	v36 =	vor.u32 v7, v30;
	v7 =	vsub.f32 v35, v32;
	v58 =	vld [tilespmem:s14+$0x40];
	[tilespmem:$0x1FB80] =	vst v8  }
0x247: {  	v28 =	vadd.f32 v32, v35;
	v32 =	vor.u32 v8, v30;
	[tilespmem:v60+s5+$0x0] =	vst.idx.msk $0xffff, v63  }
0x248: {  	v51 =	vmul.f32 $5.000000000e-01, v51;
	[tilespmem:v2+s5+$0x0] =	vst.idx.msk $0xffff, v7  }
0x249: {  	v43 =	vld [tilespmem:s15+$0x40];
	[tilespmem:$0x1FB90] =	vst v19  }
0x24a: {  	v54 =	vsub.f32 v51, v59;
	[tilespmem:$0x1FBA0] =	vst v10  }
0x24b: {  	v7 =	vld [tilespmem:$0x1FC90];
	[tilespmem:v36+s5+$0x0] =	vst.idx.msk $0xffff, v48  }
0x24c: {  	v31 =	vsub.f32 v57, v3;
	v3 =	vadd.f32 v3, v57;
	[tilespmem:v32+s5+$0x0] =	vst.idx.msk $0xffff, v54  }
0x24d: {  	v57 =	vsub.f32 v52, v1;
	v1 =	vadd.f32 v1, v52;
	v52 =	vor.u32 v10, v30;
	v10 =	vld [tilespmem:$0x1FCB0];
	_ =	sdelay $0x1  }
0x24e: {  	v33 =	vor.u32 v19, v30;
	_ =	sdelay $0x1  }
0x24f: {  	v37 =	vadd.f32 v59, v51;
	v50 =	vsub.f32 v53, v61  }
0x250: {  	v51 =	vadd.f32 v61, v53;
	v61 =	vor.u32 v21, v25;
	v21 =	vor.u32 v10, v9  }
0x251: {  	[tilespmem:$0x1FBF0] =	vst v21  }
0x252: {  	v8 =	vld [tilespmem:$0x1FCA0];
	[tilespmem:v33+s5+$0x0] =	vst.idx.msk $0xffff, v0  }
0x253: {  	v19 =	vld [tilespmem:$0x1FCC0]  }
0x254: {  	v0 =	vld [tilespmem:$0x1FF50];
	[tilespmem:v52+s5+$0x0] =	vst.idx.msk $0xffff, v37  }
0x255: {  	v59 =	vld [tilespmem:$0x1FF60]  }
0x256: {  	v31 =	vmul.f32 $5.000000000e-01, v31;
	v30 =	vmul.f32 $5.000000000e-01, v49;
	v60 =	vor.u32 v11, v6  }
0x257: {  	v2 =	vmul.f32 $5.000000000e-01, v62;
	v48 =	vsub.f32 v55, v58;
	v49 =	vadd.f32 v58, v55  }
0x258: {  	v54 =	vsub.f32 v56, v43;
	v55 =	vadd.f32 v43, v56;
	v43 =	vor.u32 v22, v25  }
0x259: {  	v3 =	vmul.f32 $5.000000000e-01, v3;
	v0 =	vor.u32 v0, v25  }
0x25a: {  	v36 =	vsub.f32 v31, v2;
	v37 =	vmul.f32 $5.000000000e-01, v38;
	v38 =	vor.u32 v59, v25  }
0x25b: {  	v63 =	vsub.f32 v3, v30;
	[tilespmem:v60+s5+$0x0] =	vst.idx.msk $0xffff, v34  }
0x25c: {  	v2 =	vadd.f32 v2, v31;
	[tilespmem:v61+s5+$0x0] =	vst.idx.msk $0xffff, v36;
	v36 =	vmul.f32 $5.000000000e-01, v45;
	v45 =	vor.u32 v17, v42  }
0x25d: {  	v50 =	vmul.f32 $5.000000000e-01, v50;
	v3 =	vadd.f32 v30, v3;
	v61 =	vmul.f32 $5.000000000e-01, v57;
	[tilespmem:v43+s5+$0x0] =	vst.idx.msk $0xffff, v63  }
0x25e: {  	v60 =	vor.u32 v14, v42;
	[tilespmem:v0+s5+$0x0] =	vst.idx.msk $0xffff, v2  }
0x25f: {  	v1 =	vmul.f32 $5.000000000e-01, v1;
	v2 =	vmul.f32 $5.000000000e-01, v51;
	[tilespmem:v38+s5+$0x0] =	vst.idx.msk $0xffff, v3;
	v3 =	vsub.f32 v61, v50  }
0x260: {  	v63 =	vor.u32 v15, v42;
	v17 =	vadd.f32 v50, v61;
	[tilespmem:$0x1FBB0] =	vst v16  }
0x261: {  	v33 =	vmul.f32 $5.000000000e-01, v54;
	v50 =	vor.u32 v16, v23;
	v51 =	vsub.f32 v1, v2;
	[tilespmem:v45+s5+$0x0] =	vst.idx.msk $0xffff, v3  }
0x262: {  	v0 =	vor.u32 v13, v42;
	v1 =	vadd.f32 v2, v1;
	v2 =	vmul.f32 $5.000000000e-01, v48;
	v3 =	vld [tilespmem:s0+$0xFFFFFF50];
	[tilespmem:$0x1FBC0] =	vst v18  }
0x263: {  	[tilespmem:v60+s5+$0x0] =	vst.idx.msk $0xffff, v51  }
0x264: {  	v45 =	vor.u32 v18, v23;
	v53 =	vsub.f32 v2, v33;
	v51 =	vld [tilespmem:s4+$0xFFFFFF50];
	[tilespmem:$0x1FBD0] =	vst v20  }
0x265: {  	v49 =	vmul.f32 $5.000000000e-01, v49;
	v34 =	vmul.f32 $5.000000000e-01, v55;
	v57 =	vor.u32 v20, v23;
	[tilespmem:v63+s5+$0x0] =	vst.idx.msk $0xffff, v17  }
0x266: {  	v39 =	vmul.f32 $5.000000000e-01, v39;
	v62 =	vor.u32 v7, v9;
	v56 =	vld [tilespmem:s14+$0xFFFFFF50];
	[tilespmem:v50+s5+$0x0] =	vst.idx.msk $0xffff, v53  }
0x267: {  	v44 =	vmul.f32 $5.000000000e-01, v44;
	v31 =	vor.u32 v8, v9;
	v17 =	vsub.f32 v49, v34;
	[tilespmem:v0+s5+$0x0] =	vst.idx.msk $0xffff, v1;
	v0 =	vld [tilespmem:s15+$0xFFFFFF50]  }
0x268: {  	v55 =	vmul.f32 $5.000000000e-01, v41;
	v2 =	vadd.f32 v33, v2;
	v18 =	vadd.f32 v34, v49;
	v49 =	vld [tilespmem:s0+$0xFFFFFFD0];
	[tilespmem:$0x1FBE0] =	vst v24  }
0x269: {  	v48 =	vsub.f32 v37, v36;
	v20 =	vor.u32 v24, v23;
	v1 =	vmul.f32 $5.000000000e-01, v47;
	[tilespmem:v45+s5+$0x0] =	vst.idx.msk $0xffff, v17  }
0x26a: {  	v22 =	vor.u32 $0x6A0, v4;
	v53 =	vsub.f32 v39, v44;
	v54 =	vld [tilespmem:s4+$0xFFFFFFD0];
	[tilespmem:v57+s5+$0x0] =	vst.idx.msk $0xffff, v2;
	v2 =	vor.u32 v12, v6  }
0x26b: {  	v21 =	vor.u32 $0x621, v4;
	v59 =	vsub.f32 v55, v1;
	v58 =	vadd.f32 v1, v55;
	v1 =	vld [tilespmem:s15+$0xFFFFFFD0]  }
0x26c: {  	v35 =	vor.u32 v21, v5;
	v30 =	vor.u32 v19, v9;
	v9 =	vor.u32 $0x620, v4;
	[tilespmem:v62+s5+$0x0] =	vst.idx.msk $0xffff, v48  }
0x26d: {  	v52 =	vadd.f32 v44, v39;
	v4 =	vor.u32 $0x6A1, v4;
	v32 =	vor.u32 v9, v5;
	[tilespmem:v31+s5+$0x0] =	vst.idx.msk $0xffff, v53  }
0x26e: {  	v13 =	vadd.f32 v36, v37;
	v38 =	vor.u32 v4, v5;
	[tilespmem:v20+s5+$0x0] =	vst.idx.msk $0xffff, v18  }
0x26f: {  	v16 =	vmul.f32 $5.000000000e-01, v40;
	v40 =	vor.u32 v22, v5;
	v33 =	vmul.f32 $5.000000000e-01, v46;
	v34 =	vld [tilespmem:s14+$0xFFFFFFD0];
	[tilespmem:v2+s5+$0x0] =	vst.idx.msk $0xffff, v28  }
0x270: {  	v36 =	vor.u32 v7, v42;
	v46 =	vsub.f32 v54, v1;
	v47 =	vadd.f32 v1, v54;
	v1 =	vld [tilespmem:$0x1FBF0]  }
0x271: {  	v37 =	vor.u32 v8, v42;
	v60 =	vsub.f32 v16, v33;
	v39 =	vor.u32 v10, v42  }
0x272: {  	v50 =	vor.u32 v19, v42;
	v63 =	vor.u32 v21, v23;
	v55 =	vadd.f32 v33, v16  }
0x273: {  	v62 =	vor.u32 v22, v23;
	v16 =	vsub.f32 v3, v56;
	v3 =	vadd.f32 v56, v3  }
0x274: {  	s9 =	sadd.s32 s8, s9;
	s7 =	simm.s32 @!p2 $0x1;
	s12 =	sadd.s32 @!p2 $0x1, s13;
	v57 =	vor.u32 v27, v25;
	v17 =	vsub.f32 v51, v0;
	v0 =	vadd.f32 v0, v51  }
0x275: {  	s7 =	simm.s32 @p2 $0x0;
	s11 =	sadd.s32 @!p2 $0x1, s17;
	s12 =	smov.u32 @p2 s13;
	v29 =	vmovc v9;
	v51 =	vld [tilespmem:s0+$0x50];
	v45 =	vmul.f32 $5.000000000e-01, v16;
	v44 =	vmul.f32 $5.000000000e-01, v3;
	v18 =	vsub.f32 v49, v34  }
0x276: {  	s11 =	smov.u32 @p2 s17;
	s12 =	smov.u32 @p1 s13;
	s13 =	sadd.s32 @!p2 $0x1, s10;
	v41 =	vmovc v4;
	v33 =	vmovc v21;
	v56 =	vld [tilespmem:s4+$0x50];
	v20 =	vadd.f32 v34, v49;
	v54 =	vor.u32 v9, v23;
	v49 =	vmul.f32 $5.000000000e-01, v17  }
0x277: {  	s7 =	simm.s32 @p1 $0x0;
	s11 =	smov.u32 @p1 s17;
	s13 =	smov.u32 @p2 s10;
	v31 =	vmovc v26;
	v53 =	vld [tilespmem:s14+$0x50];
	v48 =	vmul.f32 $5.000000000e-01, v0;
	v0 =	vor.u32 v4, v23;
	v34 =	vmovc v27;
	v2 =	vor.u32 v26, v25  }
0x278: {  	s17 =	sadd.s32 $0x200, s0;
	s13 =	smov.u32 @p1 s10;
	s10 =	simm.s32 $0x4;
	v28 =	vmovc v22;
	v42 =	vmul.f32 $5.000000000e-01, v18;
	v43 =	vmul.f32 $5.000000000e-01, v20;
	v3 =	vsub.f32 v45, v49;
	[tilespmem:v1+s5+$0x0] =	vst.idx.msk $0xffff, v13;
	v1 =	vld [tilespmem:s15+$0x50]  }
.LBB2_3:
0x279: {  	_ = 	snop  }
0x27a: {  	v4 =	vld [tilespmem:s17+$0x80];
	s4 =	sadd.s32 $0x200, s4  }
0x27b: {  	s14 =	sadd.s32 $0x200, s14;
	[tilespmem:v32+s5+$0x0] =	vst.idx.msk $0xffff, v59;
	v6 =	vld [tilespmem:s4+$0x80]  }
0x27c: {  	v7 =	vld [tilespmem:s14+$0x80];
	[tilespmem:v2+s5+$0x0] =	vst.idx.msk $0xffff, v3  }
0x27d: {  	[tilespmem:v35+s5+$0x0] =	vst.idx.msk $0xffff, v60;
	v2 =	vld [tilespmem:s17+$0xFFFFFF00]  }
0x27e: {  	s16 =	sadd.s32 $0x8, s16;
	v10 =	vld [tilespmem:s4+$0xFFFFFF00];
	[tilespmem:v40+s5+$0x0] =	vst.idx.msk $0xffff, v58  }
0x27f: {  	v5 =	vsub.f32 v44, v48;
	s18 =	sadd.s32 $0x6, s16;
	[tilespmem:v38+s5+$0x0] =	vst.idx.msk $0xffff, v55;
	v38 =	vmov v0;
	v0 =	vld [tilespmem:$0x1FA00]  }
0x280: {  	s15 =	sadd.s32 $0x200, s15;
	[tilespmem:v30+s5+$0x0] =	vst.idx.msk $0xffff, v52;
	v9 =	vmov s18;
	v52 =	vor.u32 v11, v25;
	v17 =	vsub.f32 v51, v53;
	v11 =	vld [tilespmem:$0x1F9F0]  }
0x281: {  	v9 =	vshll.u32 v9, $0x8;
	v18 =	vadd.f32 v53, v51;
	v53 =	vor.u32 v12, v25;
	v25 =	vld [tilespmem:s15+$0x80]  }
0x282: {  	v30 =	vmov v50;
	[tilespmem:v57+s5+$0x0] =	vst.idx.msk $0xffff, v5;
	v57 =	vbroadcast v9, $0x0;
	v50 =	vmul.f32 $5.000000000e-01, v17;
	v17 =	vld [tilespmem:$0x1F9E0]  }
0x283: {  	v20 =	vld [tilespmem:$0x1FE00]  }
0x284: {  	v21 =	vld [tilespmem:$0x1FDD0];
	v59 =	vand.u32 $0x7800, v57  }
0x285: {  	v35 =	vmov v63;
	v63 =	vor.u32 v11, v59;
	v11 =	vor.u32 v0, v59;
	v0 =	vld [tilespmem:$0x1FA10]  }
0x286: {  	v9 =	vld [tilespmem:s15+$0xFFFFFF00];
	v19 =	vsub.f32 v4, v7;
	v16 =	vsub.f32 v6, v25  }
0x287: {  	v58 =	vld [tilespmem:s4+$0xFFFFFF80];
	v4 =	vadd.f32 v7, v4;
	v6 =	vadd.f32 v25, v6;
	v7 =	vor.u32 v17, v59  }
0x288: {  	s1 =	sadd.s32 $0x4, s16;
	v40 =	vmov v62;
	v5 =	vld [tilespmem:s14+$0xFFFFFF00];
	v60 =	vmul.f32 $5.000000000e-01, v19;
	v62 =	vmul.f32 $5.000000000e-01, v16  }
0x289: {  	v8 =	vmov s1;
	v55 =	vld [tilespmem:s15+$0xFFFFFF80];
	v4 =	vmul.f32 $5.000000000e-01, v4;
	v6 =	vmul.f32 $5.000000000e-01, v6  }
0x28a: {  	v32 =	vmovc v54;
	v54 =	vld [tilespmem:s17+$0xFFFFFF80];
	v8 =	vshll.u32 v8, $0x8;
	v14 =	vsub.f32 v60, v62;
	v15 =	vor.u32 v0, v59  }
0x28b: {  	v16 =	vsub.f32 v10, v9;
	v17 =	vld [tilespmem:s4+$0x0];
	v0 =	vbroadcast v8, $0x0;
	v8 =	vsub.f32 v4, v6  }
0x28c: {  	v51 =	vmul.f32 $5.000000000e-01, v18;
	v9 =	vadd.f32 v9, v10;
	v10 =	vld [tilespmem:s15+$0x0];
	v18 =	vadd.f32 v62, v60;
	[tilespmem:v7+s5+$0x0] =	vst.idx.msk $0xffff, v14  }
0x28d: {  	s0 =	sadd.s32 $0x2, s16;
	v13 =	vld [tilespmem:s17+$0x0];
	v12 =	vsub.f32 v2, v5;
	v4 =	vadd.f32 v6, v4;
	[tilespmem:v63+s5+$0x0] =	vst.idx.msk $0xffff, v8  }
0x28e: {  	v3 =	vmov s0;
	v2 =	vadd.f32 v5, v2;
	v5 =	vld [tilespmem:s14+$0x0];
	v8 =	vsub.f32 v58, v55;
	[tilespmem:v11+s5+$0x0] =	vst.idx.msk $0xffff, v18  }
0x28f: {  	v3 =	vshll.u32 v3, $0x8;
	v61 =	vsub.f32 v56, v1;
	v56 =	vadd.f32 v1, v56;
	v25 =	vld [tilespmem:s14+$0xFFFFFF80];
	[tilespmem:v15+s5+$0x0] =	vst.idx.msk $0xffff, v4  }
0x290: {  	v1 =	vmov s16;
	v11 =	vadd.f32 v55, v58;
	v6 =	vmul.f32 $5.000000000e-01, v8;
	v8 =	vld [tilespmem:s17+$0x90]  }
0x291: {  	v3 =	vand.u32 $0x7800, v3;
	v58 =	vsub.f32 v17, v10;
	v10 =	vadd.f32 v10, v17;
	v17 =	vld [tilespmem:s14+$0x90]  }
0x292: {  	v22 =	vld [tilespmem:$0x1FFC0];
	v1 =	vshll.u32 v1, $0x8;
	v12 =	vmul.f32 $5.000000000e-01, v12;
	v2 =	vmul.f32 $5.000000000e-01, v2  }
0x293: {  	v14 =	vmul.f32 $5.000000000e-01, v16;
	v15 =	vsub.f32 v13, v5;
	v5 =	vadd.f32 v5, v13;
	v13 =	vld [tilespmem:s4+$0x90]  }
0x294: {  	v19 =	vsub.f32 v54, v25;
	v7 =	vmul.f32 $5.000000000e-01, v9;
	v9 =	vadd.f32 v25, v54;
	v62 =	vld [tilespmem:s15+$0x90]  }
0x295: {  	v25 =	vbroadcast v1, $0x0;
	v63 =	vsub.f32 v12, v14;
	v1 =	vadd.f32 v14, v12;
	v14 =	vld [tilespmem:$0x1FA30]  }
0x296: {  	v23 =	vld [tilespmem:$0x1FFD0];
	v54 =	vbroadcast v3, $0x0;
	v4 =	vmul.f32 $5.000000000e-01, v19;
	v19 =	vsub.f32 v8, v17  }
0x297: {  	v60 =	vld [tilespmem:$0x1FA40];
	v18 =	vsub.f32 v2, v7  }
0x298: {  	v2 =	vadd.f32 v7, v2;
	v20 =	vor.u32 v20, v54;
	v7 =	vmul.f32 $5.000000000e-01, v19;
	v19 =	vld [tilespmem:$0x1FA50]  }
0x299: {  	v26 =	vld [tilespmem:$0x1FFE0];
	v21 =	vor.u32 v21, v25;
	v12 =	vsub.f32 v13, v62  }
0x29a: {  	v22 =	vor.u32 v22, v25;
	v14 =	vor.u32 v14, v59;
	v8 =	vadd.f32 v17, v8  }
0x29b: {  	v3 =	vsub.f32 v4, v6;
	v13 =	vadd.f32 v62, v13;
	v12 =	vmul.f32 $5.000000000e-01, v12  }
0x29c: {  	v23 =	vor.u32 v23, v25;
	v17 =	vor.u32 v60, v59;
	v8 =	vmul.f32 $5.000000000e-01, v8  }
0x29d: {  	[tilespmem:v20+s5+$0x0] =	vst.idx.msk $0xffff, v3;
	v13 =	vmul.f32 $5.000000000e-01, v13;
	v55 =	vsub.f32 v7, v12;
	v60 =	vor.u32 v19, v59;
	v19 =	vld [tilespmem:$0x1FA60]  }
0x29e: {  	v26 =	vor.u32 v26, v25;
	v4 =	vadd.f32 v6, v4;
	[tilespmem:v21+s5+$0x0] =	vst.idx.msk $0xffff, v63  }
0x29f: {  	v6 =	vsub.f32 v8, v13;
	[tilespmem:v14+s5+$0x0] =	vst.idx.msk $0xffff, v55;
	v55 =	vmul.f32 $5.000000000e-01, v61;
	v61 =	vadd.f32 v13, v8;
	v13 =	vld [tilespmem:$0x1FCD0]  }
0x2a0: {  	v27 =	vld [tilespmem:$0x1FE60];
	v9 =	vmul.f32 $5.000000000e-01, v9;
	v11 =	vmul.f32 $5.000000000e-01, v11;
	[tilespmem:v22+s5+$0x0] =	vst.idx.msk $0xffff, v18  }
0x2a1: {  	v16 =	vmul.f32 $5.000000000e-01, v58;
	v10 =	vmul.f32 $5.000000000e-01, v10;
	[tilespmem:v17+s5+$0x0] =	vst.idx.msk $0xffff, v6;
	v17 =	vld [tilespmem:$0x1FE10]  }
0x2a2: {  	v58 =	vand.u32 $0x7800, v0;
	v15 =	vmul.f32 $5.000000000e-01, v15;
	v3 =	vld [tilespmem:$0x1FE40];
	[tilespmem:v23+s5+$0x0] =	vst.idx.msk $0xffff, v1;
	v19 =	vor.u32 v19, v59  }
0x2a3: {  	v5 =	vmul.f32 $5.000000000e-01, v5;
	v22 =	vld [tilespmem:$0x1FA80];
	v62 =	vsub.f32 v9, v11;
	v9 =	vadd.f32 v11, v9;
	[tilespmem:v26+s5+$0x0] =	vst.idx.msk $0xffff, v2  }
0x2a4: {  	v11 =	vsub.f32 v15, v16;
	v23 =	vld [tilespmem:s17+$0xFFFFFF10];
	v7 =	vadd.f32 v12, v7;
	v13 =	vor.u32 v13, v58  }
0x2a5: {  	v12 =	vadd.f32 v16, v15;
	v15 =	vld [tilespmem:$0x1FCE0];
	v8 =	vsub.f32 v5, v10  }
0x2a6: {  	v5 =	vadd.f32 v10, v5;
	v10 =	vld [tilespmem:$0x1FE30];
	[tilespmem:v60+s5+$0x0] =	vst.idx.msk $0xffff, v7;
	v7 =	vor.u32 v17, v54  }
0x2a7: {  	[tilespmem:v19+s5+$0x0] =	vst.idx.msk $0xffff, v61;
	v19 =	vld [tilespmem:$0x1FE20]  }
0x2a8: {  	v60 =	vld [tilespmem:$0x1FCF0]  }
0x2a9: {  	[tilespmem:v13+s5+$0x0] =	vst.idx.msk $0xffff, v11;
	v13 =	vld [tilespmem:$0x1FAA0]  }
0x2aa: {  	v15 =	vor.u32 v15, v58;
	v61 =	vld [tilespmem:$0x1FD00]  }
0x2ab: {  	[tilespmem:v7+s5+$0x0] =	vst.idx.msk $0xffff, v62;
	v62 =	vld [tilespmem:$0x1FE50]  }
0x2ac: {  	v20 =	vld [tilespmem:s15+$0xA0];
	v6 =	vor.u32 v19, v54  }
0x2ad: {  	v10 =	vor.u32 v10, v54;
	v19 =	vld [tilespmem:s4+$0xA0]  }
0x2ae: {  	v16 =	vor.u32 v60, v58;
	v60 =	vld [tilespmem:$0x1FD10]  }
0x2af: {  	[tilespmem:v15+s5+$0x0] =	vst.idx.msk $0xffff, v8;
	v8 =	vld [tilespmem:$0x1FD40]  }
0x2b0: {  	v14 =	vld [tilespmem:s17+$0xA0]  }
0x2b1: {  	v24 =	vld [tilespmem:s14+$0xA0];
	[tilespmem:v6+s5+$0x0] =	vst.idx.msk $0xffff, v4  }
0x2b2: {  	v63 =	vsub.f32 v19, v20;
	v19 =	vadd.f32 v20, v19;
	v20 =	vld [tilespmem:$0x1FA70];
	[tilespmem:v10+s5+$0x0] =	vst.idx.msk $0xffff, v9  }
0x2b3: {  	v6 =	vld [tilespmem:s17+$0xFFFFFF90]  }
0x2b4: {  	v9 =	vld [tilespmem:s4+$0xFFFFFF90]  }
0x2b5: {  	v21 =	vld [tilespmem:s14+$0xFFFFFF90]  }
0x2b6: {  	v17 =	vor.u32 v61, v58;
	v1 =	vld [tilespmem:s15+$0xFFFFFF90]  }
0x2b7: {  	v10 =	vsub.f32 v14, v24;
	v18 =	vmul.f32 $5.000000000e-01, v63;
	v63 =	vld [tilespmem:$0x1FA90]  }
0x2b8: {  	v15 =	vld [tilespmem:s14+$0xFFFFFF10];
	v14 =	vadd.f32 v24, v14  }
0x2b9: {  	v22 =	vor.u32 v22, v59;
	v7 =	vor.u32 v62, v54;
	v61 =	vld [tilespmem:$0x1FD20];
	v10 =	vmul.f32 $5.000000000e-01, v10  }
0x2ba: {  	v62 =	vor.u32 v60, v58;
	v60 =	vld [tilespmem:$0x1FD30];
	[tilespmem:v16+s5+$0x0] =	vst.idx.msk $0xffff, v12;
	v2 =	vmul.f32 $5.000000000e-01, v14;
	v20 =	vor.u32 v20, v59  }
0x2bb: {  	v4 =	vld [tilespmem:$0x1FE70];
	[tilespmem:v17+s5+$0x0] =	vst.idx.msk $0xffff, v5;
	v14 =	vmul.f32 $5.000000000e-01, v19;
	v11 =	vsub.f32 v10, v18;
	v10 =	vadd.f32 v18, v10  }
0x2bc: {  	v17 =	vld [tilespmem:$0x1FEA0];
	v19 =	vor.u32 v63, v59;
	v26 =	vsub.f32 v6, v21;
	v18 =	vsub.f32 v9, v1  }
0x2bd: {  	v13 =	vor.u32 v13, v59;
	v24 =	vld [tilespmem:s4+$0xFFFFFF10];
	v6 =	vadd.f32 v21, v6;
	v1 =	vadd.f32 v1, v9  }
0x2be: {  	v63 =	vor.u32 v8, v58;
	v8 =	vsub.f32 v2, v14;
	v9 =	vld [tilespmem:$0x1FFF0]  }
0x2bf: {  	v6 =	vmul.f32 $5.000000000e-01, v6;
	v1 =	vmul.f32 $5.000000000e-01, v1;
	[tilespmem:v20+s5+$0x0] =	vst.idx.msk $0xffff, v11;
	v11 =	vld [tilespmem:s15+$0xFFFFFF10]  }
0x2c0: {  	v3 =	vor.u32 v3, v54;
	v2 =	vadd.f32 v14, v2;
	[tilespmem:v22+s5+$0x0] =	vst.idx.msk $0xffff, v8;
	v22 =	vld [tilespmem:s17+$0x10]  }
0x2c1: {  	v21 =	vsub.f32 v6, v1;
	v1 =	vadd.f32 v1, v6;
	v6 =	vld [tilespmem:s4+$0x10];
	[tilespmem:v19+s5+$0x0] =	vst.idx.msk $0xffff, v10  }
0x2c2: {  	v14 =	vmul.f32 $5.000000000e-01, v18;
	v8 =	vmul.f32 $5.000000000e-01, v26;
	v10 =	vld [tilespmem:$0x1FE80];
	[tilespmem:v13+s5+$0x0] =	vst.idx.msk $0xffff, v2  }
0x2c3: {  	v27 =	vor.u32 v27, v54;
	v13 =	vsub.f32 v23, v15;
	v12 =	vld [tilespmem:s17+$0xB0]  }
0x2c4: {  	v4 =	vor.u32 v4, v54;
	v19 =	vsub.f32 v8, v14;
	v5 =	vld [tilespmem:s4+$0xB0];
	v16 =	vsub.f32 v24, v11  }
0x2c5: {  	v9 =	vor.u32 v9, v25;
	v15 =	vadd.f32 v15, v23;
	v18 =	vld [tilespmem:s14+$0xB0];
	v11 =	vadd.f32 v11, v24  }
0x2c6: {  	v20 =	vld [tilespmem:s15+$0xB0];
	v13 =	vmul.f32 $5.000000000e-01, v13;
	[tilespmem:v3+s5+$0x0] =	vst.idx.msk $0xffff, v19;
	v3 =	vadd.f32 v14, v8;
	v16 =	vmul.f32 $5.000000000e-01, v16  }
0x2c7: {  	v2 =	vld [tilespmem:$0x1FE90];
	v15 =	vmul.f32 $5.000000000e-01, v15;
	[tilespmem:v7+s5+$0x0] =	vst.idx.msk $0xffff, v21;
	v10 =	vor.u32 v10, v25;
	v11 =	vmul.f32 $5.000000000e-01, v11  }
0x2c8: {  	v7 =	vld [tilespmem:s14+$0x10];
	[tilespmem:v27+s5+$0x0] =	vst.idx.msk $0xffff, v3;
	v8 =	vsub.f32 v13, v16  }
0x2c9: {  	v3 =	vld [tilespmem:s15+$0x10];
	[tilespmem:v4+s5+$0x0] =	vst.idx.msk $0xffff, v1;
	v14 =	vsub.f32 v15, v11  }
0x2ca: {  	[tilespmem:v9+s5+$0x0] =	vst.idx.msk $0xffff, v8;
	v8 =	vsub.f32 v12, v18;
	v12 =	vadd.f32 v18, v12;
	v18 =	vld [tilespmem:$0x1FAB0]  }
0x2cb: {  	v21 =	vld [tilespmem:s4+$0xFFFFFFA0];
	v9 =	vsub.f32 v5, v20;
	v5 =	vadd.f32 v20, v5  }
0x2cc: {  	[tilespmem:v10+s5+$0x0] =	vst.idx.msk $0xffff, v14;
	v10 =	vld [tilespmem:$0x1FAC0];
	v8 =	vmul.f32 $5.000000000e-01, v8  }
0x2cd: {  	v9 =	vmul.f32 $5.000000000e-01, v9;
	v4 =	vmul.f32 $5.000000000e-01, v5;
	v5 =	vld [tilespmem:$0x1FAD0]  }
0x2ce: {  	v2 =	vor.u32 v2, v25;
	v27 =	vld [tilespmem:s14+$0xFFFFFFA0];
	v1 =	vmul.f32 $5.000000000e-01, v12  }
0x2cf: {  	v20 =	vld [tilespmem:$0x1FAE0];
	v19 =	vsub.f32 v8, v9;
	v18 =	vor.u32 v18, v59  }
0x2d0: {  	v17 =	vor.u32 v17, v25;
	v26 =	vsub.f32 v1, v4;
	v8 =	vadd.f32 v9, v8;
	v9 =	vld [tilespmem:s15+$0xFFFFFFA0]  }
0x2d1: {  	v12 =	vld [tilespmem:s17+$0xFFFFFFA0];
	v1 =	vadd.f32 v4, v1;
	v4 =	vadd.f32 v16, v13;
	v10 =	vor.u32 v10, v59  }
0x2d2: {  	v23 =	vld [tilespmem:$0x1FF70];
	v14 =	vsub.f32 v22, v7;
	v24 =	vsub.f32 v6, v3;
	v5 =	vor.u32 v5, v59  }
0x2d3: {  	v7 =	vadd.f32 v7, v22;
	v3 =	vadd.f32 v3, v6;
	[tilespmem:v2+s5+$0x0] =	vst.idx.msk $0xffff, v4;
	v2 =	vld [tilespmem:$0x1FF90]  }
0x2d4: {  	v20 =	vor.u32 v20, v59;
	v59 =	vmul.f32 $5.000000000e-01, v24;
	v24 =	vld [tilespmem:$0x1FB20];
	[tilespmem:v18+s5+$0x0] =	vst.idx.msk $0xffff, v19;
	v19 =	vadd.f32 v11, v15  }
0x2d5: {  	v14 =	vmul.f32 $5.000000000e-01, v14;
	v11 =	vsub.f32 v21, v9;
	v9 =	vadd.f32 v9, v21;
	v21 =	vld [tilespmem:$0x1FB10]  }
0x2d6: {  	[tilespmem:v10+s5+$0x0] =	vst.idx.msk $0xffff, v26;
	v10 =	vsub.f32 v12, v27;
	v12 =	vadd.f32 v27, v12;
	v27 =	vld [tilespmem:$0x1FD70]  }
0x2d7: {  	[tilespmem:v5+s5+$0x0] =	vst.idx.msk $0xffff, v8;
	v5 =	vsub.f32 v14, v59;
	v8 =	vadd.f32 v59, v14;
	v14 =	vld [tilespmem:$0x1FFA0]  }
0x2d8: {  	[tilespmem:v17+s5+$0x0] =	vst.idx.msk $0xffff, v19;
	v19 =	vld [tilespmem:$0x1FAF0]  }
0x2d9: {  	v7 =	vmul.f32 $5.000000000e-01, v7;
	v3 =	vmul.f32 $5.000000000e-01, v3;
	[tilespmem:v20+s5+$0x0] =	vst.idx.msk $0xffff, v1;
	v1 =	vld [tilespmem:$0x1FF80]  }
0x2da: {  	v61 =	vor.u32 v61, v58;
	v4 =	vld [tilespmem:s17+$0xC0]  }
0x2db: {  	v60 =	vor.u32 v60, v58;
	v59 =	vsub.f32 v7, v3;
	v3 =	vadd.f32 v3, v7;
	v7 =	vld [tilespmem:s4+$0xC0]  }
0x2dc: {  	[tilespmem:v62+s5+$0x0] =	vst.idx.msk $0xffff, v5;
	v5 =	vld [tilespmem:s14+$0xC0]  }
0x2dd: {  	v23 =	vor.u32 v23, v54;
	v6 =	vld [tilespmem:s15+$0xC0]  }
0x2de: {  	v11 =	vmul.f32 $5.000000000e-01, v11;
	v13 =	vld [tilespmem:s17+$0xFFFFFF20];
	v10 =	vmul.f32 $5.000000000e-01, v10  }
0x2df: {  	[tilespmem:v61+s5+$0x0] =	vst.idx.msk $0xffff, v59;
	v61 =	vld [tilespmem:$0x1FB00]  }
0x2e0: {  	v15 =	vsub.f32 v10, v11;
	v10 =	vadd.f32 v11, v10;
	v11 =	vld [tilespmem:$0x1FD60];
	[tilespmem:v60+s5+$0x0] =	vst.idx.msk $0xffff, v8  }
0x2e1: {  	v8 =	vld [tilespmem:s4+$0xFFFFFF20];
	[tilespmem:v63+s5+$0x0] =	vst.idx.msk $0xffff, v3  }
0x2e2: {  	v3 =	vld [tilespmem:$0x1FD50];
	[tilespmem:v23+s5+$0x0] =	vst.idx.msk $0xffff, v15;
	v62 =	vsub.f32 v4, v5;
	v63 =	vsub.f32 v7, v6  }
0x2e3: {  	v15 =	vld [tilespmem:s17+$0x20];
	v4 =	vadd.f32 v5, v4;
	v5 =	vadd.f32 v6, v7;
	v6 =	vor.u32 v19, v57  }
0x2e4: {  	v18 =	vld [tilespmem:s4+$0x20];
	v19 =	vor.u32 v61, v57;
	v16 =	vmul.f32 $5.000000000e-01, v62;
	v17 =	vmul.f32 $5.000000000e-01, v63  }
0x2e5: {  	v21 =	vor.u32 v21, v57;
	v7 =	vld [tilespmem:s14+$0x20];
	v4 =	vmul.f32 $5.000000000e-01, v4;
	v5 =	vmul.f32 $5.000000000e-01, v5  }
0x2e6: {  	v24 =	vor.u32 v24, v57;
	v60 =	vor.u32 v11, v58;
	v11 =	vld [tilespmem:s15+$0xFFFFFF20];
	v23 =	vsub.f32 v16, v17  }
0x2e7: {  	v59 =	vor.u32 v3, v58;
	v3 =	vld [tilespmem:s14+$0xFFFFFF20];
	v61 =	vsub.f32 v4, v5  }
0x2e8: {  	v20 =	vld [tilespmem:s15+$0x20];
	v62 =	vadd.f32 v17, v16;
	[tilespmem:v6+s5+$0x0] =	vst.idx.msk $0xffff, v23  }
0x2e9: {  	v2 =	vor.u32 v2, v54;
	v4 =	vadd.f32 v5, v4;
	[tilespmem:v19+s5+$0x0] =	vst.idx.msk $0xffff, v61;
	v61 =	vld [tilespmem:$0x1FD80]  }
0x2ea: {  	v5 =	vsub.f32 v15, v7;
	v7 =	vadd.f32 v7, v15;
	[tilespmem:v21+s5+$0x0] =	vst.idx.msk $0xffff, v62;
	v21 =	vld [tilespmem:$0x1FEC0]  }
0x2eb: {  	v9 =	vmul.f32 $5.000000000e-01, v9;
	v26 =	vsub.f32 v8, v11;
	v8 =	vadd.f32 v11, v8;
	[tilespmem:v24+s5+$0x0] =	vst.idx.msk $0xffff, v4;
	v24 =	vld [tilespmem:$0x1FED0]  }
0x2ec: {  	v1 =	vor.u32 v1, v54;
	v22 =	vsub.f32 v13, v3;
	v3 =	vadd.f32 v3, v13;
	v15 =	vld [tilespmem:s17+$0xD0]  }
0x2ed: {  	v12 =	vmul.f32 $5.000000000e-01, v12;
	v14 =	vor.u32 v14, v54;
	v11 =	vsub.f32 v18, v20;
	v17 =	vld [tilespmem:s4+$0xD0]  }
0x2ee: {  	v63 =	vmul.f32 $5.000000000e-01, v8;
	v8 =	vadd.f32 v20, v18;
	v3 =	vmul.f32 $5.000000000e-01, v3;
	v62 =	vld [tilespmem:s14+$0xD0]  }
0x2ef: {  	v13 =	vmul.f32 $5.000000000e-01, v26;
	v20 =	vsub.f32 v12, v9;
	v9 =	vadd.f32 v9, v12;
	v12 =	vld [tilespmem:s15+$0xD0]  }
0x2f0: {  	v22 =	vmul.f32 $5.000000000e-01, v22;
	v16 =	vsub.f32 v3, v63;
	v3 =	vadd.f32 v63, v3;
	v63 =	vld [tilespmem:$0x1FEB0]  }
0x2f1: {  	v27 =	vor.u32 v27, v58;
	v7 =	vmul.f32 $5.000000000e-01, v7;
	v8 =	vmul.f32 $5.000000000e-01, v8;
	[tilespmem:v1+s5+$0x0] =	vst.idx.msk $0xffff, v20;
	v1 =	vld [tilespmem:$0x1FFB0]  }
0x2f2: {  	v5 =	vmul.f32 $5.000000000e-01, v5;
	v11 =	vmul.f32 $5.000000000e-01, v11;
	v20 =	vld [tilespmem:$0x1FF10];
	v4 =	vsub.f32 v22, v13  }
0x2f3: {  	[tilespmem:v2+s5+$0x0] =	vst.idx.msk $0xffff, v10;
	v23 =	vsub.f32 v7, v8;
	v7 =	vadd.f32 v8, v7;
	v8 =	vld [tilespmem:$0x1FEE0]  }
0x2f4: {  	v13 =	vadd.f32 v13, v22;
	v22 =	vsub.f32 v5, v11;
	[tilespmem:v14+s5+$0x0] =	vst.idx.msk $0xffff, v9;
	v9 =	vld [tilespmem:$0x1FC20]  }
0x2f5: {  	v6 =	vor.u32 v61, v58;
	v61 =	vld [tilespmem:$0x1FC30];
	v19 =	vor.u32 v63, v25  }
0x2f6: {  	v5 =	vadd.f32 v11, v5;
	v21 =	vor.u32 v21, v25;
	[tilespmem:v59+s5+$0x0] =	vst.idx.msk $0xffff, v22;
	v22 =	vld [tilespmem:s14+$0xFFFFFFB0]  }
0x2f7: {  	v24 =	vor.u32 v24, v25;
	v2 =	vsub.f32 v15, v62;
	v10 =	vadd.f32 v62, v15;
	v15 =	vld [tilespmem:$0x1FB80]  }
0x2f8: {  	v62 =	vld [tilespmem:s4+$0xFFFFFFB0];
	[tilespmem:v60+s5+$0x0] =	vst.idx.msk $0xffff, v23;
	v8 =	vor.u32 v8, v25  }
0x2f9: {  	v60 =	vld [tilespmem:$0x1FC50];
	[tilespmem:v27+s5+$0x0] =	vst.idx.msk $0xffff, v5  }
0x2fa: {  	v11 =	vadd.f32 v12, v17;
	[tilespmem:v19+s5+$0x0] =	vst.idx.msk $0xffff, v4;
	v4 =	vsub.f32 v17, v12;
	v12 =	vld [tilespmem:$0x1FB70]  }
0x2fb: {  	v63 =	vld [tilespmem:s15+$0xFFFFFFB0];
	[tilespmem:v21+s5+$0x0] =	vst.idx.msk $0xffff, v16  }
0x2fc: {  	[tilespmem:v24+s5+$0x0] =	vst.idx.msk $0xffff, v13;
	v13 =	vld [tilespmem:$0x1FB90]  }
0x2fd: {  	[tilespmem:v8+s5+$0x0] =	vst.idx.msk $0xffff, v3;
	v8 =	vld [tilespmem:$0x1FBA0]  }
0x2fe: {  	v18 =	vor.u32 v61, v54;
	[tilespmem:v6+s5+$0x0] =	vst.idx.msk $0xffff, v7;
	v61 =	vld [tilespmem:$0x1FC60]  }
0x2ff: {  	v7 =	vld [tilespmem:s17+$0x30];
	v12 =	vor.u32 v12, v57  }
0x300: {  	v2 =	vmul.f32 $5.000000000e-01, v2;
	v15 =	vor.u32 v15, v57;
	v17 =	vld [tilespmem:s4+$0x30];
	v4 =	vmul.f32 $5.000000000e-01, v4  }
0x301: {  	v10 =	vmul.f32 $5.000000000e-01, v10;
	v11 =	vmul.f32 $5.000000000e-01, v11;
	v21 =	vld [tilespmem:$0x1FF20];
	v13 =	vor.u32 v13, v57  }
0x302: {  	v3 =	vsub.f32 v2, v4;
	v16 =	vld [tilespmem:s17+$0xFFFFFF30];
	v8 =	vor.u32 v8, v57  }
0x303: {  	v14 =	vsub.f32 v10, v11;
	v10 =	vadd.f32 v11, v10;
	v11 =	vld [tilespmem:s15+$0xFFFFFF30]  }
0x304: {  	v2 =	vadd.f32 v4, v2;
	[tilespmem:v12+s5+$0x0] =	vst.idx.msk $0xffff, v3;
	v3 =	vld [tilespmem:s14+$0xFFFFFF30]  }
0x305: {  	v57 =	vld [tilespmem:s4+$0xFFFFFF30];
	[tilespmem:v15+s5+$0x0] =	vst.idx.msk $0xffff, v14  }
0x306: {  	[tilespmem:v13+s5+$0x0] =	vst.idx.msk $0xffff, v2;
	v2 =	vld [tilespmem:s17+$0xFFFFFFB0]  }
0x307: {  	[tilespmem:v8+s5+$0x0] =	vst.idx.msk $0xffff, v10;
	v8 =	vld [tilespmem:$0x1FEF0]  }
0x308: {  	v10 =	vld [tilespmem:$0x1FF00]  }
0x309: {  	v1 =	vor.u32 v1, v54;
	v4 =	vld [tilespmem:$0x1FC40];
	v23 =	vsub.f32 v16, v3  }
0x30a: {  	v20 =	vor.u32 v20, v25;
	v9 =	vor.u32 v9, v54;
	v12 =	vld [tilespmem:$0x1FD90];
	v5 =	vsub.f32 v57, v11  }
0x30b: {  	v14 =	vld [tilespmem:$0x1FDA0];
	v11 =	vadd.f32 v11, v57;
	v3 =	vadd.f32 v3, v16;
	v6 =	vmul.f32 $5.000000000e-01, v23  }
0x30c: {  	v23 =	vsub.f32 v2, v22;
	v2 =	vadd.f32 v22, v2;
	v22 =	vld [tilespmem:$0x1FC70];
	v8 =	vor.u32 v8, v25  }
0x30d: {  	v24 =	vsub.f32 v62, v63;
	v15 =	vld [tilespmem:$0x1FDC0];
	v5 =	vmul.f32 $5.000000000e-01, v5;
	v10 =	vor.u32 v10, v25  }
0x30e: {  	v21 =	vor.u32 v21, v25;
	v13 =	vld [tilespmem:$0x1FDB0];
	v11 =	vmul.f32 $5.000000000e-01, v11;
	v3 =	vmul.f32 $5.000000000e-01, v3  }
0x30f: {  	v4 =	vor.u32 v4, v54;
	v16 =	vadd.f32 v63, v62;
	v62 =	vld [tilespmem:$0x1FC80];
	v26 =	vsub.f32 v6, v5  }
0x310: {  	v57 =	vor.u32 v60, v54;
	v12 =	vor.u32 v12, v58;
	v63 =	vld [tilespmem:s15+$0x30];
	v27 =	vsub.f32 v3, v11  }
0x311: {  	v24 =	vmul.f32 $5.000000000e-01, v24;
	v5 =	vadd.f32 v5, v6;
	v59 =	vor.u32 v22, v54;
	v22 =	vld [tilespmem:s14+$0x30];
	[tilespmem:v8+s5+$0x0] =	vst.idx.msk $0xffff, v26  }
0x312: {  	v16 =	vmul.f32 $5.000000000e-01, v16;
	v2 =	vmul.f32 $5.000000000e-01, v2;
	v3 =	vadd.f32 v11, v3;
	[tilespmem:v10+s5+$0x0] =	vst.idx.msk $0xffff, v27  }
0x313: {  	v14 =	vor.u32 v14, v58;
	v15 =	vor.u32 v15, v58;
	v23 =	vmul.f32 $5.000000000e-01, v23;
	[tilespmem:v20+s5+$0x0] =	vst.idx.msk $0xffff, v5  }
0x314: {  	v19 =	vld [tilespmem:$0x1FBD0];
	v13 =	vor.u32 v13, v58;
	v11 =	vsub.f32 v2, v16;
	[tilespmem:v21+s5+$0x0] =	vst.idx.msk $0xffff, v3  }
0x315: {  	v58 =	vor.u32 v61, v54;
	v8 =	vadd.f32 v63, v17;
	v3 =	vsub.f32 v23, v24;
	v10 =	vld [tilespmem:s17+$0xFFFFFF40]  }
0x316: {  	v60 =	vor.u32 v62, v54;
	v5 =	vsub.f32 v17, v63;
	v61 =	vsub.f32 v7, v22;
	v62 =	vld [tilespmem:s4+$0xFFFFFF40]  }
0x317: {  	v7 =	vadd.f32 v22, v7;
	v63 =	vld [tilespmem:s15+$0xFFFFFF40];
	[tilespmem:v1+s5+$0x0] =	vst.idx.msk $0xffff, v3;
	v1 =	vadd.f32 v24, v23  }
0x318: {  	v2 =	vadd.f32 v16, v2;
	v8 =	vmul.f32 $5.000000000e-01, v8;
	v5 =	vmul.f32 $5.000000000e-01, v5;
	v3 =	vld [tilespmem:s14+$0xFFFFFF40];
	[tilespmem:v9+s5+$0x0] =	vst.idx.msk $0xffff, v11  }
0x319: {  	v6 =	vmul.f32 $5.000000000e-01, v61;
	v7 =	vmul.f32 $5.000000000e-01, v7;
	v61 =	vld [tilespmem:$0x1FF60];
	[tilespmem:v18+s5+$0x0] =	vst.idx.msk $0xffff, v1  }
0x31a: {  	[tilespmem:v4+s5+$0x0] =	vst.idx.msk $0xffff, v2;
	v2 =	vld [tilespmem:$0x1FBB0]  }
0x31b: {  	v9 =	vsub.f32 v6, v5;
	v11 =	vsub.f32 v7, v8;
	v4 =	vld [tilespmem:$0x1FBC0]  }
0x31c: {  	v1 =	vadd.f32 v5, v6;
	v5 =	vadd.f32 v8, v7;
	v8 =	vld [tilespmem:$0x1FBE0]  }
0x31d: {  	v6 =	vld [tilespmem:s17+$0xFFFFFFC0]  }
0x31e: {  	v21 =	vadd.f32 v49, v45;
	v18 =	vld [tilespmem:s4+$0xFFFFFFC0]  }
0x31f: {  	[tilespmem:v12+s5+$0x0] =	vst.idx.msk $0xffff, v9;
	v9 =	vld [tilespmem:$0x1FF30]  }
0x320: {  	[tilespmem:v52+s5+$0x0] =	vst.idx.msk $0xffff, v21;
	v12 =	vld [tilespmem:$0x1FF40]  }
0x321: {  	v47 =	vmul.f32 $5.000000000e-01, v47;
	[tilespmem:v14+s5+$0x0] =	vst.idx.msk $0xffff, v11;
	v11 =	vsub.f32 v10, v3;
	v3 =	vadd.f32 v3, v10;
	v10 =	vld [tilespmem:s14+$0xFFFFFFC0]  }
0x322: {  	v22 =	vadd.f32 v48, v44;
	v14 =	vld [tilespmem:s15+$0xFFFFFFC0];
	[tilespmem:v13+s5+$0x0] =	vst.idx.msk $0xffff, v1  }
0x323: {  	v52 =	vadd.f32 v47, v43;
	v7 =	vor.u32 v19, v0;
	[tilespmem:v15+s5+$0x0] =	vst.idx.msk $0xffff, v5;
	v5 =	vmul.f32 $5.000000000e-01, v11;
	v11 =	vld [tilespmem:$0x1FF50]  }
0x324: {  	v16 =	vor.u32 v61, v25;
	v1 =	vsub.f32 v62, v63;
	v13 =	vadd.f32 v63, v62;
	v15 =	vld [tilespmem:s17+$0x40]  }
0x325: {  	v2 =	vor.u32 v2, v0;
	v4 =	vor.u32 v4, v0;
	v3 =	vmul.f32 $5.000000000e-01, v3;
	v62 =	vld [tilespmem:s4+$0x40]  }
0x326: {  	v1 =	vmul.f32 $5.000000000e-01, v1;
	v13 =	vmul.f32 $5.000000000e-01, v13;
	v24 =	vld [tilespmem:s15+$0x40];
	v9 =	vor.u32 v9, v25  }
0x327: {  	v20 =	vld [tilespmem:s14+$0x40];
	v12 =	vor.u32 v12, v25;
	v23 =	vsub.f32 v6, v10;
	v6 =	vadd.f32 v10, v6  }
0x328: {  	v26 =	vsub.f32 v18, v14;
	v14 =	vadd.f32 v14, v18;
	v11 =	vor.u32 v11, v25  }
0x329: {  	v8 =	vor.u32 v8, v0;
	v27 =	vsub.f32 v5, v1;
	v21 =	vsub.f32 v3, v13  }
0x32a: {  	[tilespmem:v53+s5+$0x0] =	vst.idx.msk $0xffff, v22;
	v1 =	vadd.f32 v1, v5;
	v3 =	vadd.f32 v13, v3;
	v23 =	vmul.f32 $5.000000000e-01, v23  }
0x32b: {  	v49 =	vld [tilespmem:$0x1FCB0];
	v6 =	vmul.f32 $5.000000000e-01, v6;
	v26 =	vmul.f32 $5.000000000e-01, v26;
	v17 =	vadd.f32 v24, v62;
	[tilespmem:v9+s5+$0x0] =	vst.idx.msk $0xffff, v27  }
0x32c: {  	v14 =	vmul.f32 $5.000000000e-01, v14;
	v9 =	vsub.f32 v15, v20;
	[tilespmem:v12+s5+$0x0] =	vst.idx.msk $0xffff, v21;
	v12 =	vsub.f32 v62, v24  }
0x32d: {  	v63 =	vld [tilespmem:$0x1FC90];
	v15 =	vadd.f32 v20, v15;
	v13 =	vmul.f32 $5.000000000e-01, v17;
	[tilespmem:v11+s5+$0x0] =	vst.idx.msk $0xffff, v1;
	v1 =	vsub.f32 v23, v26  }
0x32e: {  	v10 =	vld [tilespmem:$0x1FCA0];
	v5 =	vmul.f32 $5.000000000e-01, v9;
	v12 =	vmul.f32 $5.000000000e-01, v12;
	v11 =	vsub.f32 v6, v14;
	[tilespmem:v16+s5+$0x0] =	vst.idx.msk $0xffff, v3  }
0x32f: {  	v9 =	vmul.f32 $5.000000000e-01, v15;
	v6 =	vadd.f32 v14, v6;
	v3 =	vadd.f32 v26, v23;
	v14 =	vld [tilespmem:s17+$0xFFFFFF50];
	[tilespmem:v57+s5+$0x0] =	vst.idx.msk $0xffff, v1  }
0x330: {  	v18 =	vor.u32 v49, v54;
	v1 =	vsub.f32 v5, v12;
	v16 =	vld [tilespmem:s4+$0xFFFFFF50];
	[tilespmem:v58+s5+$0x0] =	vst.idx.msk $0xffff, v11  }
0x331: {  	v15 =	vsub.f32 v9, v13;
	v9 =	vadd.f32 v13, v9;
	v13 =	vld [tilespmem:s15+$0xFFFFFF50];
	[tilespmem:v59+s5+$0x0] =	vst.idx.msk $0xffff, v3  }
0x332: {  	v46 =	vmul.f32 $5.000000000e-01, v46;
	v19 =	vor.u32 v63, v54;
	v63 =	vor.u32 v33, v0;
	v11 =	vld [tilespmem:s14+$0xFFFFFF50];
	[tilespmem:v2+s5+$0x0] =	vst.idx.msk $0xffff, v1  }
0x333: {  	v56 =	vmul.f32 $5.000000000e-01, v56;
	v10 =	vor.u32 v10, v54;
	v62 =	vor.u32 v28, v0;
	v2 =	vld [tilespmem:$0x1FCC0];
	[tilespmem:v60+s5+$0x0] =	vst.idx.msk $0xffff, v6  }
0x334: {  	v5 =	vadd.f32 v12, v5;
	v12 =	vsub.f32 v43, v47;
	v57 =	vor.u32 v34, v25;
	v17 =	vld [tilespmem:s17+$0xFFFFFFD0]  }
0x335: {  	v58 =	vadd.f32 v55, v50;
	v3 =	vsub.f32 v42, v46;
	[tilespmem:v4+s5+$0x0] =	vst.idx.msk $0xffff, v15;
	v20 =	vld [tilespmem:s4+$0xFFFFFFD0]  }
0x336: {  	v59 =	vsub.f32 v50, v55;
	v55 =	vadd.f32 v56, v51;
	v1 =	vld [tilespmem:s14+$0xFFFFFFD0];
	[tilespmem:v7+s5+$0x0] =	vst.idx.msk $0xffff, v5  }
0x337: {  	v6 =	vadd.f32 v46, v42;
	v60 =	vsub.f32 v51, v56;
	v5 =	vld [tilespmem:s15+$0xFFFFFFD0];
	[tilespmem:v36+s5+$0x0] =	vst.idx.msk $0xffff, v3  }
0x338: {  	s10 =	sadd.s32 $0x4, s10;
	v21 =	vld [tilespmem:$0x1FDD0];
	[tilespmem:v8+s5+$0x0] =	vst.idx.msk $0xffff, v9;
	v7 =	vsub.f32 v16, v13;
	v8 =	vadd.f32 v13, v16  }
0x339: {  	p2 =	slt.u32 s10, $0x2C;
	[tilespmem:v37+s5+$0x0] =	vst.idx.msk $0xffff, v12;
	v12 =	vld [tilespmem:$0x1FDF0];
	v4 =	vadd.f32 v11, v14;
	v50 =	vor.u32 v2, v54  }
.Ltmp0:
0x33a: {  	v51 =	vld [tilespmem:s17+$0x50];
	v54 =	vor.u32 v29, v0;
	v2 =	vsub.f32 v14, v11;
	v49 =	vmul.f32 $5.000000000e-01, v7;
	(pc) =	sbr.rel @p2 .LBB2_3-.Ltmp0, $4  }
0x33b: {  	v56 =	vld [tilespmem:s4+$0x50];
	v48 =	vmul.f32 $5.000000000e-01, v8;
	v0 =	vor.u32 v41, v0;
	v44 =	vmul.f32 $5.000000000e-01, v4  }
0x33c: {  	v36 =	vmovc v19;
	v53 =	vld [tilespmem:s14+$0x50];
	v45 =	vmul.f32 $5.000000000e-01, v2;
	v4 =	vsub.f32 v17, v1;
	v61 =	vadd.f32 v1, v17  }
0x33d: {  	v37 =	vmovc v10;
	v11 =	vld [tilespmem:$0x1FDE0];
	v2 =	vor.u32 v31, v25;
	v46 =	vsub.f32 v20, v5;
	v47 =	vadd.f32 v5, v20  }
0x33e: {  	s17 =	sadd.s32 $0x200, s17;
	[tilespmem:v39+s5+$0x0] =	vst.idx.msk $0xffff, v6;
	v39 =	vmovc v18;
	v1 =	vld [tilespmem:s15+$0x50];
	v3 =	vsub.f32 v45, v49;
	v42 =	vmul.f32 $5.000000000e-01, v4;
	v43 =	vmul.f32 $5.000000000e-01, v61  }
0x33f: {  	_ =	sdelay $0x3  }
0x340: {  	[tilespmem:v30+s5+$0x0] =	vst.idx.msk $0xffff, v52  }
0x341: {  	[tilespmem:v32+s5+$0x0] =	vst.idx.msk $0xffff, v59  }
0x342: {  	[tilespmem:v2+s5+$0x0] =	vst.idx.msk $0xffff, v3  }
0x343: {  	v4 =	vsub.f32 v44, v48;
	v52 =	vmul.f32 $5.000000000e-01, v46;
	[tilespmem:v35+s5+$0x0] =	vst.idx.msk $0xffff, v60  }
0x344: {  	v41 =	vor.u32 v12, v25;
	v6 =	vadd.f32 v49, v45;
	v7 =	vmul.f32 $5.000000000e-01, v47;
	[tilespmem:v40+s5+$0x0] =	vst.idx.msk $0xffff, v58  }
0x345: {  	v34 =	vor.u32 v11, v25;
	[tilespmem:v38+s5+$0x0] =	vst.idx.msk $0xffff, v55;
	v55 =	vsub.f32 v42, v52  }
0x346: {  	[tilespmem:v57+s5+$0x0] =	vst.idx.msk $0xffff, v4;
	v5 =	vsub.f32 v51, v53;
	v57 =	vsub.f32 v43, v7  }
0x347: {  	v4 =	vadd.f32 v52, v42;
	v10 =	vsub.f32 v56, v1;
	[tilespmem:v36+s5+$0x0] =	vst.idx.msk $0xffff, v55  }
0x348: {  	v8 =	vadd.f32 v53, v51;
	v56 =	vadd.f32 v1, v56;
	[tilespmem:v37+s5+$0x0] =	vst.idx.msk $0xffff, v57  }
0x349: {  	v7 =	vadd.f32 v7, v43;
	v5 =	vmul.f32 $5.000000000e-01, v5;
	v58 =	vmul.f32 $5.000000000e-01, v10;
	[tilespmem:v39+s5+$0x0] =	vst.idx.msk $0xffff, v4  }
0x34a: {  	v9 =	vadd.f32 v48, v44;
	v59 =	vmul.f32 $5.000000000e-01, v8;
	v1 =	vmul.f32 $5.000000000e-01, v56;
	[tilespmem:v34+s5+$0x0] =	vst.idx.msk $0xffff, v6  }
0x34b: {  	v60 =	vsub.f32 v5, v58;
	[tilespmem:v50+s5+$0x0] =	vst.idx.msk $0xffff, v7  }
0x34c: {  	v61 =	vsub.f32 v59, v1;
	[tilespmem:v41+s5+$0x0] =	vst.idx.msk $0xffff, v9  }
0x34d: {  	v5 =	vadd.f32 v58, v5;
	[tilespmem:v54+s5+$0x0] =	vst.idx.msk $0xffff, v60  }
0x34e: {  	p0 =	por p1, p0;
	v1 =	vadd.f32 v1, v59;
	[tilespmem:v63+s5+$0x0] =	vst.idx.msk $0xffff, v61  }
0x34f: {  	s0 =	smul.u32 @p0 $0xC000, s9;
	[tilespmem:v62+s5+$0x0] =	vst.idx.msk $0xffff, v5  }
0x350: {  	s1 =	smul.u32 @p0 $0x6000, s30;
	[tilespmem:v0+s5+$0x0] =	vst.idx.msk $0xffff, v1  }
0x351: {  	_ =	strace $0x90000051  }
0x352: {  	s0 =	sadd.s32 @p0 s1, s0;
	_ =	strace @p0 $0x80000052  }
0x353: {  	p1 =	seq.s32 s28, $0x0;
	s0 =	sshrl.u32 @p0 s0, $0x3;
	s4 =	rddreg [dreg:$0x4]  }
0x354: {  	s1 =	sadd.s32 @p0 $0x9, s31;
	s0 =	sadd.s32 @p0 s4, s0;
	s4 =	simm.s32 @p0 $0x0  }
0x355: {  	[hbm4b:s0+s4] =	stream.linear.scatter @p0 [tilespmem:s5], [sflag:s1], $0x6000, $0x200038;
	[tilespmem:$0x18000] =	vst v63  }
0x356: {  	s0 =	sand.u32 @!p1 $0x1, s19;
	_ =	strace @p0 $0x90000052  }
0x357: {  	s0 =	sadd.s32 @!p1 $0x9, s0;
	_ =	strace @!p1 $0x80000053  }
0x358: {  	_ =	swait.ge @!p1 [sflag:s0], $0x6000  }
0x359: {  	[sflag:s0] =	ssyncset.done @!p1 $0x0  }
0x35a: {  	[sflag:s0] =	ssyncadd.s32 @!p1 $0xFFFFA000  }
0x35b: {  	_ =	strace @!p1 $0x90000053  }
0x35c: {  	v52 =	vld [tilespmem:$0x1FFC0]  }
0x35d: {  	v51 =	vld [tilespmem:$0x1FFD0]  }
0x35e: {  	v53 =	vld [tilespmem:$0x1FFE0]  }
0x35f: {  	v57 =	vld [tilespmem:$0x1FFF0]  }
0x360: {  	v37 =	vld [tilespmem:$0x1FE80]  }
0x361: {  	v39 =	vld [tilespmem:$0x1FE90]  }
0x362: {  	v42 =	vld [tilespmem:$0x1FEA0]  }
0x363: {  	v43 =	vld [tilespmem:$0x1FEB0]  }
0x364: {  	v44 =	vld [tilespmem:$0x1FEC0]  }
0x365: {  	v45 =	vld [tilespmem:$0x1FED0]  }
0x366: {  	v46 =	vld [tilespmem:$0x1FEE0]  }
0x367: {  	v47 =	vld [tilespmem:$0x1FEF0]  }
0x368: {  	v48 =	vld [tilespmem:$0x1FF00]  }
0x369: {  	v32 =	vld [tilespmem:$0x1FE00]  }
0x36a: {  	v33 =	vld [tilespmem:$0x1FE10]  }
0x36b: {  	s1 =	simm.s32 $0x1;
	v34 =	vld [tilespmem:$0x1FE20]  }
0x36c: {  	s1 =	simm.s32 @!p0 $0x0;
	v35 =	vld [tilespmem:$0x1FE30]  }
0x36d: {  	p0 =	sne.s32 s28, $0x0;
	s28 =	sadd.s32 $0x1, s28;
	s0 =	simm.s32 $0x1;
	v36 =	vld [tilespmem:$0x1FE40]  }
0x36e: {  	s0 =	simm.s32 @!p0 $0x0;
	p0 =	sne.s32 s28, $0x60;
	v38 =	vld [tilespmem:$0x1FE50]  }
.Ltmp1:
0x36f: {  	v40 =	vld [tilespmem:$0x1FE60];
	(pc) =	sbr.rel @p0 .LBB2_2-.Ltmp1, $4  }
0x370: {  	v41 =	vld [tilespmem:$0x1FE70]  }
0x371: {  	s23 =	sadd.s32 s23, s7;
	s30 =	smov.u32 s29;
	v49 =	vld [tilespmem:$0x1FF70]  }
0x372: {  	s21 =	sadd.s32 s1, s21;
	s26 =	sadd.s32 s1, s26;
	s25 =	sadd.s32 s1, s25;
	v55 =	vld [tilespmem:$0x1FF80]  }
0x373: {  	s24 =	sadd.s32 s1, s24;
	s22 =	sadd.s32 s1, s22;
	s19 =	sadd.s32 s0, s19;
	v56 =	vld [tilespmem:$0x1FF90]  }
0x374: {  	_ =	strace $0x80000054;
	s0 =	simm.s32 $0xA  }
0x375: {  	_ =	swait.ge [sflag:s0], $0x6000  }
0x376: {  	s1 =	rddreg [dreg:$0xb]  }
0x377: {  	s31 =	rddreg [dreg:$0xa];
	s1 =	sadd.s32 $0x1, s1  }
0x378: {  	p0 =	sne.s32 s1, s31  }
.Ltmp2:
0x379: {  	_ = 	snop;
	(pc) =	sbr.rel @p0 .LBB2_1-.Ltmp2, $4  }
0x37a: {  	_ = 	snop  }
0x37b: {  	[sflag:s0] =	ssyncset.done $0x0  }
0x37c: {  	[sflag:s0] =	ssyncadd.s32 $0xFFFFA000  }
0x37d: {  	_ =	strace $0x90000054  }
0x37e: {  	_ =	sfence.sel $0x180000  }
0x37f: {  	[bflag:$0x0] =	sbarrier.arrive $0xFFFF  }
0x380: {  	_ =	strace $0x90000047  }
0x381: {  	s0 =	stileid.u32;
	[bflag:$0x2] =	sbarrier.arrive $0xFFFF  }
0x382: {  	p0 =	sne.s32 s0, $0x0;
	s0 =	rddreg [dreg:$0x5]  }
0x383: {  	s0 =	sadd.s32 @!p0 $0x100000, s0  }
0x384: {  	[sflag:s0] =	ssyncadd.tile.s32 @!p0 $0x1;
	_ =	shalt  }
.Lfunc_end2:
_tile_overlayer_lowered:
.L_overlay_start_2:
0x385: {  	(tag) =	ssettag $0x2  }
0x386: {  	s0 =	rddreg [dreg:$0x0];
	s2 =	stileid.u32  }
0x387: {  	s1 =	rddreg [dreg:$0x1];
	p0 =	sne.s32 s2, $0x0  }
0x388: {  	s3 =	rddreg [dreg:$0x2];
	[bflag:$0x3] =	sbarrier.arrive $0xFFFF;
	s2 =	simm.s32 @!p0 $0x1C01  }
0x389: {  	[timem:s3], [sflag:s2] =	dma.local @!p0 [hbm:s0], s1  }
0x38a: {  	s0 =	simm.s32 @!p0 $0x1  }
0x38b: {  	_ =	swait.ge @!p0 [sflag:s0], s1  }
0x38c: {  	s1 =	ssub.s32 @!p0 $0x0, s1;
	[sflag:s0] =	ssyncset.done @!p0 $0x0  }
0x38d: {  	[sflag:s0] =	ssyncadd.s32 @!p0 s1  }
0x38e: {  	[bflag:$0x3] =	sbarrier.arrive $0xFFFF  }
0x38f: {  	_ =	shalt  }

</sc_bundles>
